<compile_context>
chip_gen: v7x
topology: tpu7x:2x2x1
jax: 0.10.2.dev20260603
libtpu: 0.0.44.dev20260713+nightly
codegen_flags: <defaults>
</compile_context>

<pallas_src>
import jax
import jax.numpy as jnp
from jax import lax
from jax.experimental import pallas as pl
from jax.experimental.pallas import tpu as pltpu
from jax.experimental.pallas import tpu_sc as plsc

BATCH = 16384
D = 64
NUM_CORES = 2
NUM_SUBCORES = 16
NW = NUM_CORES * NUM_SUBCORES
B_PER_W = BATCH // NW
RING = 8
LANES = 128


def _emb_body(idx_hbm, table_t_hbm, out_hbm, idx_v, slabs_v, rows_t_v, li_ring,
              *sems):
    wid = lax.axis_index("s") * NUM_CORES + lax.axis_index("c")
    base = wid * B_PER_W
    pltpu.sync_copy(idx_hbm.at[pl.ds(base, B_PER_W)], idx_v)

    def extract(s, k):
        li = li_ring[s]
        col_ids = jnp.full((16,), li, dtype=jnp.int32)
        dst_cols = jnp.full((16,), 0, dtype=jnp.int32) + k
        for j4 in range(4):
            row_ids = lax.iota(jnp.int32, 16) + j4 * 16
            v = plsc.load_gather(slabs_v.at[s], [row_ids, col_ids])
            plsc.store_scatter(rows_t_v, [row_ids, dst_cols], v)

    def fire(s, i):
        ti = lax.shift_right_logical(i, 7)
        li = lax.bitwise_and(i, 127)
        off = pl.multiple_of(ti * LANES, LANES)
        pltpu.async_copy(
            table_t_hbm.at[:, pl.ds(off, LANES)], slabs_v.at[s], sems[s]
        )
        li_ring[s] = li

    def drain(s):
        pltpu.make_async_copy(
            table_t_hbm.at[:, pl.ds(0, LANES)], slabs_v.at[s], sems[s]
        ).wait()

    def group(g, carry):
        vec = idx_v[pl.ds(g * 16, 16)]
        for lane in range(16):
            k = g * 16 + lane
            s = lane % RING
            first_pass = (g == 0) & (lane < RING)

            @pl.when(jnp.logical_not(first_pass))
            def _():
                drain(s)
                extract(s, k - RING)

            fire(s, vec[lane])
        return carry

    lax.fori_loop(0, B_PER_W // 16, group, 0)
    for lane in range(16 - RING, 16):
        s = lane % RING
        drain(s)
        extract(s, (B_PER_W // 16 - 1) * 16 + lane)
    obase = pl.multiple_of(base, LANES)
    pltpu.sync_copy(rows_t_v, out_hbm.at[:, pl.ds(obase, B_PER_W)])


@jax.jit
def kernel(mapper_id, emb_table):
    idx = mapper_id.astype(jnp.int32)
    run = pl.kernel(
        _emb_body,
        out_type=jax.ShapeDtypeStruct((D, BATCH), jnp.float32),
        mesh=plsc.VectorSubcoreMesh(core_axis_name="c", subcore_axis_name="s"),
        scratch_types=[
            pltpu.VMEM((B_PER_W,), jnp.int32),
            pltpu.VMEM((RING, D, LANES), jnp.float32),
            pltpu.VMEM((D, B_PER_W), jnp.float32),
            pltpu.SMEM((RING,), jnp.int32),
        ]
        + [pltpu.SemaphoreType.DMA] * RING,
        compiler_params=pltpu.CompilerParams(needs_layout_passes=False),
    )
    return run(idx, emb_table.T).T

# --- scband reference (transcript-rebuilt; emitter-appended) ---
"""Pipeline reference for scband-mapper-embedder-7181185319360 (READ-ONLY COPY).

The authoritative reference and input builder live on the scoring server;
editing this copy changes nothing except your own understanding.
"""

import jax, jax.numpy as jnp
import numpy as np

NUM_MAPPERS = 1000000
D_MODEL = 64
BATCH = 16384


def setup_inputs(seed: int = 0) -> dict:
    key = jax.random.key(seed)
    k1, k2 = jax.random.split(key)
    mapper_id = jax.random.randint(k1, (BATCH,), 0, NUM_MAPPERS + 1, dtype=jnp.int64) if jax.config.jax_enable_x64 else jax.random.randint(k1, (BATCH,), 0, NUM_MAPPERS + 1, dtype=jnp.int32)
    emb_table = jax.random.normal(k2, (NUM_MAPPERS + 1, D_MODEL), dtype=jnp.float32)
    return {"mapper_id": mapper_id, "emb_table": emb_table}


def reference(mapper_id, emb_table):
    # nn.Embedding forward: table lookup (gather along axis 0)
    return jnp.take(emb_table, mapper_id, axis=0)

if __name__ == "__main__":
    import jax
    _d = setup_inputs()
    print(jax.jit(kernel)(*tuple(_d.values())))

</pallas_src>

<mosaic_0001>
#map = affine_map<(d0, d1) -> (0)>
#map1 = affine_map<(d0, d1) -> (0, 0)>
module attributes {stable_mosaic.version = 14 : i64} {
  func.func @_emb_body(%arg0: i32, %arg1: i32, %arg2: memref<16384xi32, #tpu.memory_space<hbm>>, %arg3: memref<64x1000001xf32, #tpu.memory_space<hbm>>, %arg4: memref<64x16384xf32, #tpu.memory_space<hbm>>, %arg5: memref<512xi32, #tpu.memory_space<vmem>>, %arg6: memref<8x64x128xf32, #tpu.memory_space<vmem>>, %arg7: memref<64x512xf32, #tpu.memory_space<vmem>>, %arg8: memref<8xi32, #tpu.memory_space<smem>>, %arg9: memref<!tpu.dma_semaphore, #tpu.memory_space<semaphore_mem>>, %arg10: memref<!tpu.dma_semaphore, #tpu.memory_space<semaphore_mem>>, %arg11: memref<!tpu.dma_semaphore, #tpu.memory_space<semaphore_mem>>, %arg12: memref<!tpu.dma_semaphore, #tpu.memory_space<semaphore_mem>>, %arg13: memref<!tpu.dma_semaphore, #tpu.memory_space<semaphore_mem>>, %arg14: memref<!tpu.dma_semaphore, #tpu.memory_space<semaphore_mem>>, %arg15: memref<!tpu.dma_semaphore, #tpu.memory_space<semaphore_mem>>, %arg16: memref<!tpu.dma_semaphore, #tpu.memory_space<semaphore_mem>>) attributes {dimension_semantics = [#tpu.dimension_semantics<core_parallel>, #tpu.dimension_semantics<subcore_parallel>], iteration_bounds = array<i64: 2, 16>, scalar_prefetch = 0 : i64, scratch_operands = 12 : i64, tpu.core_type = #tpu.core_type<sc_vector_subcore>, window_params = [{transform_indices = #map}, {transform_indices = #map1}, {transform_indices = #map1}]} {
    %mul3A = arith.constant 2 : i32
    %mul3A_0 = arith.muli %arg1, %mul3A : i32
    %add3A = arith.addi %mul3A_0, %arg0 : i32
    %mul3A_1 = arith.constant 512 : i32
    %mul3A_2 = arith.muli %add3A, %mul3A_1 : i32
    "tpu.region"() ({
      %run_scoped3A = tpu.sem_alloc : memref<!tpu.dma_semaphore, #tpu.memory_space<semaphore_mem>>
      %dma_start3A = tpu.memref_slice %arg2[%mul3A_2] : memref<16384xi32, #tpu.memory_space<hbm>> -> memref<512xi32, #tpu.memory_space<hbm>>
      %dma_start3A_515 = tpu.memref_slice %arg2[%mul3A_2] : memref<16384xi32, #tpu.memory_space<hbm>> -> memref<512xi32, #tpu.memory_space<hbm>>
      tpu.enqueue_dma source(%dma_start3A_515 : memref<512xi32, #tpu.memory_space<hbm>>) target(%arg5 : memref<512xi32, #tpu.memory_space<vmem>>) target_semaphore(%run_scoped3A : memref<!tpu.dma_semaphore, #tpu.memory_space<semaphore_mem>>)
      %dma_wait3A_516 = tpu.memref_slice %arg2[%mul3A_2] : memref<16384xi32, #tpu.memory_space<hbm>> -> memref<512xi32, #tpu.memory_space<hbm>>
      %dma_wait3A_517 = tpu.memref_slice %arg2[%mul3A_2] : memref<16384xi32, #tpu.memory_space<hbm>> -> memref<512xi32, #tpu.memory_space<hbm>>
      tpu.wait_dma2 semaphore(%run_scoped3A : memref<!tpu.dma_semaphore, #tpu.memory_space<semaphore_mem>>) src(%dma_wait3A_517 : memref<512xi32, #tpu.memory_space<hbm>>) dst(%arg5 : memref<512xi32, #tpu.memory_space<vmem>>)
      tpu.yield
    }) : () -> ()
    %scan3A = arith.constant 0 : i32
    %scan3A_3 = arith.constant 0 : i32
    %scan3A_4 = arith.constant 32 : i32
    %scan3A_5 = arith.addi %scan3A_3, %scan3A_4 : i32
    %scan3A_6 = arith.constant 1 : i32
    scf.for %scan3A_515 = %scan3A_3 to %scan3A_5 step %scan3A_6  : i32 {
      %mul3A_516 = arith.constant 16 : i32
      %mul3A_517 = arith.muli %scan3A_515, %mul3A_516 : i32
      %get3A_518 = arith.index_cast %mul3A_517 : i32 to index
      %get3A_519 = tpu.vector_load %arg5[%get3A_518] {strides = array<i32>} : memref<512xi32, #tpu.memory_space<vmem>>, vector<16xi32>,
      %mul3A_520 = arith.constant 16 : i32
      %mul3A_521 = arith.muli %scan3A_515, %mul3A_520 : i32
      %add3A_522 = arith.constant 0 : i32
      %add3A_523 = arith.addi %mul3A_521, %add3A_522 : i32
      %eq3A = arith.constant 0 : i32
      %eq3A_524 = arith.cmpi eq, %scan3A_515, %eq3A : i32
      %and3A = arith.constant true
      %and3A_525 = arith.andi %eq3A_524, %and3A : i1
      %not3A = arith.constant true
      %not3A_526 = arith.xori %and3A_525, %not3A : i1
      %convert_element_type3A = arith.extui %not3A_526 : i1 to i32
      %cond3A = arith.constant 0 : i32
      %cond3A_527 = arith.cmpi ne, %convert_element_type3A, %cond3A : i32
      scf.if %cond3A_527 {
        %dma_wait3A_1118 = arith.constant 0 : i32
        %dma_wait3A_1119 = arith.constant 0 : i32
        %dma_wait3A_1120 = arith.constant 0 : i32
        %dma_wait3A_1121 = tpu.memref_slice %arg6[%dma_wait3A_1118, %dma_wait3A_1119, %dma_wait3A_1120] : memref<8x64x128xf32, #tpu.memory_space<vmem>> -> memref<1x64x128xf32, #tpu.memory_space<vmem>>
        %dma_wait3A_1122 = tpu.memref_squeeze %dma_wait3A_1121 : memref<1x64x128xf32, #tpu.memory_space<vmem>> -> memref<64x128xf32, #tpu.memory_space<vmem>>
        %dma_wait3A_1123 = arith.constant 0 : i32
        %dma_wait3A_1124 = arith.constant 0 : i32
        %dma_wait3A_1125 = tpu.memref_slice %arg3[%dma_wait3A_1123, %dma_wait3A_1124] : memref<64x1000001xf32, #tpu.memory_space<hbm>> -> memref<64x128xf32, #tpu.memory_space<hbm>>
        %dma_wait3A_1126 = arith.constant 0 : i32
        %dma_wait3A_1127 = arith.constant 0 : i32
        %dma_wait3A_1128 = tpu.memref_slice %arg6[%dma_wait3A_1118, %dma_wait3A_1126, %dma_wait3A_1127] : memref<8x64x128xf32, #tpu.memory_space<vmem>> -> memref<1x64x128xf32, #tpu.memory_space<vmem>>
        %dma_wait3A_1129 = tpu.memref_squeeze %dma_wait3A_1128 : memref<1x64x128xf32, #tpu.memory_space<vmem>> -> memref<64x128xf32, #tpu.memory_space<vmem>>
        %dma_wait3A_1130 = arith.constant 0 : i32
        %dma_wait3A_1131 = arith.constant 0 : i32
        %dma_wait3A_1132 = tpu.memref_slice %arg3[%dma_wait3A_1130, %dma_wait3A_1131] : memref<64x1000001xf32, #tpu.memory_space<hbm>> -> memref<64x128xf32, #tpu.memory_space<hbm>>
        tpu.wait_dma2 semaphore(%arg9 : memref<!tpu.dma_semaphore, #tpu.memory_space<semaphore_mem>>) src(%dma_wait3A_1132 : memref<64x128xf32, #tpu.memory_space<hbm>>) dst(%dma_wait3A_1129 : memref<64x128xf32, #tpu.memory_space<vmem>>)
        %sub3A = arith.constant 8 : i32
        %sub3A_1133 = arith.subi %add3A_523, %sub3A : i32
        %get3A_1134 = arith.constant 0 : i32
        %get3A_1135 = arith.index_cast %get3A_1134 : i32 to index
        %get3A_1136 = memref.load %arg8[%get3A_1135] : memref<8xi32, #tpu.memory_space<smem>>
        %broadcast_in_dim3A_1137 = vector.broadcast %get3A_1136 : i32 to vector<16xi32>
        %broadcast_in_dim3A_1138 = arith.constant 0 : i32
        %broadcast_in_dim3A_1139 = vector.broadcast %broadcast_in_dim3A_1138 : i32 to vector<16xi32>
        %add3A_1140 = vector.broadcast %sub3A_1133 : i32 to vector<16xi32>
        %add3A_1141 = arith.addi %broadcast_in_dim3A_1139, %add3A_1140 : vector<16xi32>
        %iota3A_1142 = tpu.iota {dimensions = array<i32: 0>} : vector<16xi32>
        %add3A_1143 = arith.constant 0 : i32
        %add3A_1144 = vector.broadcast %add3A_1143 : i32 to vector<16xi32>
        %add3A_1145 = arith.addi %iota3A_1142, %add3A_1144 : vector<16xi32>
        %gather3A_1146 = arith.constant 0 : i32
        %gather3A_1147 = arith.constant 0 : i32
        %gather3A_1148 = arith.constant 0 : i32
        %gather3A_1149 = tpu.memref_slice %arg6[%gather3A_1146, %gather3A_1147, %gather3A_1148] : memref<8x64x128xf32, #tpu.memory_space<vmem>> -> memref<1x64x128xf32, #tpu.memory_space<vmem>>
        %gather3A_1150 = tpu.memref_squeeze %gather3A_1149 : memref<1x64x128xf32, #tpu.memory_space<vmem>> -> memref<64x128xf32, #tpu.memory_space<vmem>>
        %gather3A_1151 = tpu.vector_load_idx %gather3A_1150[%add3A_1145, %broadcast_in_dim3A_1137] : memref<64x128xf32, #tpu.memory_space<vmem>>[vector<16xi32>, vector<16xi32>], vector<16xf32>,
        tpu.vector_store_idx %arg7[%add3A_1145, %add3A_1141], %gather3A_1151 : memref<64x512xf32, #tpu.memory_space<vmem>>[vector<16xi32>, vector<16xi32>], vector<16xf32>,
        %iota3A_1152 = tpu.iota {dimensions = array<i32: 0>} : vector<16xi32>
        %add3A_1153 = arith.constant 16 : i32
        %add3A_1154 = vector.broadcast %add3A_1153 : i32 to vector<16xi32>
        %add3A_1155 = arith.addi %iota3A_1152, %add3A_1154 : vector<16xi32>
        %gather3A_1156 = arith.constant 0 : i32
        %gather3A_1157 = arith.constant 0 : i32
        %gather3A_1158 = arith.constant 0 : i32
        %gather3A_1159 = tpu.memref_slice %arg6[%gather3A_1156, %gather3A_1157, %gather3A_1158] : memref<8x64x128xf32, #tpu.memory_space<vmem>> -> memref<1x64x128xf32, #tpu.memory_space<vmem>>
        %gather3A_1160 = tpu.memref_squeeze %gather3A_1159 : memref<1x64x128xf32, #tpu.memory_space<vmem>> -> memref<64x128xf32, #tpu.memory_space<vmem>>
        %gather3A_1161 = tpu.vector_load_idx %gather3A_1160[%add3A_1155, %broadcast_in_dim3A_1137] : memref<64x128xf32, #tpu.memory_space<vmem>>[vector<16xi32>, vector<16xi32>], vector<16xf32>,
        tpu.vector_store_idx %arg7[%add3A_1155, %add3A_1141], %gather3A_1161 : memref<64x512xf32, #tpu.memory_space<vmem>>[vector<16xi32>, vector<16xi32>], vector<16xf32>,
        %iota3A_1162 = tpu.iota {dimensions = array<i32: 0>} : vector<16xi32>
        %add3A_1163 = arith.constant 32 : i32
        %add3A_1164 = vector.broadcast %add3A_1163 : i32 to vector<16xi32>
        %add3A_1165 = arith.addi %iota3A_1162, %add3A_1164 : vector<16xi32>
        %gather3A_1166 = arith.constant 0 : i32
        %gather3A_1167 = arith.constant 0 : i32
        %gather3A_1168 = arith.constant 0 : i32
        %gather3A_1169 = tpu.memref_slice %arg6[%gather3A_1166, %gather3A_1167, %gather3A_1168] : memref<8x64x128xf32, #tpu.memory_space<vmem>> -> memref<1x64x128xf32, #tpu.memory_space<vmem>>
        %gather3A_1170 = tpu.memref_squeeze %gather3A_1169 : memref<1x64x128xf32, #tpu.memory_space<vmem>> -> memref<64x128xf32, #tpu.memory_space<vmem>>
        %gather3A_1171 = tpu.vector_load_idx %gather3A_1170[%add3A_1165, %broadcast_in_dim3A_1137] : memref<64x128xf32, #tpu.memory_space<vmem>>[vector<16xi32>, vector<16xi32>], vector<16xf32>,
        tpu.vector_store_idx %arg7[%add3A_1165, %add3A_1141], %gather3A_1171 : memref<64x512xf32, #tpu.memory_space<vmem>>[vector<16xi32>, vector<16xi32>], vector<16xf32>,
        %iota3A_1172 = tpu.iota {dimensions = array<i32: 0>} : vector<16xi32>
        %add3A_1173 = arith.constant 48 : i32
        %add3A_1174 = vector.broadcast %add3A_1173 : i32 to vector<16xi32>
        %add3A_1175 = arith.addi %iota3A_1172, %add3A_1174 : vector<16xi32>
        %gather3A_1176 = arith.constant 0 : i32
        %gather3A_1177 = arith.constant 0 : i32
        %gather3A_1178 = arith.constant 0 : i32
        %gather3A_1179 = tpu.memref_slice %arg6[%gather3A_1176, %gather3A_1177, %gather3A_1178] : memref<8x64x128xf32, #tpu.memory_space<vmem>> -> memref<1x64x128xf32, #tpu.memory_space<vmem>>
        %gather3A_1180 = tpu.memref_squeeze %gather3A_1179 : memref<1x64x128xf32, #tpu.memory_space<vmem>> -> memref<64x128xf32, #tpu.memory_space<vmem>>
        %gather3A_1181 = tpu.vector_load_idx %gather3A_1180[%add3A_1175, %broadcast_in_dim3A_1137] : memref<64x128xf32, #tpu.memory_space<vmem>>[vector<16xi32>, vector<16xi32>], vector<16xf32>,
        tpu.vector_store_idx %arg7[%add3A_1175, %add3A_1141], %gather3A_1181 : memref<64x512xf32, #tpu.memory_space<vmem>>[vector<16xi32>, vector<16xi32>], vector<16xf32>,
      } else {
      }
      %slice3A = vector.extract_strided_slice %get3A_519 {offsets = [0], sizes = [1], strides = [1]} : vector<16xi32> to vector<1xi32>
      %squeeze3A = vector.extract %slice3A[0] : i32 from vector<1xi32>
      %shift_right_logical3A = arith.constant 7 : i32
      %shift_right_logical3A_528 = arith.shrui %squeeze3A, %shift_right_logical3A : i32
      %and3A_529 = arith.constant 127 : i32
      %and3A_530 = arith.andi %squeeze3A, %and3A_529 : i32
      %mul3A_531 = arith.constant 128 : i32
      %mul3A_532 = arith.muli %shift_right_logical3A_528, %mul3A_531 : i32
      %multiple_of3A_533 = tpu.assume_multiple %mul3A_532, 128 : i32
      %dma_start3A = arith.constant 0 : i32
      %dma_start3A_534 = arith.constant 0 : i32
      %dma_start3A_535 = arith.constant 0 : i32
      %dma_start3A_536 = tpu.memref_slice %arg6[%dma_start3A, %dma_start3A_534, %dma_start3A_535] : memref<8x64x128xf32, #tpu.memory_space<vmem>> -> memref<1x64x128xf32, #tpu.memory_space<vmem>>
      %dma_start3A_537 = tpu.memref_squeeze %dma_start3A_536 : memref<1x64x128xf32, #tpu.memory_space<vmem>> -> memref<64x128xf32, #tpu.memory_space<vmem>>
      %dma_start3A_538 = arith.constant 0 : i32
      %dma_start3A_539 = tpu.memref_slice %arg3[%dma_start3A_538, %multiple_of3A_533] : memref<64x1000001xf32, #tpu.memory_space<hbm>> -> memref<64x128xf32, #tpu.memory_space<hbm>>
      %dma_start3A_540 = arith.constant 0 : i32
      %dma_start3A_541 = arith.constant 0 : i32
      %dma_start3A_542 = tpu.memref_slice %arg6[%dma_start3A, %dma_start3A_540, %dma_start3A_541] : memref<8x64x128xf32, #tpu.memory_space<vmem>> -> memref<1x64x128xf32, #tpu.memory_space<vmem>>
      %dma_start3A_543 = tpu.memref_squeeze %dma_start3A_542 : memref<1x64x128xf32, #tpu.memory_space<vmem>> -> memref<64x128xf32, #tpu.memory_space<vmem>>
      %dma_start3A_544 = arith.constant 0 : i32
      %dma_start3A_545 = tpu.memref_slice %arg3[%dma_start3A_544, %multiple_of3A_533] : memref<64x1000001xf32, #tpu.memory_space<hbm>> -> memref<64x128xf32, #tpu.memory_space<hbm>>
      tpu.enqueue_dma source(%dma_start3A_545 : memref<64x128xf32, #tpu.memory_space<hbm>>) target(%dma_start3A_543 : memref<64x128xf32, #tpu.memory_space<vmem>>) target_semaphore(%arg9 : memref<!tpu.dma_semaphore, #tpu.memory_space<semaphore_mem>>)
      %swap3A = arith.constant 0 : i32
      %swap3A_546 = arith.index_cast %swap3A : i32 to index
      %swap3A_547 = memref.load %arg8[%swap3A_546] : memref<8xi32, #tpu.memory_space<smem>>
      memref.store %and3A_530, %arg8[%swap3A_546] : memref<8xi32, #tpu.memory_space<smem>>
      %mul3A_548 = arith.constant 16 : i32
      %mul3A_549 = arith.muli %scan3A_515, %mul3A_548 : i32
      %add3A_550 = arith.constant 1 : i32
      %add3A_551 = arith.addi %mul3A_549, %add3A_550 : i32
      %eq3A_552 = arith.constant 0 : i32
      %eq3A_553 = arith.cmpi eq, %scan3A_515, %eq3A_552 : i32
      %and3A_554 = arith.constant true
      %and3A_555 = arith.andi %eq3A_553, %and3A_554 : i1
      %not3A_556 = arith.constant true
      %not3A_557 = arith.xori %and3A_555, %not3A_556 : i1
      %convert_element_type3A_558 = arith.extui %not3A_557 : i1 to i32
      %cond3A_559 = arith.constant 0 : i32
      %cond3A_560 = arith.cmpi ne, %convert_element_type3A_558, %cond3A_559 : i32
      scf.if %cond3A_560 {
        %dma_wait3A_1118 = arith.constant 1 : i32
        %dma_wait3A_1119 = arith.constant 0 : i32
        %dma_wait3A_1120 = arith.constant 0 : i32
        %dma_wait3A_1121 = tpu.memref_slice %arg6[%dma_wait3A_1118, %dma_wait3A_1119, %dma_wait3A_1120] : memref<8x64x128xf32, #tpu.memory_space<vmem>> -> memref<1x64x128xf32, #tpu.memory_space<vmem>>
        %dma_wait3A_1122 = tpu.memref_squeeze %dma_wait3A_1121 : memref<1x64x128xf32, #tpu.memory_space<vmem>> -> memref<64x128xf32, #tpu.memory_space<vmem>>
        %dma_wait3A_1123 = arith.constant 0 : i32
        %dma_wait3A_1124 = arith.constant 0 : i32
        %dma_wait3A_1125 = tpu.memref_slice %arg3[%dma_wait3A_1123, %dma_wait3A_1124] : memref<64x1000001xf32, #tpu.memory_space<hbm>> -> memref<64x128xf32, #tpu.memory_space<hbm>>
        %dma_wait3A_1126 = arith.constant 0 : i32
        %dma_wait3A_1127 = arith.constant 0 : i32
        %dma_wait3A_1128 = tpu.memref_slice %arg6[%dma_wait3A_1118, %dma_wait3A_1126, %dma_wait3A_1127] : memref<8x64x128xf32, #tpu.memory_space<vmem>> -> memref<1x64x128xf32, #tpu.memory_space<vmem>>
        %dma_wait3A_1129 = tpu.memref_squeeze %dma_wait3A_1128 : memref<1x64x128xf32, #tpu.memory_space<vmem>> -> memref<64x128xf32, #tpu.memory_space<vmem>>
        %dma_wait3A_1130 = arith.constant 0 : i32
        %dma_wait3A_1131 = arith.constant 0 : i32
        %dma_wait3A_1132 = tpu.memref_slice %arg3[%dma_wait3A_1130, %dma_wait3A_1131] : memref<64x1000001xf32, #tpu.memory_space<hbm>> -> memref<64x128xf32, #tpu.memory_space<hbm>>
        tpu.wait_dma2 semaphore(%arg10 : memref<!tpu.dma_semaphore, #tpu.memory_space<semaphore_mem>>) src(%dma_wait3A_1132 : memref<64x128xf32, #tpu.memory_space<hbm>>) dst(%dma_wait3A_1129 : memref<64x128xf32, #tpu.memory_space<vmem>>)
        %sub3A = arith.constant 8 : i32
        %sub3A_1133 = arith.subi %add3A_551, %sub3A : i32
        %get3A_1134 = arith.constant 1 : i32
        %get3A_1135 = arith.index_cast %get3A_1134 : i32 to index
        %get3A_1136 = memref.load %arg8[%get3A_1135] : memref<8xi32, #tpu.memory_space<smem>>
        %broadcast_in_dim3A_1137 = vector.broadcast %get3A_1136 : i32 to vector<16xi32>
        %broadcast_in_dim3A_1138 = arith.constant 0 : i32
        %broadcast_in_dim3A_1139 = vector.broadcast %broadcast_in_dim3A_1138 : i32 to vector<16xi32>
        %add3A_1140 = vector.broadcast %sub3A_1133 : i32 to vector<16xi32>
        %add3A_1141 = arith.addi %broadcast_in_dim3A_1139, %add3A_1140 : vector<16xi32>
        %iota3A_1142 = tpu.iota {dimensions = array<i32: 0>} : vector<16xi32>
        %add3A_1143 = arith.constant 0 : i32
        %add3A_1144 = vector.broadcast %add3A_1143 : i32 to vector<16xi32>
        %add3A_1145 = arith.addi %iota3A_1142, %add3A_1144 : vector<16xi32>
        %gather3A_1146 = arith.constant 1 : i32
        %gather3A_1147 = arith.constant 0 : i32
        %gather3A_1148 = arith.constant 0 : i32
        %gather3A_1149 = tpu.memref_slice %arg6[%gather3A_1146, %gather3A_1147, %gather3A_1148] : memref<8x64x128xf32, #tpu.memory_space<vmem>> -> memref<1x64x128xf32, #tpu.memory_space<vmem>>
        %gather3A_1150 = tpu.memref_squeeze %gather3A_1149 : memref<1x64x128xf32, #tpu.memory_space<vmem>> -> memref<64x128xf32, #tpu.memory_space<vmem>>
        %gather3A_1151 = tpu.vector_load_idx %gather3A_1150[%add3A_1145, %broadcast_in_dim3A_1137] : memref<64x128xf32, #tpu.memory_space<vmem>>[vector<16xi32>, vector<16xi32>], vector<16xf32>,
        tpu.vector_store_idx %arg7[%add3A_1145, %add3A_1141], %gather3A_1151 : memref<64x512xf32, #tpu.memory_space<vmem>>[vector<16xi32>, vector<16xi32>], vector<16xf32>,
        %iota3A_1152 = tpu.iota {dimensions = array<i32: 0>} : vector<16xi32>
        %add3A_1153 = arith.constant 16 : i32
        %add3A_1154 = vector.broadcast %add3A_1153 : i32 to vector<16xi32>
        %add3A_1155 = arith.addi %iota3A_1152, %add3A_1154 : vector<16xi32>
        %gather3A_1156 = arith.constant 1 : i32
        %gather3A_1157 = arith.constant 0 : i32
        %gather3A_1158 = arith.constant 0 : i32
        %gather3A_1159 = tpu.memref_slice %arg6[%gather3A_1156, %gather3A_1157, %gather3A_1158] : memref<8x64x128xf32, #tpu.memory_space<vmem>> -> memref<1x64x128xf32, #tpu.memory_space<vmem>>
        %gather3A_1160 = tpu.memref_squeeze %gather3A_1159 : memref<1x64x128xf32, #tpu.memory_space<vmem>> -> memref<64x128xf32, #tpu.memory_space<vmem>>
        %gather3A_1161 = tpu.vector_load_idx %gather3A_1160[%add3A_1155, %broadcast_in_dim3A_1137] : memref<64x128xf32, #tpu.memory_space<vmem>>[vector<16xi32>, vector<16xi32>], vector<16xf32>,
        tpu.vector_store_idx %arg7[%add3A_1155, %add3A_1141], %gather3A_1161 : memref<64x512xf32, #tpu.memory_space<vmem>>[vector<16xi32>, vector<16xi32>], vector<16xf32>,
        %iota3A_1162 = tpu.iota {dimensions = array<i32: 0>} : vector<16xi32>
        %add3A_1163 = arith.constant 32 : i32
        %add3A_1164 = vector.broadcast %add3A_1163 : i32 to vector<16xi32>
        %add3A_1165 = arith.addi %iota3A_1162, %add3A_1164 : vector<16xi32>
        %gather3A_1166 = arith.constant 1 : i32
        %gather3A_1167 = arith.constant 0 : i32
        %gather3A_1168 = arith.constant 0 : i32
        %gather3A_1169 = tpu.memref_slice %arg6[%gather3A_1166, %gather3A_1167, %gather3A_1168] : memref<8x64x128xf32, #tpu.memory_space<vmem>> -> memref<1x64x128xf32, #tpu.memory_space<vmem>>
        %gather3A_1170 = tpu.memref_squeeze %gather3A_1169 : memref<1x64x128xf32, #tpu.memory_space<vmem>> -> memref<64x128xf32, #tpu.memory_space<vmem>>
        %gather3A_1171 = tpu.vector_load_idx %gather3A_1170[%add3A_1165, %broadcast_in_dim3A_1137] : memref<64x128xf32, #tpu.memory_space<vmem>>[vector<16xi32>, vector<16xi32>], vector<16xf32>,
        tpu.vector_store_idx %arg7[%add3A_1165, %add3A_1141], %gather3A_1171 : memref<64x512xf32, #tpu.memory_space<vmem>>[vector<16xi32>, vector<16xi32>], vector<16xf32>,
        %iota3A_1172 = tpu.iota {dimensions = array<i32: 0>} : vector<16xi32>
        %add3A_1173 = arith.constant 48 : i32
        %add3A_1174 = vector.broadcast %add3A_1173 : i32 to vector<16xi32>
        %add3A_1175 = arith.addi %iota3A_1172, %add3A_1174 : vector<16xi32>
        %gather3A_1176 = arith.constant 1 : i32
        %gather3A_1177 = arith.constant 0 : i32
        %gather3A_1178 = arith.constant 0 : i32
        %gather3A_1179 = tpu.memref_slice %arg6[%gather3A_1176, %gather3A_1177, %gather3A_1178] : memref<8x64x128xf32, #tpu.memory_space<vmem>> -> memref<1x64x128xf32, #tpu.memory_space<vmem>>
        %gather3A_1180 = tpu.memref_squeeze %gather3A_1179 : memref<1x64x128xf32, #tpu.memory_space<vmem>> -> memref<64x128xf32, #tpu.memory_space<vmem>>
        %gather3A_1181 = tpu.vector_load_idx %gather3A_1180[%add3A_1175, %broadcast_in_dim3A_1137] : memref<64x128xf32, #tpu.memory_space<vmem>>[vector<16xi32>, vector<16xi32>], vector<16xf32>,
        tpu.vector_store_idx %arg7[%add3A_1175, %add3A_1141], %gather3A_1181 : memref<64x512xf32, #tpu.memory_space<vmem>>[vector<16xi32>, vector<16xi32>], vector<16xf32>,
      } else {
      }
      %slice3A_561 = vector.extract_strided_slice %get3A_519 {offsets = [1], sizes = [1], strides = [1]} : vector<16xi32> to vector<1xi32>
      %squeeze3A_562 = vector.extract %slice3A_561[0] : i32 from vector<1xi32>
      %shift_right_logical3A_563 = arith.constant 7 : i32
      %shift_right_logical3A_564 = arith.shrui %squeeze3A_562, %shift_right_logical3A_563 : i32
      %and3A_565 = arith.constant 127 : i32
      %and3A_566 = arith.andi %squeeze3A_562, %and3A_565 : i32
      %mul3A_567 = arith.constant 128 : i32
      %mul3A_568 = arith.muli %shift_right_logical3A_564, %mul3A_567 : i32
      %multiple_of3A_569 = tpu.assume_multiple %mul3A_568, 128 : i32
      %dma_start3A_570 = arith.constant 1 : i32
      %dma_start3A_571 = arith.constant 0 : i32
      %dma_start3A_572 = arith.constant 0 : i32
      %dma_start3A_573 = tpu.memref_slice %arg6[%dma_start3A_570, %dma_start3A_571, %dma_start3A_572] : memref<8x64x128xf32, #tpu.memory_space<vmem>> -> memref<1x64x128xf32, #tpu.memory_space<vmem>>
      %dma_start3A_574 = tpu.memref_squeeze %dma_start3A_573 : memref<1x64x128xf32, #tpu.memory_space<vmem>> -> memref<64x128xf32, #tpu.memory_space<vmem>>
      %dma_start3A_575 = arith.constant 0 : i32
      %dma_start3A_576 = tpu.memref_slice %arg3[%dma_start3A_575, %multiple_of3A_569] : memref<64x1000001xf32, #tpu.memory_space<hbm>> -> memref<64x128xf32, #tpu.memory_space<hbm>>
      %dma_start3A_577 = arith.constant 0 : i32
      %dma_start3A_578 = arith.constant 0 : i32
      %dma_start3A_579 = tpu.memref_slice %arg6[%dma_start3A_570, %dma_start3A_577, %dma_start3A_578] : memref<8x64x128xf32, #tpu.memory_space<vmem>> -> memref<1x64x128xf32, #tpu.memory_space<vmem>>
      %dma_start3A_580 = tpu.memref_squeeze %dma_start3A_579 : memref<1x64x128xf32, #tpu.memory_space<vmem>> -> memref<64x128xf32, #tpu.memory_space<vmem>>
      %dma_start3A_581 = arith.constant 0 : i32
      %dma_start3A_582 = tpu.memref_slice %arg3[%dma_start3A_581, %multiple_of3A_569] : memref<64x1000001xf32, #tpu.memory_space<hbm>> -> memref<64x128xf32, #tpu.memory_space<hbm>>
      tpu.enqueue_dma source(%dma_start3A_582 : memref<64x128xf32, #tpu.memory_space<hbm>>) target(%dma_start3A_580 : memref<64x128xf32, #tpu.memory_space<vmem>>) target_semaphore(%arg10 : memref<!tpu.dma_semaphore, #tpu.memory_space<semaphore_mem>>)
      %swap3A_583 = arith.constant 1 : i32
      %swap3A_584 = arith.index_cast %swap3A_583 : i32 to index
      %swap3A_585 = memref.load %arg8[%swap3A_584] : memref<8xi32, #tpu.memory_space<smem>>
      memref.store %and3A_566, %arg8[%swap3A_584] : memref<8xi32, #tpu.memory_space<smem>>
      %mul3A_586 = arith.constant 16 : i32
      %mul3A_587 = arith.muli %scan3A_515, %mul3A_586 : i32
      %add3A_588 = arith.constant 2 : i32
      %add3A_589 = arith.addi %mul3A_587, %add3A_588 : i32
      %eq3A_590 = arith.constant 0 : i32
      %eq3A_591 = arith.cmpi eq, %scan3A_515, %eq3A_590 : i32
      %and3A_592 = arith.constant true
      %and3A_593 = arith.andi %eq3A_591, %and3A_592 : i1
      %not3A_594 = arith.constant true
      %not3A_595 = arith.xori %and3A_593, %not3A_594 : i1
      %convert_element_type3A_596 = arith.extui %not3A_595 : i1 to i32
      %cond3A_597 = arith.constant 0 : i32
      %cond3A_598 = arith.cmpi ne, %convert_element_type3A_596, %cond3A_597 : i32
      scf.if %cond3A_598 {
        %dma_wait3A_1118 = arith.constant 2 : i32
        %dma_wait3A_1119 = arith.constant 0 : i32
        %dma_wait3A_1120 = arith.constant 0 : i32
        %dma_wait3A_1121 = tpu.memref_slice %arg6[%dma_wait3A_1118, %dma_wait3A_1119, %dma_wait3A_1120] : memref<8x64x128xf32, #tpu.memory_space<vmem>> -> memref<1x64x128xf32, #tpu.memory_space<vmem>>
        %dma_wait3A_1122 = tpu.memref_squeeze %dma_wait3A_1121 : memref<1x64x128xf32, #tpu.memory_space<vmem>> -> memref<64x128xf32, #tpu.memory_space<vmem>>
        %dma_wait3A_1123 = arith.constant 0 : i32
        %dma_wait3A_1124 = arith.constant 0 : i32
        %dma_wait3A_1125 = tpu.memref_slice %arg3[%dma_wait3A_1123, %dma_wait3A_1124] : memref<64x1000001xf32, #tpu.memory_space<hbm>> -> memref<64x128xf32, #tpu.memory_space<hbm>>
        %dma_wait3A_1126 = arith.constant 0 : i32
        %dma_wait3A_1127 = arith.constant 0 : i32
        %dma_wait3A_1128 = tpu.memref_slice %arg6[%dma_wait3A_1118, %dma_wait3A_1126, %dma_wait3A_1127] : memref<8x64x128xf32, #tpu.memory_space<vmem>> -> memref<1x64x128xf32, #tpu.memory_space<vmem>>
        %dma_wait3A_1129 = tpu.memref_squeeze %dma_wait3A_1128 : memref<1x64x128xf32, #tpu.memory_space<vmem>> -> memref<64x128xf32, #tpu.memory_space<vmem>>
        %dma_wait3A_1130 = arith.constant 0 : i32
        %dma_wait3A_1131 = arith.constant 0 : i32
        %dma_wait3A_1132 = tpu.memref_slice %arg3[%dma_wait3A_1130, %dma_wait3A_1131] : memref<64x1000001xf32, #tpu.memory_space<hbm>> -> memref<64x128xf32, #tpu.memory_space<hbm>>
        tpu.wait_dma2 semaphore(%arg11 : memref<!tpu.dma_semaphore, #tpu.memory_space<semaphore_mem>>) src(%dma_wait3A_1132 : memref<64x128xf32, #tpu.memory_space<hbm>>) dst(%dma_wait3A_1129 : memref<64x128xf32, #tpu.memory_space<vmem>>)
        %sub3A = arith.constant 8 : i32
        %sub3A_1133 = arith.subi %add3A_589, %sub3A : i32
        %get3A_1134 = arith.constant 2 : i32
        %get3A_1135 = arith.index_cast %get3A_1134 : i32 to index
        %get3A_1136 = memref.load %arg8[%get3A_1135] : memref<8xi32, #tpu.memory_space<smem>>
        %broadcast_in_dim3A_1137 = vector.broadcast %get3A_1136 : i32 to vector<16xi32>
        %broadcast_in_dim3A_1138 = arith.constant 0 : i32
        %broadcast_in_dim3A_1139 = vector.broadcast %broadcast_in_dim3A_1138 : i32 to vector<16xi32>
        %add3A_1140 = vector.broadcast %sub3A_1133 : i32 to vector<16xi32>
        %add3A_1141 = arith.addi %broadcast_in_dim3A_1139, %add3A_1140 : vector<16xi32>
        %iota3A_1142 = tpu.iota {dimensions = array<i32: 0>} : vector<16xi32>
        %add3A_1143 = arith.constant 0 : i32
        %add3A_1144 = vector.broadcast %add3A_1143 : i32 to vector<16xi32>
        %add3A_1145 = arith.addi %iota3A_1142, %add3A_1144 : vector<16xi32>
        %gather3A_1146 = arith.constant 2 : i32
        %gather3A_1147 = arith.constant 0 : i32
        %gather3A_1148 = arith.constant 0 : i32
        %gather3A_1149 = tpu.memref_slice %arg6[%gather3A_1146, %gather3A_1147, %gather3A_1148] : memref<8x64x128xf32, #tpu.memory_space<vmem>> -> memref<1x64x128xf32, #tpu.memory_space<vmem>>
        %gather3A_1150 = tpu.memref_squeeze %gather3A_1149 : memref<1x64x128xf32, #tpu.memory_space<vmem>> -> memref<64x128xf32, #tpu.memory_space<vmem>>
        %gather3A_1151 = tpu.vector_load_idx %gather3A_1150[%add3A_1145, %broadcast_in_dim3A_1137] : memref<64x128xf32, #tpu.memory_space<vmem>>[vector<16xi32>, vector<16xi32>], vector<16xf32>,
        tpu.vector_store_idx %arg7[%add3A_1145, %add3A_1141], %gather3A_1151 : memref<64x512xf32, #tpu.memory_space<vmem>>[vector<16xi32>, vector<16xi32>], vector<16xf32>,
        %iota3A_1152 = tpu.iota {dimensions = array<i32: 0>} : vector<16xi32>
        %add3A_1153 = arith.constant 16 : i32
        %add3A_1154 = vector.broadcast %add3A_1153 : i32 to vector<16xi32>
        %add3A_1155 = arith.addi %iota3A_1152, %add3A_1154 : vector<16xi32>
        %gather3A_1156 = arith.constant 2 : i32
        %gather3A_1157 = arith.constant 0 : i32
        %gather3A_1158 = arith.constant 0 : i32
        %gather3A_1159 = tpu.memref_slice %arg6[%gather3A_1156, %gather3A_1157, %gather3A_1158] : memref<8x64x128xf32, #tpu.memory_space<vmem>> -> memref<1x64x128xf32, #tpu.memory_space<vmem>>
        %gather3A_1160 = tpu.memref_squeeze %gather3A_1159 : memref<1x64x128xf32, #tpu.memory_space<vmem>> -> memref<64x128xf32, #tpu.memory_space<vmem>>
        %gather3A_1161 = tpu.vector_load_idx %gather3A_1160[%add3A_1155, %broadcast_in_dim3A_1137] : memref<64x128xf32, #tpu.memory_space<vmem>>[vector<16xi32>, vector<16xi32>], vector<16xf32>,
        tpu.vector_store_idx %arg7[%add3A_1155, %add3A_1141], %gather3A_1161 : memref<64x512xf32, #tpu.memory_space<vmem>>[vector<16xi32>, vector<16xi32>], vector<16xf32>,
        %iota3A_1162 = tpu.iota {dimensions = array<i32: 0>} : vector<16xi32>
        %add3A_1163 = arith.constant 32 : i32
        %add3A_1164 = vector.broadcast %add3A_1163 : i32 to vector<16xi32>
        %add3A_1165 = arith.addi %iota3A_1162, %add3A_1164 : vector<16xi32>
        %gather3A_1166 = arith.constant 2 : i32
        %gather3A_1167 = arith.constant 0 : i32
        %gather3A_1168 = arith.constant 0 : i32
        %gather3A_1169 = tpu.memref_slice %arg6[%gather3A_1166, %gather3A_1167, %gather3A_1168] : memref<8x64x128xf32, #tpu.memory_space<vmem>> -> memref<1x64x128xf32, #tpu.memory_space<vmem>>
        %gather3A_1170 = tpu.memref_squeeze %gather3A_1169 : memref<1x64x128xf32, #tpu.memory_space<vmem>> -> memref<64x128xf32, #tpu.memory_space<vmem>>
        %gather3A_1171 = tpu.vector_load_idx %gather3A_1170[%add3A_1165, %broadcast_in_dim3A_1137] : memref<64x128xf32, #tpu.memory_space<vmem>>[vector<16xi32>, vector<16xi32>], vector<16xf32>,
        tpu.vector_store_idx %arg7[%add3A_1165, %add3A_1141], %gather3A_1171 : memref<64x512xf32, #tpu.memory_space<vmem>>[vector<16xi32>, vector<16xi32>], vector<16xf32>,
        %iota3A_1172 = tpu.iota {dimensions = array<i32: 0>} : vector<16xi32>
        %add3A_1173 = arith.constant 48 : i32
        %add3A_1174 = vector.broadcast %add3A_1173 : i32 to vector<16xi32>
        %add3A_1175 = arith.addi %iota3A_1172, %add3A_1174 : vector<16xi32>
        %gather3A_1176 = arith.constant 2 : i32
        %gather3A_1177 = arith.constant 0 : i32
        %gather3A_1178 = arith.constant 0 : i32
        %gather3A_1179 = tpu.memref_slice %arg6[%gather3A_1176, %gather3A_1177, %gather3A_1178] : memref<8x64x128xf32, #tpu.memory_space<vmem>> -> memref<1x64x128xf32, #tpu.memory_space<vmem>>
        %gather3A_1180 = tpu.memref_squeeze %gather3A_1179 : memref<1x64x128xf32, #tpu.memory_space<vmem>> -> memref<64x128xf32, #tpu.memory_space<vmem>>
        %gather3A_1181 = tpu.vector_load_idx %gather3A_1180[%add3A_1175, %broadcast_in_dim3A_1137] : memref<64x128xf32, #tpu.memory_space<vmem>>[vector<16xi32>, vector<16xi32>], vector<16xf32>,
        tpu.vector_store_idx %arg7[%add3A_1175, %add3A_1141], %gather3A_1181 : memref<64x512xf32, #tpu.memory_space<vmem>>[vector<16xi32>, vector<16xi32>], vector<16xf32>,
      } else {
      }
      %slice3A_599 = vector.extract_strided_slice %get3A_519 {offsets = [2], sizes = [1], strides = [1]} : vector<16xi32> to vector<1xi32>
      %squeeze3A_600 = vector.extract %slice3A_599[0] : i32 from vector<1xi32>
      %shift_right_logical3A_601 = arith.constant 7 : i32
      %shift_right_logical3A_602 = arith.shrui %squeeze3A_600, %shift_right_logical3A_601 : i32
      %and3A_603 = arith.constant 127 : i32
      %and3A_604 = arith.andi %squeeze3A_600, %and3A_603 : i32
      %mul3A_605 = arith.constant 128 : i32
      %mul3A_606 = arith.muli %shift_right_logical3A_602, %mul3A_605 : i32
      %multiple_of3A_607 = tpu.assume_multiple %mul3A_606, 128 : i32
      %dma_start3A_608 = arith.constant 2 : i32
      %dma_start3A_609 = arith.constant 0 : i32
      %dma_start3A_610 = arith.constant 0 : i32
      %dma_start3A_611 = tpu.memref_slice %arg6[%dma_start3A_608, %dma_start3A_609, %dma_start3A_610] : memref<8x64x128xf32, #tpu.memory_space<vmem>> -> memref<1x64x128xf32, #tpu.memory_space<vmem>>
      %dma_start3A_612 = tpu.memref_squeeze %dma_start3A_611 : memref<1x64x128xf32, #tpu.memory_space<vmem>> -> memref<64x128xf32, #tpu.memory_space<vmem>>
      %dma_start3A_613 = arith.constant 0 : i32
      %dma_start3A_614 = tpu.memref_slice %arg3[%dma_start3A_613, %multiple_of3A_607] : memref<64x1000001xf32, #tpu.memory_space<hbm>> -> memref<64x128xf32, #tpu.memory_space<hbm>>
      %dma_start3A_615 = arith.constant 0 : i32
      %dma_start3A_616 = arith.constant 0 : i32
      %dma_start3A_617 = tpu.memref_slice %arg6[%dma_start3A_608, %dma_start3A_615, %dma_start3A_616] : memref<8x64x128xf32, #tpu.memory_space<vmem>> -> memref<1x64x128xf32, #tpu.memory_space<vmem>>
      %dma_start3A_618 = tpu.memref_squeeze %dma_start3A_617 : memref<1x64x128xf32, #tpu.memory_space<vmem>> -> memref<64x128xf32, #tpu.memory_space<vmem>>
      %dma_start3A_619 = arith.constant 0 : i32
      %dma_start3A_620 = tpu.memref_slice %arg3[%dma_start3A_619, %multiple_of3A_607] : memref<64x1000001xf32, #tpu.memory_space<hbm>> -> memref<64x128xf32, #tpu.memory_space<hbm>>
      tpu.enqueue_dma source(%dma_start3A_620 : memref<64x128xf32, #tpu.memory_space<hbm>>) target(%dma_start3A_618 : memref<64x128xf32, #tpu.memory_space<vmem>>) target_semaphore(%arg11 : memref<!tpu.dma_semaphore, #tpu.memory_space<semaphore_mem>>)
      %swap3A_621 = arith.constant 2 : i32
      %swap3A_622 = arith.index_cast %swap3A_621 : i32 to index
      %swap3A_623 = memref.load %arg8[%swap3A_622] : memref<8xi32, #tpu.memory_space<smem>>
      memref.store %and3A_604, %arg8[%swap3A_622] : memref<8xi32, #tpu.memory_space<smem>>
      %mul3A_624 = arith.constant 16 : i32
      %mul3A_625 = arith.muli %scan3A_515, %mul3A_624 : i32
      %add3A_626 = arith.constant 3 : i32
      %add3A_627 = arith.addi %mul3A_625, %add3A_626 : i32
      %eq3A_628 = arith.constant 0 : i32
      %eq3A_629 = arith.cmpi eq, %scan3A_515, %eq3A_628 : i32
      %and3A_630 = arith.constant true
      %and3A_631 = arith.andi %eq3A_629, %and3A_630 : i1
      %not3A_632 = arith.constant true
      %not3A_633 = arith.xori %and3A_631, %not3A_632 : i1
      %convert_element_type3A_634 = arith.extui %not3A_633 : i1 to i32
      %cond3A_635 = arith.constant 0 : i32
      %cond3A_636 = arith.cmpi ne, %convert_element_type3A_634, %cond3A_635 : i32
      scf.if %cond3A_636 {
        %dma_wait3A_1118 = arith.constant 3 : i32
        %dma_wait3A_1119 = arith.constant 0 : i32
        %dma_wait3A_1120 = arith.constant 0 : i32
        %dma_wait3A_1121 = tpu.memref_slice %arg6[%dma_wait3A_1118, %dma_wait3A_1119, %dma_wait3A_1120] : memref<8x64x128xf32, #tpu.memory_space<vmem>> -> memref<1x64x128xf32, #tpu.memory_space<vmem>>
        %dma_wait3A_1122 = tpu.memref_squeeze %dma_wait3A_1121 : memref<1x64x128xf32, #tpu.memory_space<vmem>> -> memref<64x128xf32, #tpu.memory_space<vmem>>
        %dma_wait3A_1123 = arith.constant 0 : i32
        %dma_wait3A_1124 = arith.constant 0 : i32
        %dma_wait3A_1125 = tpu.memref_slice %arg3[%dma_wait3A_1123, %dma_wait3A_1124] : memref<64x1000001xf32, #tpu.memory_space<hbm>> -> memref<64x128xf32, #tpu.memory_space<hbm>>
        %dma_wait3A_1126 = arith.constant 0 : i32
        %dma_wait3A_1127 = arith.constant 0 : i32
        %dma_wait3A_1128 = tpu.memref_slice %arg6[%dma_wait3A_1118, %dma_wait3A_1126, %dma_wait3A_1127] : memref<8x64x128xf32, #tpu.memory_space<vmem>> -> memref<1x64x128xf32, #tpu.memory_space<vmem>>
        %dma_wait3A_1129 = tpu.memref_squeeze %dma_wait3A_1128 : memref<1x64x128xf32, #tpu.memory_space<vmem>> -> memref<64x128xf32, #tpu.memory_space<vmem>>
        %dma_wait3A_1130 = arith.constant 0 : i32
        %dma_wait3A_1131 = arith.constant 0 : i32
        %dma_wait3A_1132 = tpu.memref_slice %arg3[%dma_wait3A_1130, %dma_wait3A_1131] : memref<64x1000001xf32, #tpu.memory_space<hbm>> -> memref<64x128xf32, #tpu.memory_space<hbm>>
        tpu.wait_dma2 semaphore(%arg12 : memref<!tpu.dma_semaphore, #tpu.memory_space<semaphore_mem>>) src(%dma_wait3A_1132 : memref<64x128xf32, #tpu.memory_space<hbm>>) dst(%dma_wait3A_1129 : memref<64x128xf32, #tpu.memory_space<vmem>>)
        %sub3A = arith.constant 8 : i32
        %sub3A_1133 = arith.subi %add3A_627, %sub3A : i32
        %get3A_1134 = arith.constant 3 : i32
        %get3A_1135 = arith.index_cast %get3A_1134 : i32 to index
        %get3A_1136 = memref.load %arg8[%get3A_1135] : memref<8xi32, #tpu.memory_space<smem>>
        %broadcast_in_dim3A_1137 = vector.broadcast %get3A_1136 : i32 to vector<16xi32>
        %broadcast_in_dim3A_1138 = arith.constant 0 : i32
        %broadcast_in_dim3A_1139 = vector.broadcast %broadcast_in_dim3A_1138 : i32 to vector<16xi32>
        %add3A_1140 = vector.broadcast %sub3A_1133 : i32 to vector<16xi32>
        %add3A_1141 = arith.addi %broadcast_in_dim3A_1139, %add3A_1140 : vector<16xi32>
        %iota3A_1142 = tpu.iota {dimensions = array<i32: 0>} : vector<16xi32>
        %add3A_1143 = arith.constant 0 : i32
        %add3A_1144 = vector.broadcast %add3A_1143 : i32 to vector<16xi32>
        %add3A_1145 = arith.addi %iota3A_1142, %add3A_1144 : vector<16xi32>
        %gather3A_1146 = arith.constant 3 : i32
        %gather3A_1147 = arith.constant 0 : i32
        %gather3A_1148 = arith.constant 0 : i32
        %gather3A_1149 = tpu.memref_slice %arg6[%gather3A_1146, %gather3A_1147, %gather3A_1148] : memref<8x64x128xf32, #tpu.memory_space<vmem>> -> memref<1x64x128xf32, #tpu.memory_space<vmem>>
        %gather3A_1150 = tpu.memref_squeeze %gather3A_1149 : memref<1x64x128xf32, #tpu.memory_space<vmem>> -> memref<64x128xf32, #tpu.memory_space<vmem>>
        %gather3A_1151 = tpu.vector_load_idx %gather3A_1150[%add3A_1145, %broadcast_in_dim3A_1137] : memref<64x128xf32, #tpu.memory_space<vmem>>[vector<16xi32>, vector<16xi32>], vector<16xf32>,
        tpu.vector_store_idx %arg7[%add3A_1145, %add3A_1141], %gather3A_1151 : memref<64x512xf32, #tpu.memory_space<vmem>>[vector<16xi32>, vector<16xi32>], vector<16xf32>,
        %iota3A_1152 = tpu.iota {dimensions = array<i32: 0>} : vector<16xi32>
        %add3A_1153 = arith.constant 16 : i32
        %add3A_1154 = vector.broadcast %add3A_1153 : i32 to vector<16xi32>
        %add3A_1155 = arith.addi %iota3A_1152, %add3A_1154 : vector<16xi32>
        %gather3A_1156 = arith.constant 3 : i32
        %gather3A_1157 = arith.constant 0 : i32
        %gather3A_1158 = arith.constant 0 : i32
        %gather3A_1159 = tpu.memref_slice %arg6[%gather3A_1156, %gather3A_1157, %gather3A_1158] : memref<8x64x128xf32, #tpu.memory_space<vmem>> -> memref<1x64x128xf32, #tpu.memory_space<vmem>>
        %gather3A_1160 = tpu.memref_squeeze %gather3A_1159 : memref<1x64x128xf32, #tpu.memory_space<vmem>> -> memref<64x128xf32, #tpu.memory_space<vmem>>
        %gather3A_1161 = tpu.vector_load_idx %gather3A_1160[%add3A_1155, %broadcast_in_dim3A_1137] : memref<64x128xf32, #tpu.memory_space<vmem>>[vector<16xi32>, vector<16xi32>], vector<16xf32>,
        tpu.vector_store_idx %arg7[%add3A_1155, %add3A_1141], %gather3A_1161 : memref<64x512xf32, #tpu.memory_space<vmem>>[vector<16xi32>, vector<16xi32>], vector<16xf32>,
        %iota3A_1162 = tpu.iota {dimensions = array<i32: 0>} : vector<16xi32>
        %add3A_1163 = arith.constant 32 : i32
        %add3A_1164 = vector.broadcast %add3A_1163 : i32 to vector<16xi32>
        %add3A_1165 = arith.addi %iota3A_1162, %add3A_1164 : vector<16xi32>
        %gather3A_1166 = arith.constant 3 : i32
        %gather3A_1167 = arith.constant 0 : i32
        %gather3A_1168 = arith.constant 0 : i32
        %gather3A_1169 = tpu.memref_slice %arg6[%gather3A_1166, %gather3A_1167, %gather3A_1168] : memref<8x64x128xf32, #tpu.memory_space<vmem>> -> memref<1x64x128xf32, #tpu.memory_space<vmem>>
        %gather3A_1170 = tpu.memref_squeeze %gather3A_1169 : memref<1x64x128xf32, #tpu.memory_space<vmem>> -> memref<64x128xf32, #tpu.memory_space<vmem>>
        %gather3A_1171 = tpu.vector_load_idx %gather3A_1170[%add3A_1165, %broadcast_in_dim3A_1137] : memref<64x128xf32, #tpu.memory_space<vmem>>[vector<16xi32>, vector<16xi32>], vector<16xf32>,
        tpu.vector_store_idx %arg7[%add3A_1165, %add3A_1141], %gather3A_1171 : memref<64x512xf32, #tpu.memory_space<vmem>>[vector<16xi32>, vector<16xi32>], vector<16xf32>,
        %iota3A_1172 = tpu.iota {dimensions = array<i32: 0>} : vector<16xi32>
        %add3A_1173 = arith.constant 48 : i32
        %add3A_1174 = vector.broadcast %add3A_1173 : i32 to vector<16xi32>
        %add3A_1175 = arith.addi %iota3A_1172, %add3A_1174 : vector<16xi32>
        %gather3A_1176 = arith.constant 3 : i32
        %gather3A_1177 = arith.constant 0 : i32
        %gather3A_1178 = arith.constant 0 : i32
        %gather3A_1179 = tpu.memref_slice %arg6[%gather3A_1176, %gather3A_1177, %gather3A_1178] : memref<8x64x128xf32, #tpu.memory_space<vmem>> -> memref<1x64x128xf32, #tpu.memory_space<vmem>>
        %gather3A_1180 = tpu.memref_squeeze %gather3A_1179 : memref<1x64x128xf32, #tpu.memory_space<vmem>> -> memref<64x128xf32, #tpu.memory_space<vmem>>
        %gather3A_1181 = tpu.vector_load_idx %gather3A_1180[%add3A_1175, %broadcast_in_dim3A_1137] : memref<64x128xf32, #tpu.memory_space<vmem>>[vector<16xi32>, vector<16xi32>], vector<16xf32>,
        tpu.vector_store_idx %arg7[%add3A_1175, %add3A_1141], %gather3A_1181 : memref<64x512xf32, #tpu.memory_space<vmem>>[vector<16xi32>, vector<16xi32>], vector<16xf32>,
      } else {
      }
      %slice3A_637 = vector.extract_strided_slice %get3A_519 {offsets = [3], sizes = [1], strides = [1]} : vector<16xi32> to vector<1xi32>
      %squeeze3A_638 = vector.extract %slice3A_637[0] : i32 from vector<1xi32>
      %shift_right_logical3A_639 = arith.constant 7 : i32
      %shift_right_logical3A_640 = arith.shrui %squeeze3A_638, %shift_right_logical3A_639 : i32
      %and3A_641 = arith.constant 127 : i32
      %and3A_642 = arith.andi %squeeze3A_638, %and3A_641 : i32
      %mul3A_643 = arith.constant 128 : i32
      %mul3A_644 = arith.muli %shift_right_logical3A_640, %mul3A_643 : i32
      %multiple_of3A_645 = tpu.assume_multiple %mul3A_644, 128 : i32
      %dma_start3A_646 = arith.constant 3 : i32
      %dma_start3A_647 = arith.constant 0 : i32
      %dma_start3A_648 = arith.constant 0 : i32
      %dma_start3A_649 = tpu.memref_slice %arg6[%dma_start3A_646, %dma_start3A_647, %dma_start3A_648] : memref<8x64x128xf32, #tpu.memory_space<vmem>> -> memref<1x64x128xf32, #tpu.memory_space<vmem>>
      %dma_start3A_650 = tpu.memref_squeeze %dma_start3A_649 : memref<1x64x128xf32, #tpu.memory_space<vmem>> -> memref<64x128xf32, #tpu.memory_space<vmem>>
      %dma_start3A_651 = arith.constant 0 : i32
      %dma_start3A_652 = tpu.memref_slice %arg3[%dma_start3A_651, %multiple_of3A_645] : memref<64x1000001xf32, #tpu.memory_space<hbm>> -> memref<64x128xf32, #tpu.memory_space<hbm>>
      %dma_start3A_653 = arith.constant 0 : i32
      %dma_start3A_654 = arith.constant 0 : i32
      %dma_start3A_655 = tpu.memref_slice %arg6[%dma_start3A_646, %dma_start3A_653, %dma_start3A_654] : memref<8x64x128xf32, #tpu.memory_space<vmem>> -> memref<1x64x128xf32, #tpu.memory_space<vmem>>
      %dma_start3A_656 = tpu.memref_squeeze %dma_start3A_655 : memref<1x64x128xf32, #tpu.memory_space<vmem>> -> memref<64x128xf32, #tpu.memory_space<vmem>>
      %dma_start3A_657 = arith.constant 0 : i32
      %dma_start3A_658 = tpu.memref_slice %arg3[%dma_start3A_657, %multiple_of3A_645] : memref<64x1000001xf32, #tpu.memory_space<hbm>> -> memref<64x128xf32, #tpu.memory_space<hbm>>
      tpu.enqueue_dma source(%dma_start3A_658 : memref<64x128xf32, #tpu.memory_space<hbm>>) target(%dma_start3A_656 : memref<64x128xf32, #tpu.memory_space<vmem>>) target_semaphore(%arg12 : memref<!tpu.dma_semaphore, #tpu.memory_space<semaphore_mem>>)
      %swap3A_659 = arith.constant 3 : i32
      %swap3A_660 = arith.index_cast %swap3A_659 : i32 to index
      %swap3A_661 = memref.load %arg8[%swap3A_660] : memref<8xi32, #tpu.memory_space<smem>>
      memref.store %and3A_642, %arg8[%swap3A_660] : memref<8xi32, #tpu.memory_space<smem>>
      %mul3A_662 = arith.constant 16 : i32
      %mul3A_663 = arith.muli %scan3A_515, %mul3A_662 : i32
      %add3A_664 = arith.constant 4 : i32
      %add3A_665 = arith.addi %mul3A_663, %add3A_664 : i32
      %eq3A_666 = arith.constant 0 : i32
      %eq3A_667 = arith.cmpi eq, %scan3A_515, %eq3A_666 : i32
      %and3A_668 = arith.constant true
      %and3A_669 = arith.andi %eq3A_667, %and3A_668 : i1
      %not3A_670 = arith.constant true
      %not3A_671 = arith.xori %and3A_669, %not3A_670 : i1
      %convert_element_type3A_672 = arith.extui %not3A_671 : i1 to i32
      %cond3A_673 = arith.constant 0 : i32
      %cond3A_674 = arith.cmpi ne, %convert_element_type3A_672, %cond3A_673 : i32
      scf.if %cond3A_674 {
        %dma_wait3A_1118 = arith.constant 4 : i32
        %dma_wait3A_1119 = arith.constant 0 : i32
        %dma_wait3A_1120 = arith.constant 0 : i32
        %dma_wait3A_1121 = tpu.memref_slice %arg6[%dma_wait3A_1118, %dma_wait3A_1119, %dma_wait3A_1120] : memref<8x64x128xf32, #tpu.memory_space<vmem>> -> memref<1x64x128xf32, #tpu.memory_space<vmem>>
        %dma_wait3A_1122 = tpu.memref_squeeze %dma_wait3A_1121 : memref<1x64x128xf32, #tpu.memory_space<vmem>> -> memref<64x128xf32, #tpu.memory_space<vmem>>
        %dma_wait3A_1123 = arith.constant 0 : i32
        %dma_wait3A_1124 = arith.constant 0 : i32
        %dma_wait3A_1125 = tpu.memref_slice %arg3[%dma_wait3A_1123, %dma_wait3A_1124] : memref<64x1000001xf32, #tpu.memory_space<hbm>> -> memref<64x128xf32, #tpu.memory_space<hbm>>
        %dma_wait3A_1126 = arith.constant 0 : i32
        %dma_wait3A_1127 = arith.constant 0 : i32
        %dma_wait3A_1128 = tpu.memref_slice %arg6[%dma_wait3A_1118, %dma_wait3A_1126, %dma_wait3A_1127] : memref<8x64x128xf32, #tpu.memory_space<vmem>> -> memref<1x64x128xf32, #tpu.memory_space<vmem>>
        %dma_wait3A_1129 = tpu.memref_squeeze %dma_wait3A_1128 : memref<1x64x128xf32, #tpu.memory_space<vmem>> -> memref<64x128xf32, #tpu.memory_space<vmem>>
        %dma_wait3A_1130 = arith.constant 0 : i32
        %dma_wait3A_1131 = arith.constant 0 : i32
        %dma_wait3A_1132 = tpu.memref_slice %arg3[%dma_wait3A_1130, %dma_wait3A_1131] : memref<64x1000001xf32, #tpu.memory_space<hbm>> -> memref<64x128xf32, #tpu.memory_space<hbm>>
        tpu.wait_dma2 semaphore(%arg13 : memref<!tpu.dma_semaphore, #tpu.memory_space<semaphore_mem>>) src(%dma_wait3A_1132 : memref<64x128xf32, #tpu.memory_space<hbm>>) dst(%dma_wait3A_1129 : memref<64x128xf32, #tpu.memory_space<vmem>>)
        %sub3A = arith.constant 8 : i32
        %sub3A_1133 = arith.subi %add3A_665, %sub3A : i32
        %get3A_1134 = arith.constant 4 : i32
        %get3A_1135 = arith.index_cast %get3A_1134 : i32 to index
        %get3A_1136 = memref.load %arg8[%get3A_1135] : memref<8xi32, #tpu.memory_space<smem>>
        %broadcast_in_dim3A_1137 = vector.broadcast %get3A_1136 : i32 to vector<16xi32>
        %broadcast_in_dim3A_1138 = arith.constant 0 : i32
        %broadcast_in_dim3A_1139 = vector.broadcast %broadcast_in_dim3A_1138 : i32 to vector<16xi32>
        %add3A_1140 = vector.broadcast %sub3A_1133 : i32 to vector<16xi32>
        %add3A_1141 = arith.addi %broadcast_in_dim3A_1139, %add3A_1140 : vector<16xi32>
        %iota3A_1142 = tpu.iota {dimensions = array<i32: 0>} : vector<16xi32>
        %add3A_1143 = arith.constant 0 : i32
        %add3A_1144 = vector.broadcast %add3A_1143 : i32 to vector<16xi32>
        %add3A_1145 = arith.addi %iota3A_1142, %add3A_1144 : vector<16xi32>
        %gather3A_1146 = arith.constant 4 : i32
        %gather3A_1147 = arith.constant 0 : i32
        %gather3A_1148 = arith.constant 0 : i32
        %gather3A_1149 = tpu.memref_slice %arg6[%gather3A_1146, %gather3A_1147, %gather3A_1148] : memref<8x64x128xf32, #tpu.memory_space<vmem>> -> memref<1x64x128xf32, #tpu.memory_space<vmem>>
        %gather3A_1150 = tpu.memref_squeeze %gather3A_1149 : memref<1x64x128xf32, #tpu.memory_space<vmem>> -> memref<64x128xf32, #tpu.memory_space<vmem>>
        %gather3A_1151 = tpu.vector_load_idx %gather3A_1150[%add3A_1145, %broadcast_in_dim3A_1137] : memref<64x128xf32, #tpu.memory_space<vmem>>[vector<16xi32>, vector<16xi32>], vector<16xf32>,
        tpu.vector_store_idx %arg7[%add3A_1145, %add3A_1141], %gather3A_1151 : memref<64x512xf32, #tpu.memory_space<vmem>>[vector<16xi32>, vector<16xi32>], vector<16xf32>,
        %iota3A_1152 = tpu.iota {dimensions = array<i32: 0>} : vector<16xi32>
        %add3A_1153 = arith.constant 16 : i32
        %add3A_1154 = vector.broadcast %add3A_1153 : i32 to vector<16xi32>
        %add3A_1155 = arith.addi %iota3A_1152, %add3A_1154 : vector<16xi32>
        %gather3A_1156 = arith.constant 4 : i32
        %gather3A_1157 = arith.constant 0 : i32
        %gather3A_1158 = arith.constant 0 : i32
        %gather3A_1159 = tpu.memref_slice %arg6[%gather3A_1156, %gather3A_1157, %gather3A_1158] : memref<8x64x128xf32, #tpu.memory_space<vmem>> -> memref<1x64x128xf32, #tpu.memory_space<vmem>>
        %gather3A_1160 = tpu.memref_squeeze %gather3A_1159 : memref<1x64x128xf32, #tpu.memory_space<vmem>> -> memref<64x128xf32, #tpu.memory_space<vmem>>
        %gather3A_1161 = tpu.vector_load_idx %gather3A_1160[%add3A_1155, %broadcast_in_dim3A_1137] : memref<64x128xf32, #tpu.memory_space<vmem>>[vector<16xi32>, vector<16xi32>], vector<16xf32>,
        tpu.vector_store_idx %arg7[%add3A_1155, %add3A_1141], %gather3A_1161 : memref<64x512xf32, #tpu.memory_space<vmem>>[vector<16xi32>, vector<16xi32>], vector<16xf32>,
        %iota3A_1162 = tpu.iota {dimensions = array<i32: 0>} : vector<16xi32>
        %add3A_1163 = arith.constant 32 : i32
        %add3A_1164 = vector.broadcast %add3A_1163 : i32 to vector<16xi32>
        %add3A_1165 = arith.addi %iota3A_1162, %add3A_1164 : vector<16xi32>
        %gather3A_1166 = arith.constant 4 : i32
        %gather3A_1167 = arith.constant 0 : i32
        %gather3A_1168 = arith.constant 0 : i32
        %gather3A_1169 = tpu.memref_slice %arg6[%gather3A_1166, %gather3A_1167, %gather3A_1168] : memref<8x64x128xf32, #tpu.memory_space<vmem>> -> memref<1x64x128xf32, #tpu.memory_space<vmem>>
        %gather3A_1170 = tpu.memref_squeeze %gather3A_1169 : memref<1x64x128xf32, #tpu.memory_space<vmem>> -> memref<64x128xf32, #tpu.memory_space<vmem>>
        %gather3A_1171 = tpu.vector_load_idx %gather3A_1170[%add3A_1165, %broadcast_in_dim3A_1137] : memref<64x128xf32, #tpu.memory_space<vmem>>[vector<16xi32>, vector<16xi32>], vector<16xf32>,
        tpu.vector_store_idx %arg7[%add3A_1165, %add3A_1141], %gather3A_1171 : memref<64x512xf32, #tpu.memory_space<vmem>>[vector<16xi32>, vector<16xi32>], vector<16xf32>,
        %iota3A_1172 = tpu.iota {dimensions = array<i32: 0>} : vector<16xi32>
        %add3A_1173 = arith.constant 48 : i32
        %add3A_1174 = vector.broadcast %add3A_1173 : i32 to vector<16xi32>
        %add3A_1175 = arith.addi %iota3A_1172, %add3A_1174 : vector<16xi32>
        %gather3A_1176 = arith.constant 4 : i32
        %gather3A_1177 = arith.constant 0 : i32
        %gather3A_1178 = arith.constant 0 : i32
        %gather3A_1179 = tpu.memref_slice %arg6[%gather3A_1176, %gather3A_1177, %gather3A_1178] : memref<8x64x128xf32, #tpu.memory_space<vmem>> -> memref<1x64x128xf32, #tpu.memory_space<vmem>>
        %gather3A_1180 = tpu.memref_squeeze %gather3A_1179 : memref<1x64x128xf32, #tpu.memory_space<vmem>> -> memref<64x128xf32, #tpu.memory_space<vmem>>
        %gather3A_1181 = tpu.vector_load_idx %gather3A_1180[%add3A_1175, %broadcast_in_dim3A_1137] : memref<64x128xf32, #tpu.memory_space<vmem>>[vector<16xi32>, vector<16xi32>], vector<16xf32>,
        tpu.vector_store_idx %arg7[%add3A_1175, %add3A_1141], %gather3A_1181 : memref<64x512xf32, #tpu.memory_space<vmem>>[vector<16xi32>, vector<16xi32>], vector<16xf32>,
      } else {
      }
      %slice3A_675 = vector.extract_strided_slice %get3A_519 {offsets = [4], sizes = [1], strides = [1]} : vector<16xi32> to vector<1xi32>
      %squeeze3A_676 = vector.extract %slice3A_675[0] : i32 from vector<1xi32>
      %shift_right_logical3A_677 = arith.constant 7 : i32
      %shift_right_logical3A_678 = arith.shrui %squeeze3A_676, %shift_right_logical3A_677 : i32
      %and3A_679 = arith.constant 127 : i32
      %and3A_680 = arith.andi %squeeze3A_676, %and3A_679 : i32
      %mul3A_681 = arith.constant 128 : i32
      %mul3A_682 = arith.muli %shift_right_logical3A_678, %mul3A_681 : i32
      %multiple_of3A_683 = tpu.assume_multiple %mul3A_682, 128 : i32
      %dma_start3A_684 = arith.constant 4 : i32
      %dma_start3A_685 = arith.constant 0 : i32
      %dma_start3A_686 = arith.constant 0 : i32
      %dma_start3A_687 = tpu.memref_slice %arg6[%dma_start3A_684, %dma_start3A_685, %dma_start3A_686] : memref<8x64x128xf32, #tpu.memory_space<vmem>> -> memref<1x64x128xf32, #tpu.memory_space<vmem>>
      %dma_start3A_688 = tpu.memref_squeeze %dma_start3A_687 : memref<1x64x128xf32, #tpu.memory_space<vmem>> -> memref<64x128xf32, #tpu.memory_space<vmem>>
      %dma_start3A_689 = arith.constant 0 : i32
      %dma_start3A_690 = tpu.memref_slice %arg3[%dma_start3A_689, %multiple_of3A_683] : memref<64x1000001xf32, #tpu.memory_space<hbm>> -> memref<64x128xf32, #tpu.memory_space<hbm>>
      %dma_start3A_691 = arith.constant 0 : i32
      %dma_start3A_692 = arith.constant 0 : i32
      %dma_start3A_693 = tpu.memref_slice %arg6[%dma_start3A_684, %dma_start3A_691, %dma_start3A_692] : memref<8x64x128xf32, #tpu.memory_space<vmem>> -> memref<1x64x128xf32, #tpu.memory_space<vmem>>
      %dma_start3A_694 = tpu.memref_squeeze %dma_start3A_693 : memref<1x64x128xf32, #tpu.memory_space<vmem>> -> memref<64x128xf32, #tpu.memory_space<vmem>>
      %dma_start3A_695 = arith.constant 0 : i32
      %dma_start3A_696 = tpu.memref_slice %arg3[%dma_start3A_695, %multiple_of3A_683] : memref<64x1000001xf32, #tpu.memory_space<hbm>> -> memref<64x128xf32, #tpu.memory_space<hbm>>
      tpu.enqueue_dma source(%dma_start3A_696 : memref<64x128xf32, #tpu.memory_space<hbm>>) target(%dma_start3A_694 : memref<64x128xf32, #tpu.memory_space<vmem>>) target_semaphore(%arg13 : memref<!tpu.dma_semaphore, #tpu.memory_space<semaphore_mem>>)
      %swap3A_697 = arith.constant 4 : i32
      %swap3A_698 = arith.index_cast %swap3A_697 : i32 to index
      %swap3A_699 = memref.load %arg8[%swap3A_698] : memref<8xi32, #tpu.memory_space<smem>>
      memref.store %and3A_680, %arg8[%swap3A_698] : memref<8xi32, #tpu.memory_space<smem>>
      %mul3A_700 = arith.constant 16 : i32
      %mul3A_701 = arith.muli %scan3A_515, %mul3A_700 : i32
      %add3A_702 = arith.constant 5 : i32
      %add3A_703 = arith.addi %mul3A_701, %add3A_702 : i32
      %eq3A_704 = arith.constant 0 : i32
      %eq3A_705 = arith.cmpi eq, %scan3A_515, %eq3A_704 : i32
      %and3A_706 = arith.constant true
      %and3A_707 = arith.andi %eq3A_705, %and3A_706 : i1
      %not3A_708 = arith.constant true
      %not3A_709 = arith.xori %and3A_707, %not3A_708 : i1
      %convert_element_type3A_710 = arith.extui %not3A_709 : i1 to i32
      %cond3A_711 = arith.constant 0 : i32
      %cond3A_712 = arith.cmpi ne, %convert_element_type3A_710, %cond3A_711 : i32
      scf.if %cond3A_712 {
        %dma_wait3A_1118 = arith.constant 5 : i32
        %dma_wait3A_1119 = arith.constant 0 : i32
        %dma_wait3A_1120 = arith.constant 0 : i32
        %dma_wait3A_1121 = tpu.memref_slice %arg6[%dma_wait3A_1118, %dma_wait3A_1119, %dma_wait3A_1120] : memref<8x64x128xf32, #tpu.memory_space<vmem>> -> memref<1x64x128xf32, #tpu.memory_space<vmem>>
        %dma_wait3A_1122 = tpu.memref_squeeze %dma_wait3A_1121 : memref<1x64x128xf32, #tpu.memory_space<vmem>> -> memref<64x128xf32, #tpu.memory_space<vmem>>
        %dma_wait3A_1123 = arith.constant 0 : i32
        %dma_wait3A_1124 = arith.constant 0 : i32
        %dma_wait3A_1125 = tpu.memref_slice %arg3[%dma_wait3A_1123, %dma_wait3A_1124] : memref<64x1000001xf32, #tpu.memory_space<hbm>> -> memref<64x128xf32, #tpu.memory_space<hbm>>
        %dma_wait3A_1126 = arith.constant 0 : i32
        %dma_wait3A_1127 = arith.constant 0 : i32
        %dma_wait3A_1128 = tpu.memref_slice %arg6[%dma_wait3A_1118, %dma_wait3A_1126, %dma_wait3A_1127] : memref<8x64x128xf32, #tpu.memory_space<vmem>> -> memref<1x64x128xf32, #tpu.memory_space<vmem>>
        %dma_wait3A_1129 = tpu.memref_squeeze %dma_wait3A_1128 : memref<1x64x128xf32, #tpu.memory_space<vmem>> -> memref<64x128xf32, #tpu.memory_space<vmem>>
        %dma_wait3A_1130 = arith.constant 0 : i32
        %dma_wait3A_1131 = arith.constant 0 : i32
        %dma_wait3A_1132 = tpu.memref_slice %arg3[%dma_wait3A_1130, %dma_wait3A_1131] : memref<64x1000001xf32, #tpu.memory_space<hbm>> -> memref<64x128xf32, #tpu.memory_space<hbm>>
        tpu.wait_dma2 semaphore(%arg14 : memref<!tpu.dma_semaphore, #tpu.memory_space<semaphore_mem>>) src(%dma_wait3A_1132 : memref<64x128xf32, #tpu.memory_space<hbm>>) dst(%dma_wait3A_1129 : memref<64x128xf32, #tpu.memory_space<vmem>>)
        %sub3A = arith.constant 8 : i32
        %sub3A_1133 = arith.subi %add3A_703, %sub3A : i32
        %get3A_1134 = arith.constant 5 : i32
        %get3A_1135 = arith.index_cast %get3A_1134 : i32 to index
        %get3A_1136 = memref.load %arg8[%get3A_1135] : memref<8xi32, #tpu.memory_space<smem>>
        %broadcast_in_dim3A_1137 = vector.broadcast %get3A_1136 : i32 to vector<16xi32>
        %broadcast_in_dim3A_1138 = arith.constant 0 : i32
        %broadcast_in_dim3A_1139 = vector.broadcast %broadcast_in_dim3A_1138 : i32 to vector<16xi32>
        %add3A_1140 = vector.broadcast %sub3A_1133 : i32 to vector<16xi32>
        %add3A_1141 = arith.addi %broadcast_in_dim3A_1139, %add3A_1140 : vector<16xi32>
        %iota3A_1142 = tpu.iota {dimensions = array<i32: 0>} : vector<16xi32>
        %add3A_1143 = arith.constant 0 : i32
        %add3A_1144 = vector.broadcast %add3A_1143 : i32 to vector<16xi32>
        %add3A_1145 = arith.addi %iota3A_1142, %add3A_1144 : vector<16xi32>
        %gather3A_1146 = arith.constant 5 : i32
        %gather3A_1147 = arith.constant 0 : i32
        %gather3A_1148 = arith.constant 0 : i32
        %gather3A_1149 = tpu.memref_slice %arg6[%gather3A_1146, %gather3A_1147, %gather3A_1148] : memref<8x64x128xf32, #tpu.memory_space<vmem>> -> memref<1x64x128xf32, #tpu.memory_space<vmem>>
        %gather3A_1150 = tpu.memref_squeeze %gather3A_1149 : memref<1x64x128xf32, #tpu.memory_space<vmem>> -> memref<64x128xf32, #tpu.memory_space<vmem>>
        %gather3A_1151 = tpu.vector_load_idx %gather3A_1150[%add3A_1145, %broadcast_in_dim3A_1137] : memref<64x128xf32, #tpu.memory_space<vmem>>[vector<16xi32>, vector<16xi32>], vector<16xf32>,
        tpu.vector_store_idx %arg7[%add3A_1145, %add3A_1141], %gather3A_1151 : memref<64x512xf32, #tpu.memory_space<vmem>>[vector<16xi32>, vector<16xi32>], vector<16xf32>,
        %iota3A_1152 = tpu.iota {dimensions = array<i32: 0>} : vector<16xi32>
        %add3A_1153 = arith.constant 16 : i32
        %add3A_1154 = vector.broadcast %add3A_1153 : i32 to vector<16xi32>
        %add3A_1155 = arith.addi %iota3A_1152, %add3A_1154 : vector<16xi32>
        %gather3A_1156 = arith.constant 5 : i32
        %gather3A_1157 = arith.constant 0 : i32
        %gather3A_1158 = arith.constant 0 : i32
        %gather3A_1159 = tpu.memref_slice %arg6[%gather3A_1156, %gather3A_1157, %gather3A_1158] : memref<8x64x128xf32, #tpu.memory_space<vmem>> -> memref<1x64x128xf32, #tpu.memory_space<vmem>>
        %gather3A_1160 = tpu.memref_squeeze %gather3A_1159 : memref<1x64x128xf32, #tpu.memory_space<vmem>> -> memref<64x128xf32, #tpu.memory_space<vmem>>
        %gather3A_1161 = tpu.vector_load_idx %gather3A_1160[%add3A_1155, %broadcast_in_dim3A_1137] : memref<64x128xf32, #tpu.memory_space<vmem>>[vector<16xi32>, vector<16xi32>], vector<16xf32>,
        tpu.vector_store_idx %arg7[%add3A_1155, %add3A_1141], %gather3A_1161 : memref<64x512xf32, #tpu.memory_space<vmem>>[vector<16xi32>, vector<16xi32>], vector<16xf32>,
        %iota3A_1162 = tpu.iota {dimensions = array<i32: 0>} : vector<16xi32>
        %add3A_1163 = arith.constant 32 : i32
        %add3A_1164 = vector.broadcast %add3A_1163 : i32 to vector<16xi32>
        %add3A_1165 = arith.addi %iota3A_1162, %add3A_1164 : vector<16xi32>
        %gather3A_1166 = arith.constant 5 : i32
        %gather3A_1167 = arith.constant 0 : i32
        %gather3A_1168 = arith.constant 0 : i32
        %gather3A_1169 = tpu.memref_slice %arg6[%gather3A_1166, %gather3A_1167, %gather3A_1168] : memref<8x64x128xf32, #tpu.memory_space<vmem>> -> memref<1x64x128xf32, #tpu.memory_space<vmem>>
        %gather3A_1170 = tpu.memref_squeeze %gather3A_1169 : memref<1x64x128xf32, #tpu.memory_space<vmem>> -> memref<64x128xf32, #tpu.memory_space<vmem>>
        %gather3A_1171 = tpu.vector_load_idx %gather3A_1170[%add3A_1165, %broadcast_in_dim3A_1137] : memref<64x128xf32, #tpu.memory_space<vmem>>[vector<16xi32>, vector<16xi32>], vector<16xf32>,
        tpu.vector_store_idx %arg7[%add3A_1165, %add3A_1141], %gather3A_1171 : memref<64x512xf32, #tpu.memory_space<vmem>>[vector<16xi32>, vector<16xi32>], vector<16xf32>,
        %iota3A_1172 = tpu.iota {dimensions = array<i32: 0>} : vector<16xi32>
        %add3A_1173 = arith.constant 48 : i32
        %add3A_1174 = vector.broadcast %add3A_1173 : i32 to vector<16xi32>
        %add3A_1175 = arith.addi %iota3A_1172, %add3A_1174 : vector<16xi32>
        %gather3A_1176 = arith.constant 5 : i32
        %gather3A_1177 = arith.constant 0 : i32
        %gather3A_1178 = arith.constant 0 : i32
        %gather3A_1179 = tpu.memref_slice %arg6[%gather3A_1176, %gather3A_1177, %gather3A_1178] : memref<8x64x128xf32, #tpu.memory_space<vmem>> -> memref<1x64x128xf32, #tpu.memory_space<vmem>>
        %gather3A_1180 = tpu.memref_squeeze %gather3A_1179 : memref<1x64x128xf32, #tpu.memory_space<vmem>> -> memref<64x128xf32, #tpu.memory_space<vmem>>
        %gather3A_1181 = tpu.vector_load_idx %gather3A_1180[%add3A_1175, %broadcast_in_dim3A_1137] : memref<64x128xf32, #tpu.memory_space<vmem>>[vector<16xi32>, vector<16xi32>], vector<16xf32>,
        tpu.vector_store_idx %arg7[%add3A_1175, %add3A_1141], %gather3A_1181 : memref<64x512xf32, #tpu.memory_space<vmem>>[vector<16xi32>, vector<16xi32>], vector<16xf32>,
      } else {
      }
      %slice3A_713 = vector.extract_strided_slice %get3A_519 {offsets = [5], sizes = [1], strides = [1]} : vector<16xi32> to vector<1xi32>
      %squeeze3A_714 = vector.extract %slice3A_713[0] : i32 from vector<1xi32>
      %shift_right_logical3A_715 = arith.constant 7 : i32
      %shift_right_logical3A_716 = arith.shrui %squeeze3A_714, %shift_right_logical3A_715 : i32
      %and3A_717 = arith.constant 127 : i32
      %and3A_718 = arith.andi %squeeze3A_714, %and3A_717 : i32
      %mul3A_719 = arith.constant 128 : i32
      %mul3A_720 = arith.muli %shift_right_logical3A_716, %mul3A_719 : i32
      %multiple_of3A_721 = tpu.assume_multiple %mul3A_720, 128 : i32
      %dma_start3A_722 = arith.constant 5 : i32
      %dma_start3A_723 = arith.constant 0 : i32
      %dma_start3A_724 = arith.constant 0 : i32
      %dma_start3A_725 = tpu.memref_slice %arg6[%dma_start3A_722, %dma_start3A_723, %dma_start3A_724] : memref<8x64x128xf32, #tpu.memory_space<vmem>> -> memref<1x64x128xf32, #tpu.memory_space<vmem>>
      %dma_start3A_726 = tpu.memref_squeeze %dma_start3A_725 : memref<1x64x128xf32, #tpu.memory_space<vmem>> -> memref<64x128xf32, #tpu.memory_space<vmem>>
      %dma_start3A_727 = arith.constant 0 : i32
      %dma_start3A_728 = tpu.memref_slice %arg3[%dma_start3A_727, %multiple_of3A_721] : memref<64x1000001xf32, #tpu.memory_space<hbm>> -> memref<64x128xf32, #tpu.memory_space<hbm>>
      %dma_start3A_729 = arith.constant 0 : i32
      %dma_start3A_730 = arith.constant 0 : i32
      %dma_start3A_731 = tpu.memref_slice %arg6[%dma_start3A_722, %dma_start3A_729, %dma_start3A_730] : memref<8x64x128xf32, #tpu.memory_space<vmem>> -> memref<1x64x128xf32, #tpu.memory_space<vmem>>
      %dma_start3A_732 = tpu.memref_squeeze %dma_start3A_731 : memref<1x64x128xf32, #tpu.memory_space<vmem>> -> memref<64x128xf32, #tpu.memory_space<vmem>>
      %dma_start3A_733 = arith.constant 0 : i32
      %dma_start3A_734 = tpu.memref_slice %arg3[%dma_start3A_733, %multiple_of3A_721] : memref<64x1000001xf32, #tpu.memory_space<hbm>> -> memref<64x128xf32, #tpu.memory_space<hbm>>
      tpu.enqueue_dma source(%dma_start3A_734 : memref<64x128xf32, #tpu.memory_space<hbm>>) target(%dma_start3A_732 : memref<64x128xf32, #tpu.memory_space<vmem>>) target_semaphore(%arg14 : memref<!tpu.dma_semaphore, #tpu.memory_space<semaphore_mem>>)
      %swap3A_735 = arith.constant 5 : i32
      %swap3A_736 = arith.index_cast %swap3A_735 : i32 to index
      %swap3A_737 = memref.load %arg8[%swap3A_736] : memref<8xi32, #tpu.memory_space<smem>>
      memref.store %and3A_718, %arg8[%swap3A_736] : memref<8xi32, #tpu.memory_space<smem>>
      %mul3A_738 = arith.constant 16 : i32
      %mul3A_739 = arith.muli %scan3A_515, %mul3A_738 : i32
      %add3A_740 = arith.constant 6 : i32
      %add3A_741 = arith.addi %mul3A_739, %add3A_740 : i32
      %eq3A_742 = arith.constant 0 : i32
      %eq3A_743 = arith.cmpi eq, %scan3A_515, %eq3A_742 : i32
      %and3A_744 = arith.constant true
      %and3A_745 = arith.andi %eq3A_743, %and3A_744 : i1
      %not3A_746 = arith.constant true
      %not3A_747 = arith.xori %and3A_745, %not3A_746 : i1
      %convert_element_type3A_748 = arith.extui %not3A_747 : i1 to i32
      %cond3A_749 = arith.constant 0 : i32
      %cond3A_750 = arith.cmpi ne, %convert_element_type3A_748, %cond3A_749 : i32
      scf.if %cond3A_750 {
        %dma_wait3A_1118 = arith.constant 6 : i32
        %dma_wait3A_1119 = arith.constant 0 : i32
        %dma_wait3A_1120 = arith.constant 0 : i32
        %dma_wait3A_1121 = tpu.memref_slice %arg6[%dma_wait3A_1118, %dma_wait3A_1119, %dma_wait3A_1120] : memref<8x64x128xf32, #tpu.memory_space<vmem>> -> memref<1x64x128xf32, #tpu.memory_space<vmem>>
        %dma_wait3A_1122 = tpu.memref_squeeze %dma_wait3A_1121 : memref<1x64x128xf32, #tpu.memory_space<vmem>> -> memref<64x128xf32, #tpu.memory_space<vmem>>
        %dma_wait3A_1123 = arith.constant 0 : i32
        %dma_wait3A_1124 = arith.constant 0 : i32
        %dma_wait3A_1125 = tpu.memref_slice %arg3[%dma_wait3A_1123, %dma_wait3A_1124] : memref<64x1000001xf32, #tpu.memory_space<hbm>> -> memref<64x128xf32, #tpu.memory_space<hbm>>
        %dma_wait3A_1126 = arith.constant 0 : i32
        %dma_wait3A_1127 = arith.constant 0 : i32
        %dma_wait3A_1128 = tpu.memref_slice %arg6[%dma_wait3A_1118, %dma_wait3A_1126, %dma_wait3A_1127] : memref<8x64x128xf32, #tpu.memory_space<vmem>> -> memref<1x64x128xf32, #tpu.memory_space<vmem>>
        %dma_wait3A_1129 = tpu.memref_squeeze %dma_wait3A_1128 : memref<1x64x128xf32, #tpu.memory_space<vmem>> -> memref<64x128xf32, #tpu.memory_space<vmem>>
        %dma_wait3A_1130 = arith.constant 0 : i32
        %dma_wait3A_1131 = arith.constant 0 : i32
        %dma_wait3A_1132 = tpu.memref_slice %arg3[%dma_wait3A_1130, %dma_wait3A_1131] : memref<64x1000001xf32, #tpu.memory_space<hbm>> -> memref<64x128xf32, #tpu.memory_space<hbm>>
        tpu.wait_dma2 semaphore(%arg15 : memref<!tpu.dma_semaphore, #tpu.memory_space<semaphore_mem>>) src(%dma_wait3A_1132 : memref<64x128xf32, #tpu.memory_space<hbm>>) dst(%dma_wait3A_1129 : memref<64x128xf32, #tpu.memory_space<vmem>>)
        %sub3A = arith.constant 8 : i32
        %sub3A_1133 = arith.subi %add3A_741, %sub3A : i32
        %get3A_1134 = arith.constant 6 : i32
        %get3A_1135 = arith.index_cast %get3A_1134 : i32 to index
        %get3A_1136 = memref.load %arg8[%get3A_1135] : memref<8xi32, #tpu.memory_space<smem>>
        %broadcast_in_dim3A_1137 = vector.broadcast %get3A_1136 : i32 to vector<16xi32>
        %broadcast_in_dim3A_1138 = arith.constant 0 : i32
        %broadcast_in_dim3A_1139 = vector.broadcast %broadcast_in_dim3A_1138 : i32 to vector<16xi32>
        %add3A_1140 = vector.broadcast %sub3A_1133 : i32 to vector<16xi32>
        %add3A_1141 = arith.addi %broadcast_in_dim3A_1139, %add3A_1140 : vector<16xi32>
        %iota3A_1142 = tpu.iota {dimensions = array<i32: 0>} : vector<16xi32>
        %add3A_1143 = arith.constant 0 : i32
        %add3A_1144 = vector.broadcast %add3A_1143 : i32 to vector<16xi32>
        %add3A_1145 = arith.addi %iota3A_1142, %add3A_1144 : vector<16xi32>
        %gather3A_1146 = arith.constant 6 : i32
        %gather3A_1147 = arith.constant 0 : i32
        %gather3A_1148 = arith.constant 0 : i32
        %gather3A_1149 = tpu.memref_slice %arg6[%gather3A_1146, %gather3A_1147, %gather3A_1148] : memref<8x64x128xf32, #tpu.memory_space<vmem>> -> memref<1x64x128xf32, #tpu.memory_space<vmem>>
        %gather3A_1150 = tpu.memref_squeeze %gather3A_1149 : memref<1x64x128xf32, #tpu.memory_space<vmem>> -> memref<64x128xf32, #tpu.memory_space<vmem>>
        %gather3A_1151 = tpu.vector_load_idx %gather3A_1150[%add3A_1145, %broadcast_in_dim3A_1137] : memref<64x128xf32, #tpu.memory_space<vmem>>[vector<16xi32>, vector<16xi32>], vector<16xf32>,
        tpu.vector_store_idx %arg7[%add3A_1145, %add3A_1141], %gather3A_1151 : memref<64x512xf32, #tpu.memory_space<vmem>>[vector<16xi32>, vector<16xi32>], vector<16xf32>,
        %iota3A_1152 = tpu.iota {dimensions = array<i32: 0>} : vector<16xi32>
        %add3A_1153 = arith.constant 16 : i32
        %add3A_1154 = vector.broadcast %add3A_1153 : i32 to vector<16xi32>
        %add3A_1155 = arith.addi %iota3A_1152, %add3A_1154 : vector<16xi32>
        %gather3A_1156 = arith.constant 6 : i32
        %gather3A_1157 = arith.constant 0 : i32
        %gather3A_1158 = arith.constant 0 : i32
        %gather3A_1159 = tpu.memref_slice %arg6[%gather3A_1156, %gather3A_1157, %gather3A_1158] : memref<8x64x128xf32, #tpu.memory_space<vmem>> -> memref<1x64x128xf32, #tpu.memory_space<vmem>>
        %gather3A_1160 = tpu.memref_squeeze %gather3A_1159 : memref<1x64x128xf32, #tpu.memory_space<vmem>> -> memref<64x128xf32, #tpu.memory_space<vmem>>
        %gather3A_1161 = tpu.vector_load_idx %gather3A_1160[%add3A_1155, %broadcast_in_dim3A_1137] : memref<64x128xf32, #tpu.memory_space<vmem>>[vector<16xi32>, vector<16xi32>], vector<16xf32>,
        tpu.vector_store_idx %arg7[%add3A_1155, %add3A_1141], %gather3A_1161 : memref<64x512xf32, #tpu.memory_space<vmem>>[vector<16xi32>, vector<16xi32>], vector<16xf32>,
        %iota3A_1162 = tpu.iota {dimensions = array<i32: 0>} : vector<16xi32>
        %add3A_1163 = arith.constant 32 : i32
        %add3A_1164 = vector.broadcast %add3A_1163 : i32 to vector<16xi32>
        %add3A_1165 = arith.addi %iota3A_1162, %add3A_1164 : vector<16xi32>
        %gather3A_1166 = arith.constant 6 : i32
        %gather3A_1167 = arith.constant 0 : i32
        %gather3A_1168 = arith.constant 0 : i32
        %gather3A_1169 = tpu.memref_slice %arg6[%gather3A_1166, %gather3A_1167, %gather3A_1168] : memref<8x64x128xf32, #tpu.memory_space<vmem>> -> memref<1x64x128xf32, #tpu.memory_space<vmem>>
        %gather3A_1170 = tpu.memref_squeeze %gather3A_1169 : memref<1x64x128xf32, #tpu.memory_space<vmem>> -> memref<64x128xf32, #tpu.memory_space<vmem>>
        %gather3A_1171 = tpu.vector_load_idx %gather3A_1170[%add3A_1165, %broadcast_in_dim3A_1137] : memref<64x128xf32, #tpu.memory_space<vmem>>[vector<16xi32>, vector<16xi32>], vector<16xf32>,
        tpu.vector_store_idx %arg7[%add3A_1165, %add3A_1141], %gather3A_1171 : memref<64x512xf32, #tpu.memory_space<vmem>>[vector<16xi32>, vector<16xi32>], vector<16xf32>,
        %iota3A_1172 = tpu.iota {dimensions = array<i32: 0>} : vector<16xi32>
        %add3A_1173 = arith.constant 48 : i32
        %add3A_1174 = vector.broadcast %add3A_1173 : i32 to vector<16xi32>
        %add3A_1175 = arith.addi %iota3A_1172, %add3A_1174 : vector<16xi32>
        %gather3A_1176 = arith.constant 6 : i32
        %gather3A_1177 = arith.constant 0 : i32
        %gather3A_1178 = arith.constant 0 : i32
        %gather3A_1179 = tpu.memref_slice %arg6[%gather3A_1176, %gather3A_1177, %gather3A_1178] : memref<8x64x128xf32, #tpu.memory_space<vmem>> -> memref<1x64x128xf32, #tpu.memory_space<vmem>>
        %gather3A_1180 = tpu.memref_squeeze %gather3A_1179 : memref<1x64x128xf32, #tpu.memory_space<vmem>> -> memref<64x128xf32, #tpu.memory_space<vmem>>
        %gather3A_1181 = tpu.vector_load_idx %gather3A_1180[%add3A_1175, %broadcast_in_dim3A_1137] : memref<64x128xf32, #tpu.memory_space<vmem>>[vector<16xi32>, vector<16xi32>], vector<16xf32>,
        tpu.vector_store_idx %arg7[%add3A_1175, %add3A_1141], %gather3A_1181 : memref<64x512xf32, #tpu.memory_space<vmem>>[vector<16xi32>, vector<16xi32>], vector<16xf32>,
      } else {
      }
      %slice3A_751 = vector.extract_strided_slice %get3A_519 {offsets = [6], sizes = [1], strides = [1]} : vector<16xi32> to vector<1xi32>
      %squeeze3A_752 = vector.extract %slice3A_751[0] : i32 from vector<1xi32>
      %shift_right_logical3A_753 = arith.constant 7 : i32
      %shift_right_logical3A_754 = arith.shrui %squeeze3A_752, %shift_right_logical3A_753 : i32
      %and3A_755 = arith.constant 127 : i32
      %and3A_756 = arith.andi %squeeze3A_752, %and3A_755 : i32
      %mul3A_757 = arith.constant 128 : i32
      %mul3A_758 = arith.muli %shift_right_logical3A_754, %mul3A_757 : i32
      %multiple_of3A_759 = tpu.assume_multiple %mul3A_758, 128 : i32
      %dma_start3A_760 = arith.constant 6 : i32
      %dma_start3A_761 = arith.constant 0 : i32
      %dma_start3A_762 = arith.constant 0 : i32
      %dma_start3A_763 = tpu.memref_slice %arg6[%dma_start3A_760, %dma_start3A_761, %dma_start3A_762] : memref<8x64x128xf32, #tpu.memory_space<vmem>> -> memref<1x64x128xf32, #tpu.memory_space<vmem>>
      %dma_start3A_764 = tpu.memref_squeeze %dma_start3A_763 : memref<1x64x128xf32, #tpu.memory_space<vmem>> -> memref<64x128xf32, #tpu.memory_space<vmem>>
      %dma_start3A_765 = arith.constant 0 : i32
      %dma_start3A_766 = tpu.memref_slice %arg3[%dma_start3A_765, %multiple_of3A_759] : memref<64x1000001xf32, #tpu.memory_space<hbm>> -> memref<64x128xf32, #tpu.memory_space<hbm>>
      %dma_start3A_767 = arith.constant 0 : i32
      %dma_start3A_768 = arith.constant 0 : i32
      %dma_start3A_769 = tpu.memref_slice %arg6[%dma_start3A_760, %dma_start3A_767, %dma_start3A_768] : memref<8x64x128xf32, #tpu.memory_space<vmem>> -> memref<1x64x128xf32, #tpu.memory_space<vmem>>
      %dma_start3A_770 = tpu.memref_squeeze %dma_start3A_769 : memref<1x64x128xf32, #tpu.memory_space<vmem>> -> memref<64x128xf32, #tpu.memory_space<vmem>>
      %dma_start3A_771 = arith.constant 0 : i32
      %dma_start3A_772 = tpu.memref_slice %arg3[%dma_start3A_771, %multiple_of3A_759] : memref<64x1000001xf32, #tpu.memory_space<hbm>> -> memref<64x128xf32, #tpu.memory_space<hbm>>
      tpu.enqueue_dma source(%dma_start3A_772 : memref<64x128xf32, #tpu.memory_space<hbm>>) target(%dma_start3A_770 : memref<64x128xf32, #tpu.memory_space<vmem>>) target_semaphore(%arg15 : memref<!tpu.dma_semaphore, #tpu.memory_space<semaphore_mem>>)
      %swap3A_773 = arith.constant 6 : i32
      %swap3A_774 = arith.index_cast %swap3A_773 : i32 to index
      %swap3A_775 = memref.load %arg8[%swap3A_774] : memref<8xi32, #tpu.memory_space<smem>>
      memref.store %and3A_756, %arg8[%swap3A_774] : memref<8xi32, #tpu.memory_space<smem>>
      %mul3A_776 = arith.constant 16 : i32
      %mul3A_777 = arith.muli %scan3A_515, %mul3A_776 : i32
      %add3A_778 = arith.constant 7 : i32
      %add3A_779 = arith.addi %mul3A_777, %add3A_778 : i32
      %eq3A_780 = arith.constant 0 : i32
      %eq3A_781 = arith.cmpi eq, %scan3A_515, %eq3A_780 : i32
      %and3A_782 = arith.constant true
      %and3A_783 = arith.andi %eq3A_781, %and3A_782 : i1
      %not3A_784 = arith.constant true
      %not3A_785 = arith.xori %and3A_783, %not3A_784 : i1
      %convert_element_type3A_786 = arith.extui %not3A_785 : i1 to i32
      %cond3A_787 = arith.constant 0 : i32
      %cond3A_788 = arith.cmpi ne, %convert_element_type3A_786, %cond3A_787 : i32
      scf.if %cond3A_788 {
        %dma_wait3A_1118 = arith.constant 7 : i32
        %dma_wait3A_1119 = arith.constant 0 : i32
        %dma_wait3A_1120 = arith.constant 0 : i32
        %dma_wait3A_1121 = tpu.memref_slice %arg6[%dma_wait3A_1118, %dma_wait3A_1119, %dma_wait3A_1120] : memref<8x64x128xf32, #tpu.memory_space<vmem>> -> memref<1x64x128xf32, #tpu.memory_space<vmem>>
        %dma_wait3A_1122 = tpu.memref_squeeze %dma_wait3A_1121 : memref<1x64x128xf32, #tpu.memory_space<vmem>> -> memref<64x128xf32, #tpu.memory_space<vmem>>
        %dma_wait3A_1123 = arith.constant 0 : i32
        %dma_wait3A_1124 = arith.constant 0 : i32
        %dma_wait3A_1125 = tpu.memref_slice %arg3[%dma_wait3A_1123, %dma_wait3A_1124] : memref<64x1000001xf32, #tpu.memory_space<hbm>> -> memref<64x128xf32, #tpu.memory_space<hbm>>
        %dma_wait3A_1126 = arith.constant 0 : i32
        %dma_wait3A_1127 = arith.constant 0 : i32
        %dma_wait3A_1128 = tpu.memref_slice %arg6[%dma_wait3A_1118, %dma_wait3A_1126, %dma_wait3A_1127] : memref<8x64x128xf32, #tpu.memory_space<vmem>> -> memref<1x64x128xf32, #tpu.memory_space<vmem>>
        %dma_wait3A_1129 = tpu.memref_squeeze %dma_wait3A_1128 : memref<1x64x128xf32, #tpu.memory_space<vmem>> -> memref<64x128xf32, #tpu.memory_space<vmem>>
        %dma_wait3A_1130 = arith.constant 0 : i32
        %dma_wait3A_1131 = arith.constant 0 : i32
        %dma_wait3A_1132 = tpu.memref_slice %arg3[%dma_wait3A_1130, %dma_wait3A_1131] : memref<64x1000001xf32, #tpu.memory_space<hbm>> -> memref<64x128xf32, #tpu.memory_space<hbm>>
        tpu.wait_dma2 semaphore(%arg16 : memref<!tpu.dma_semaphore, #tpu.memory_space<semaphore_mem>>) src(%dma_wait3A_1132 : memref<64x128xf32, #tpu.memory_space<hbm>>) dst(%dma_wait3A_1129 : memref<64x128xf32, #tpu.memory_space<vmem>>)
        %sub3A = arith.constant 8 : i32
        %sub3A_1133 = arith.subi %add3A_779, %sub3A : i32
        %get3A_1134 = arith.constant 7 : i32
        %get3A_1135 = arith.index_cast %get3A_1134 : i32 to index
        %get3A_1136 = memref.load %arg8[%get3A_1135] : memref<8xi32, #tpu.memory_space<smem>>
        %broadcast_in_dim3A_1137 = vector.broadcast %get3A_1136 : i32 to vector<16xi32>
        %broadcast_in_dim3A_1138 = arith.constant 0 : i32
        %broadcast_in_dim3A_1139 = vector.broadcast %broadcast_in_dim3A_1138 : i32 to vector<16xi32>
        %add3A_1140 = vector.broadcast %sub3A_1133 : i32 to vector<16xi32>
        %add3A_1141 = arith.addi %broadcast_in_dim3A_1139, %add3A_1140 : vector<16xi32>
        %iota3A_1142 = tpu.iota {dimensions = array<i32: 0>} : vector<16xi32>
        %add3A_1143 = arith.constant 0 : i32
        %add3A_1144 = vector.broadcast %add3A_1143 : i32 to vector<16xi32>
        %add3A_1145 = arith.addi %iota3A_1142, %add3A_1144 : vector<16xi32>
        %gather3A_1146 = arith.constant 7 : i32
        %gather3A_1147 = arith.constant 0 : i32
        %gather3A_1148 = arith.constant 0 : i32
        %gather3A_1149 = tpu.memref_slice %arg6[%gather3A_1146, %gather3A_1147, %gather3A_1148] : memref<8x64x128xf32, #tpu.memory_space<vmem>> -> memref<1x64x128xf32, #tpu.memory_space<vmem>>
        %gather3A_1150 = tpu.memref_squeeze %gather3A_1149 : memref<1x64x128xf32, #tpu.memory_space<vmem>> -> memref<64x128xf32, #tpu.memory_space<vmem>>
        %gather3A_1151 = tpu.vector_load_idx %gather3A_1150[%add3A_1145, %broadcast_in_dim3A_1137] : memref<64x128xf32, #tpu.memory_space<vmem>>[vector<16xi32>, vector<16xi32>], vector<16xf32>,
        tpu.vector_store_idx %arg7[%add3A_1145, %add3A_1141], %gather3A_1151 : memref<64x512xf32, #tpu.memory_space<vmem>>[vector<16xi32>, vector<16xi32>], vector<16xf32>,
        %iota3A_1152 = tpu.iota {dimensions = array<i32: 0>} : vector<16xi32>
        %add3A_1153 = arith.constant 16 : i32
        %add3A_1154 = vector.broadcast %add3A_1153 : i32 to vector<16xi32>
        %add3A_1155 = arith.addi %iota3A_1152, %add3A_1154 : vector<16xi32>
        %gather3A_1156 = arith.constant 7 : i32
        %gather3A_1157 = arith.constant 0 : i32
        %gather3A_1158 = arith.constant 0 : i32
        %gather3A_1159 = tpu.memref_slice %arg6[%gather3A_1156, %gather3A_1157, %gather3A_1158] : memref<8x64x128xf32, #tpu.memory_space<vmem>> -> memref<1x64x128xf32, #tpu.memory_space<vmem>>
        %gather3A_1160 = tpu.memref_squeeze %gather3A_1159 : memref<1x64x128xf32, #tpu.memory_space<vmem>> -> memref<64x128xf32, #tpu.memory_space<vmem>>
        %gather3A_1161 = tpu.vector_load_idx %gather3A_1160[%add3A_1155, %broadcast_in_dim3A_1137] : memref<64x128xf32, #tpu.memory_space<vmem>>[vector<16xi32>, vector<16xi32>], vector<16xf32>,
        tpu.vector_store_idx %arg7[%add3A_1155, %add3A_1141], %gather3A_1161 : memref<64x512xf32, #tpu.memory_space<vmem>>[vector<16xi32>, vector<16xi32>], vector<16xf32>,
        %iota3A_1162 = tpu.iota {dimensions = array<i32: 0>} : vector<16xi32>
        %add3A_1163 = arith.constant 32 : i32
        %add3A_1164 = vector.broadcast %add3A_1163 : i32 to vector<16xi32>
        %add3A_1165 = arith.addi %iota3A_1162, %add3A_1164 : vector<16xi32>
        %gather3A_1166 = arith.constant 7 : i32
        %gather3A_1167 = arith.constant 0 : i32
        %gather3A_1168 = arith.constant 0 : i32
        %gather3A_1169 = tpu.memref_slice %arg6[%gather3A_1166, %gather3A_1167, %gather3A_1168] : memref<8x64x128xf32, #tpu.memory_space<vmem>> -> memref<1x64x128xf32, #tpu.memory_space<vmem>>
        %gather3A_1170 = tpu.memref_squeeze %gather3A_1169 : memref<1x64x128xf32, #tpu.memory_space<vmem>> -> memref<64x128xf32, #tpu.memory_space<vmem>>
        %gather3A_1171 = tpu.vector_load_idx %gather3A_1170[%add3A_1165, %broadcast_in_dim3A_1137] : memref<64x128xf32, #tpu.memory_space<vmem>>[vector<16xi32>, vector<16xi32>], vector<16xf32>,
        tpu.vector_store_idx %arg7[%add3A_1165, %add3A_1141], %gather3A_1171 : memref<64x512xf32, #tpu.memory_space<vmem>>[vector<16xi32>, vector<16xi32>], vector<16xf32>,
        %iota3A_1172 = tpu.iota {dimensions = array<i32: 0>} : vector<16xi32>
        %add3A_1173 = arith.constant 48 : i32
        %add3A_1174 = vector.broadcast %add3A_1173 : i32 to vector<16xi32>
        %add3A_1175 = arith.addi %iota3A_1172, %add3A_1174 : vector<16xi32>
        %gather3A_1176 = arith.constant 7 : i32
        %gather3A_1177 = arith.constant 0 : i32
        %gather3A_1178 = arith.constant 0 : i32
        %gather3A_1179 = tpu.memref_slice %arg6[%gather3A_1176, %gather3A_1177, %gather3A_1178] : memref<8x64x128xf32, #tpu.memory_space<vmem>> -> memref<1x64x128xf32, #tpu.memory_space<vmem>>
        %gather3A_1180 = tpu.memref_squeeze %gather3A_1179 : memref<1x64x128xf32, #tpu.memory_space<vmem>> -> memref<64x128xf32, #tpu.memory_space<vmem>>
        %gather3A_1181 = tpu.vector_load_idx %gather3A_1180[%add3A_1175, %broadcast_in_dim3A_1137] : memref<64x128xf32, #tpu.memory_space<vmem>>[vector<16xi32>, vector<16xi32>], vector<16xf32>,
        tpu.vector_store_idx %arg7[%add3A_1175, %add3A_1141], %gather3A_1181 : memref<64x512xf32, #tpu.memory_space<vmem>>[vector<16xi32>, vector<16xi32>], vector<16xf32>,
      } else {
      }
      %slice3A_789 = vector.extract_strided_slice %get3A_519 {offsets = [7], sizes = [1], strides = [1]} : vector<16xi32> to vector<1xi32>
      %squeeze3A_790 = vector.extract %slice3A_789[0] : i32 from vector<1xi32>
      %shift_right_logical3A_791 = arith.constant 7 : i32
      %shift_right_logical3A_792 = arith.shrui %squeeze3A_790, %shift_right_logical3A_791 : i32
      %and3A_793 = arith.constant 127 : i32
      %and3A_794 = arith.andi %squeeze3A_790, %and3A_793 : i32
      %mul3A_795 = arith.constant 128 : i32
      %mul3A_796 = arith.muli %shift_right_logical3A_792, %mul3A_795 : i32
      %multiple_of3A_797 = tpu.assume_multiple %mul3A_796, 128 : i32
      %dma_start3A_798 = arith.constant 7 : i32
      %dma_start3A_799 = arith.constant 0 : i32
      %dma_start3A_800 = arith.constant 0 : i32
      %dma_start3A_801 = tpu.memref_slice %arg6[%dma_start3A_798, %dma_start3A_799, %dma_start3A_800] : memref<8x64x128xf32, #tpu.memory_space<vmem>> -> memref<1x64x128xf32, #tpu.memory_space<vmem>>
      %dma_start3A_802 = tpu.memref_squeeze %dma_start3A_801 : memref<1x64x128xf32, #tpu.memory_space<vmem>> -> memref<64x128xf32, #tpu.memory_space<vmem>>
      %dma_start3A_803 = arith.constant 0 : i32
      %dma_start3A_804 = tpu.memref_slice %arg3[%dma_start3A_803, %multiple_of3A_797] : memref<64x1000001xf32, #tpu.memory_space<hbm>> -> memref<64x128xf32, #tpu.memory_space<hbm>>
      %dma_start3A_805 = arith.constant 0 : i32
      %dma_start3A_806 = arith.constant 0 : i32
      %dma_start3A_807 = tpu.memref_slice %arg6[%dma_start3A_798, %dma_start3A_805, %dma_start3A_806] : memref<8x64x128xf32, #tpu.memory_space<vmem>> -> memref<1x64x128xf32, #tpu.memory_space<vmem>>
      %dma_start3A_808 = tpu.memref_squeeze %dma_start3A_807 : memref<1x64x128xf32, #tpu.memory_space<vmem>> -> memref<64x128xf32, #tpu.memory_space<vmem>>
      %dma_start3A_809 = arith.constant 0 : i32
      %dma_start3A_810 = tpu.memref_slice %arg3[%dma_start3A_809, %multiple_of3A_797] : memref<64x1000001xf32, #tpu.memory_space<hbm>> -> memref<64x128xf32, #tpu.memory_space<hbm>>
      tpu.enqueue_dma source(%dma_start3A_810 : memref<64x128xf32, #tpu.memory_space<hbm>>) target(%dma_start3A_808 : memref<64x128xf32, #tpu.memory_space<vmem>>) target_semaphore(%arg16 : memref<!tpu.dma_semaphore, #tpu.memory_space<semaphore_mem>>)
      %swap3A_811 = arith.constant 7 : i32
      %swap3A_812 = arith.index_cast %swap3A_811 : i32 to index
      %swap3A_813 = memref.load %arg8[%swap3A_812] : memref<8xi32, #tpu.memory_space<smem>>
      memref.store %and3A_794, %arg8[%swap3A_812] : memref<8xi32, #tpu.memory_space<smem>>
      %mul3A_814 = arith.constant 16 : i32
      %mul3A_815 = arith.muli %scan3A_515, %mul3A_814 : i32
      %add3A_816 = arith.constant 8 : i32
      %add3A_817 = arith.addi %mul3A_815, %add3A_816 : i32
      %eq3A_818 = arith.constant 0 : i32
      %eq3A_819 = arith.cmpi eq, %scan3A_515, %eq3A_818 : i32
      %and3A_820 = arith.constant false
      %and3A_821 = arith.andi %eq3A_819, %and3A_820 : i1
      %not3A_822 = arith.constant true
      %not3A_823 = arith.xori %and3A_821, %not3A_822 : i1
      %convert_element_type3A_824 = arith.extui %not3A_823 : i1 to i32
      %cond3A_825 = arith.constant 0 : i32
      %cond3A_826 = arith.cmpi ne, %convert_element_type3A_824, %cond3A_825 : i32
      scf.if %cond3A_826 {
        %dma_wait3A_1118 = arith.constant 0 : i32
        %dma_wait3A_1119 = arith.constant 0 : i32
        %dma_wait3A_1120 = arith.constant 0 : i32
        %dma_wait3A_1121 = tpu.memref_slice %arg6[%dma_wait3A_1118, %dma_wait3A_1119, %dma_wait3A_1120] : memref<8x64x128xf32, #tpu.memory_space<vmem>> -> memref<1x64x128xf32, #tpu.memory_space<vmem>>
        %dma_wait3A_1122 = tpu.memref_squeeze %dma_wait3A_1121 : memref<1x64x128xf32, #tpu.memory_space<vmem>> -> memref<64x128xf32, #tpu.memory_space<vmem>>
        %dma_wait3A_1123 = arith.constant 0 : i32
        %dma_wait3A_1124 = arith.constant 0 : i32
        %dma_wait3A_1125 = tpu.memref_slice %arg3[%dma_wait3A_1123, %dma_wait3A_1124] : memref<64x1000001xf32, #tpu.memory_space<hbm>> -> memref<64x128xf32, #tpu.memory_space<hbm>>
        %dma_wait3A_1126 = arith.constant 0 : i32
        %dma_wait3A_1127 = arith.constant 0 : i32
        %dma_wait3A_1128 = tpu.memref_slice %arg6[%dma_wait3A_1118, %dma_wait3A_1126, %dma_wait3A_1127] : memref<8x64x128xf32, #tpu.memory_space<vmem>> -> memref<1x64x128xf32, #tpu.memory_space<vmem>>
        %dma_wait3A_1129 = tpu.memref_squeeze %dma_wait3A_1128 : memref<1x64x128xf32, #tpu.memory_space<vmem>> -> memref<64x128xf32, #tpu.memory_space<vmem>>
        %dma_wait3A_1130 = arith.constant 0 : i32
        %dma_wait3A_1131 = arith.constant 0 : i32
        %dma_wait3A_1132 = tpu.memref_slice %arg3[%dma_wait3A_1130, %dma_wait3A_1131] : memref<64x1000001xf32, #tpu.memory_space<hbm>> -> memref<64x128xf32, #tpu.memory_space<hbm>>
        tpu.wait_dma2 semaphore(%arg9 : memref<!tpu.dma_semaphore, #tpu.memory_space<semaphore_mem>>) src(%dma_wait3A_1132 : memref<64x128xf32, #tpu.memory_space<hbm>>) dst(%dma_wait3A_1129 : memref<64x128xf32, #tpu.memory_space<vmem>>)
        %sub3A = arith.constant 8 : i32
        %sub3A_1133 = arith.subi %add3A_817, %sub3A : i32
        %get3A_1134 = arith.constant 0 : i32
        %get3A_1135 = arith.index_cast %get3A_1134 : i32 to index
        %get3A_1136 = memref.load %arg8[%get3A_1135] : memref<8xi32, #tpu.memory_space<smem>>
        %broadcast_in_dim3A_1137 = vector.broadcast %get3A_1136 : i32 to vector<16xi32>
        %broadcast_in_dim3A_1138 = arith.constant 0 : i32
        %broadcast_in_dim3A_1139 = vector.broadcast %broadcast_in_dim3A_1138 : i32 to vector<16xi32>
        %add3A_1140 = vector.broadcast %sub3A_1133 : i32 to vector<16xi32>
        %add3A_1141 = arith.addi %broadcast_in_dim3A_1139, %add3A_1140 : vector<16xi32>
        %iota3A_1142 = tpu.iota {dimensions = array<i32: 0>} : vector<16xi32>
        %add3A_1143 = arith.constant 0 : i32
        %add3A_1144 = vector.broadcast %add3A_1143 : i32 to vector<16xi32>
        %add3A_1145 = arith.addi %iota3A_1142, %add3A_1144 : vector<16xi32>
        %gather3A_1146 = arith.constant 0 : i32
        %gather3A_1147 = arith.constant 0 : i32
        %gather3A_1148 = arith.constant 0 : i32
        %gather3A_1149 = tpu.memref_slice %arg6[%gather3A_1146, %gather3A_1147, %gather3A_1148] : memref<8x64x128xf32, #tpu.memory_space<vmem>> -> memref<1x64x128xf32, #tpu.memory_space<vmem>>
        %gather3A_1150 = tpu.memref_squeeze %gather3A_1149 : memref<1x64x128xf32, #tpu.memory_space<vmem>> -> memref<64x128xf32, #tpu.memory_space<vmem>>
        %gather3A_1151 = tpu.vector_load_idx %gather3A_1150[%add3A_1145, %broadcast_in_dim3A_1137] : memref<64x128xf32, #tpu.memory_space<vmem>>[vector<16xi32>, vector<16xi32>], vector<16xf32>,
        tpu.vector_store_idx %arg7[%add3A_1145, %add3A_1141], %gather3A_1151 : memref<64x512xf32, #tpu.memory_space<vmem>>[vector<16xi32>, vector<16xi32>], vector<16xf32>,
        %iota3A_1152 = tpu.iota {dimensions = array<i32: 0>} : vector<16xi32>
        %add3A_1153 = arith.constant 16 : i32
        %add3A_1154 = vector.broadcast %add3A_1153 : i32 to vector<16xi32>
        %add3A_1155 = arith.addi %iota3A_1152, %add3A_1154 : vector<16xi32>
        %gather3A_1156 = arith.constant 0 : i32
        %gather3A_1157 = arith.constant 0 : i32
        %gather3A_1158 = arith.constant 0 : i32
        %gather3A_1159 = tpu.memref_slice %arg6[%gather3A_1156, %gather3A_1157, %gather3A_1158] : memref<8x64x128xf32, #tpu.memory_space<vmem>> -> memref<1x64x128xf32, #tpu.memory_space<vmem>>
        %gather3A_1160 = tpu.memref_squeeze %gather3A_1159 : memref<1x64x128xf32, #tpu.memory_space<vmem>> -> memref<64x128xf32, #tpu.memory_space<vmem>>
        %gather3A_1161 = tpu.vector_load_idx %gather3A_1160[%add3A_1155, %broadcast_in_dim3A_1137] : memref<64x128xf32, #tpu.memory_space<vmem>>[vector<16xi32>, vector<16xi32>], vector<16xf32>,
        tpu.vector_store_idx %arg7[%add3A_1155, %add3A_1141], %gather3A_1161 : memref<64x512xf32, #tpu.memory_space<vmem>>[vector<16xi32>, vector<16xi32>], vector<16xf32>,
        %iota3A_1162 = tpu.iota {dimensions = array<i32: 0>} : vector<16xi32>
        %add3A_1163 = arith.constant 32 : i32
        %add3A_1164 = vector.broadcast %add3A_1163 : i32 to vector<16xi32>
        %add3A_1165 = arith.addi %iota3A_1162, %add3A_1164 : vector<16xi32>
        %gather3A_1166 = arith.constant 0 : i32
        %gather3A_1167 = arith.constant 0 : i32
        %gather3A_1168 = arith.constant 0 : i32
        %gather3A_1169 = tpu.memref_slice %arg6[%gather3A_1166, %gather3A_1167, %gather3A_1168] : memref<8x64x128xf32, #tpu.memory_space<vmem>> -> memref<1x64x128xf32, #tpu.memory_space<vmem>>
        %gather3A_1170 = tpu.memref_squeeze %gather3A_1169 : memref<1x64x128xf32, #tpu.memory_space<vmem>> -> memref<64x128xf32, #tpu.memory_space<vmem>>
        %gather3A_1171 = tpu.vector_load_idx %gather3A_1170[%add3A_1165, %broadcast_in_dim3A_1137] : memref<64x128xf32, #tpu.memory_space<vmem>>[vector<16xi32>, vector<16xi32>], vector<16xf32>,
        tpu.vector_store_idx %arg7[%add3A_1165, %add3A_1141], %gather3A_1171 : memref<64x512xf32, #tpu.memory_space<vmem>>[vector<16xi32>, vector<16xi32>], vector<16xf32>,
        %iota3A_1172 = tpu.iota {dimensions = array<i32: 0>} : vector<16xi32>
        %add3A_1173 = arith.constant 48 : i32
        %add3A_1174 = vector.broadcast %add3A_1173 : i32 to vector<16xi32>
        %add3A_1175 = arith.addi %iota3A_1172, %add3A_1174 : vector<16xi32>
        %gather3A_1176 = arith.constant 0 : i32
        %gather3A_1177 = arith.constant 0 : i32
        %gather3A_1178 = arith.constant 0 : i32
        %gather3A_1179 = tpu.memref_slice %arg6[%gather3A_1176, %gather3A_1177, %gather3A_1178] : memref<8x64x128xf32, #tpu.memory_space<vmem>> -> memref<1x64x128xf32, #tpu.memory_space<vmem>>
        %gather3A_1180 = tpu.memref_squeeze %gather3A_1179 : memref<1x64x128xf32, #tpu.memory_space<vmem>> -> memref<64x128xf32, #tpu.memory_space<vmem>>
        %gather3A_1181 = tpu.vector_load_idx %gather3A_1180[%add3A_1175, %broadcast_in_dim3A_1137] : memref<64x128xf32, #tpu.memory_space<vmem>>[vector<16xi32>, vector<16xi32>], vector<16xf32>,
        tpu.vector_store_idx %arg7[%add3A_1175, %add3A_1141], %gather3A_1181 : memref<64x512xf32, #tpu.memory_space<vmem>>[vector<16xi32>, vector<16xi32>], vector<16xf32>,
      } else {
      }
      %slice3A_827 = vector.extract_strided_slice %get3A_519 {offsets = [8], sizes = [1], strides = [1]} : vector<16xi32> to vector<1xi32>
      %squeeze3A_828 = vector.extract %slice3A_827[0] : i32 from vector<1xi32>
      %shift_right_logical3A_829 = arith.constant 7 : i32
      %shift_right_logical3A_830 = arith.shrui %squeeze3A_828, %shift_right_logical3A_829 : i32
      %and3A_831 = arith.constant 127 : i32
      %and3A_832 = arith.andi %squeeze3A_828, %and3A_831 : i32
      %mul3A_833 = arith.constant 128 : i32
      %mul3A_834 = arith.muli %shift_right_logical3A_830, %mul3A_833 : i32
      %multiple_of3A_835 = tpu.assume_multiple %mul3A_834, 128 : i32
      %dma_start3A_836 = arith.constant 0 : i32
      %dma_start3A_837 = arith.constant 0 : i32
      %dma_start3A_838 = arith.constant 0 : i32
      %dma_start3A_839 = tpu.memref_slice %arg6[%dma_start3A_836, %dma_start3A_837, %dma_start3A_838] : memref<8x64x128xf32, #tpu.memory_space<vmem>> -> memref<1x64x128xf32, #tpu.memory_space<vmem>>
      %dma_start3A_840 = tpu.memref_squeeze %dma_start3A_839 : memref<1x64x128xf32, #tpu.memory_space<vmem>> -> memref<64x128xf32, #tpu.memory_space<vmem>>
      %dma_start3A_841 = arith.constant 0 : i32
      %dma_start3A_842 = tpu.memref_slice %arg3[%dma_start3A_841, %multiple_of3A_835] : memref<64x1000001xf32, #tpu.memory_space<hbm>> -> memref<64x128xf32, #tpu.memory_space<hbm>>
      %dma_start3A_843 = arith.constant 0 : i32
      %dma_start3A_844 = arith.constant 0 : i32
      %dma_start3A_845 = tpu.memref_slice %arg6[%dma_start3A_836, %dma_start3A_843, %dma_start3A_844] : memref<8x64x128xf32, #tpu.memory_space<vmem>> -> memref<1x64x128xf32, #tpu.memory_space<vmem>>
      %dma_start3A_846 = tpu.memref_squeeze %dma_start3A_845 : memref<1x64x128xf32, #tpu.memory_space<vmem>> -> memref<64x128xf32, #tpu.memory_space<vmem>>
      %dma_start3A_847 = arith.constant 0 : i32
      %dma_start3A_848 = tpu.memref_slice %arg3[%dma_start3A_847, %multiple_of3A_835] : memref<64x1000001xf32, #tpu.memory_space<hbm>> -> memref<64x128xf32, #tpu.memory_space<hbm>>
      tpu.enqueue_dma source(%dma_start3A_848 : memref<64x128xf32, #tpu.memory_space<hbm>>) target(%dma_start3A_846 : memref<64x128xf32, #tpu.memory_space<vmem>>) target_semaphore(%arg9 : memref<!tpu.dma_semaphore, #tpu.memory_space<semaphore_mem>>)
      %swap3A_849 = arith.constant 0 : i32
      %swap3A_850 = arith.index_cast %swap3A_849 : i32 to index
      %swap3A_851 = memref.load %arg8[%swap3A_850] : memref<8xi32, #tpu.memory_space<smem>>
      memref.store %and3A_832, %arg8[%swap3A_850] : memref<8xi32, #tpu.memory_space<smem>>
      %mul3A_852 = arith.constant 16 : i32
      %mul3A_853 = arith.muli %scan3A_515, %mul3A_852 : i32
      %add3A_854 = arith.constant 9 : i32
      %add3A_855 = arith.addi %mul3A_853, %add3A_854 : i32
      %eq3A_856 = arith.constant 0 : i32
      %eq3A_857 = arith.cmpi eq, %scan3A_515, %eq3A_856 : i32
      %and3A_858 = arith.constant false
      %and3A_859 = arith.andi %eq3A_857, %and3A_858 : i1
      %not3A_860 = arith.constant true
      %not3A_861 = arith.xori %and3A_859, %not3A_860 : i1
      %convert_element_type3A_862 = arith.extui %not3A_861 : i1 to i32
      %cond3A_863 = arith.constant 0 : i32
      %cond3A_864 = arith.cmpi ne, %convert_element_type3A_862, %cond3A_863 : i32
      scf.if %cond3A_864 {
        %dma_wait3A_1118 = arith.constant 1 : i32
        %dma_wait3A_1119 = arith.constant 0 : i32
        %dma_wait3A_1120 = arith.constant 0 : i32
        %dma_wait3A_1121 = tpu.memref_slice %arg6[%dma_wait3A_1118, %dma_wait3A_1119, %dma_wait3A_1120] : memref<8x64x128xf32, #tpu.memory_space<vmem>> -> memref<1x64x128xf32, #tpu.memory_space<vmem>>
        %dma_wait3A_1122 = tpu.memref_squeeze %dma_wait3A_1121 : memref<1x64x128xf32, #tpu.memory_space<vmem>> -> memref<64x128xf32, #tpu.memory_space<vmem>>
        %dma_wait3A_1123 = arith.constant 0 : i32
        %dma_wait3A_1124 = arith.constant 0 : i32
        %dma_wait3A_1125 = tpu.memref_slice %arg3[%dma_wait3A_1123, %dma_wait3A_1124] : memref<64x1000001xf32, #tpu.memory_space<hbm>> -> memref<64x128xf32, #tpu.memory_space<hbm>>
        %dma_wait3A_1126 = arith.constant 0 : i32
        %dma_wait3A_1127 = arith.constant 0 : i32
        %dma_wait3A_1128 = tpu.memref_slice %arg6[%dma_wait3A_1118, %dma_wait3A_1126, %dma_wait3A_1127] : memref<8x64x128xf32, #tpu.memory_space<vmem>> -> memref<1x64x128xf32, #tpu.memory_space<vmem>>
        %dma_wait3A_1129 = tpu.memref_squeeze %dma_wait3A_1128 : memref<1x64x128xf32, #tpu.memory_space<vmem>> -> memref<64x128xf32, #tpu.memory_space<vmem>>
        %dma_wait3A_1130 = arith.constant 0 : i32
        %dma_wait3A_1131 = arith.constant 0 : i32
        %dma_wait3A_1132 = tpu.memref_slice %arg3[%dma_wait3A_1130, %dma_wait3A_1131] : memref<64x1000001xf32, #tpu.memory_space<hbm>> -> memref<64x128xf32, #tpu.memory_space<hbm>>
        tpu.wait_dma2 semaphore(%arg10 : memref<!tpu.dma_semaphore, #tpu.memory_space<semaphore_mem>>) src(%dma_wait3A_1132 : memref<64x128xf32, #tpu.memory_space<hbm>>) dst(%dma_wait3A_1129 : memref<64x128xf32, #tpu.memory_space<vmem>>)
        %sub3A = arith.constant 8 : i32
        %sub3A_1133 = arith.subi %add3A_855, %sub3A : i32
        %get3A_1134 = arith.constant 1 : i32
        %get3A_1135 = arith.index_cast %get3A_1134 : i32 to index
        %get3A_1136 = memref.load %arg8[%get3A_1135] : memref<8xi32, #tpu.memory_space<smem>>
        %broadcast_in_dim3A_1137 = vector.broadcast %get3A_1136 : i32 to vector<16xi32>
        %broadcast_in_dim3A_1138 = arith.constant 0 : i32
        %broadcast_in_dim3A_1139 = vector.broadcast %broadcast_in_dim3A_1138 : i32 to vector<16xi32>
        %add3A_1140 = vector.broadcast %sub3A_1133 : i32 to vector<16xi32>
        %add3A_1141 = arith.addi %broadcast_in_dim3A_1139, %add3A_1140 : vector<16xi32>
        %iota3A_1142 = tpu.iota {dimensions = array<i32: 0>} : vector<16xi32>
        %add3A_1143 = arith.constant 0 : i32
        %add3A_1144 = vector.broadcast %add3A_1143 : i32 to vector<16xi32>
        %add3A_1145 = arith.addi %iota3A_1142, %add3A_1144 : vector<16xi32>
        %gather3A_1146 = arith.constant 1 : i32
        %gather3A_1147 = arith.constant 0 : i32
        %gather3A_1148 = arith.constant 0 : i32
        %gather3A_1149 = tpu.memref_slice %arg6[%gather3A_1146, %gather3A_1147, %gather3A_1148] : memref<8x64x128xf32, #tpu.memory_space<vmem>> -> memref<1x64x128xf32, #tpu.memory_space<vmem>>
        %gather3A_1150 = tpu.memref_squeeze %gather3A_1149 : memref<1x64x128xf32, #tpu.memory_space<vmem>> -> memref<64x128xf32, #tpu.memory_space<vmem>>
        %gather3A_1151 = tpu.vector_load_idx %gather3A_1150[%add3A_1145, %broadcast_in_dim3A_1137] : memref<64x128xf32, #tpu.memory_space<vmem>>[vector<16xi32>, vector<16xi32>], vector<16xf32>,
        tpu.vector_store_idx %arg7[%add3A_1145, %add3A_1141], %gather3A_1151 : memref<64x512xf32, #tpu.memory_space<vmem>>[vector<16xi32>, vector<16xi32>], vector<16xf32>,
        %iota3A_1152 = tpu.iota {dimensions = array<i32: 0>} : vector<16xi32>
        %add3A_1153 = arith.constant 16 : i32
        %add3A_1154 = vector.broadcast %add3A_1153 : i32 to vector<16xi32>
        %add3A_1155 = arith.addi %iota3A_1152, %add3A_1154 : vector<16xi32>
        %gather3A_1156 = arith.constant 1 : i32
        %gather3A_1157 = arith.constant 0 : i32
        %gather3A_1158 = arith.constant 0 : i32
        %gather3A_1159 = tpu.memref_slice %arg6[%gather3A_1156, %gather3A_1157, %gather3A_1158] : memref<8x64x128xf32, #tpu.memory_space<vmem>> -> memref<1x64x128xf32, #tpu.memory_space<vmem>>
        %gather3A_1160 = tpu.memref_squeeze %gather3A_1159 : memref<1x64x128xf32, #tpu.memory_space<vmem>> -> memref<64x128xf32, #tpu.memory_space<vmem>>
        %gather3A_1161 = tpu.vector_load_idx %gather3A_1160[%add3A_1155, %broadcast_in_dim3A_1137] : memref<64x128xf32, #tpu.memory_space<vmem>>[vector<16xi32>, vector<16xi32>], vector<16xf32>,
        tpu.vector_store_idx %arg7[%add3A_1155, %add3A_1141], %gather3A_1161 : memref<64x512xf32, #tpu.memory_space<vmem>>[vector<16xi32>, vector<16xi32>], vector<16xf32>,
        %iota3A_1162 = tpu.iota {dimensions = array<i32: 0>} : vector<16xi32>
        %add3A_1163 = arith.constant 32 : i32
        %add3A_1164 = vector.broadcast %add3A_1163 : i32 to vector<16xi32>
        %add3A_1165 = arith.addi %iota3A_1162, %add3A_1164 : vector<16xi32>
        %gather3A_1166 = arith.constant 1 : i32
        %gather3A_1167 = arith.constant 0 : i32
        %gather3A_1168 = arith.constant 0 : i32
        %gather3A_1169 = tpu.memref_slice %arg6[%gather3A_1166, %gather3A_1167, %gather3A_1168] : memref<8x64x128xf32, #tpu.memory_space<vmem>> -> memref<1x64x128xf32, #tpu.memory_space<vmem>>
        %gather3A_1170 = tpu.memref_squeeze %gather3A_1169 : memref<1x64x128xf32, #tpu.memory_space<vmem>> -> memref<64x128xf32, #tpu.memory_space<vmem>>
        %gather3A_1171 = tpu.vector_load_idx %gather3A_1170[%add3A_1165, %broadcast_in_dim3A_1137] : memref<64x128xf32, #tpu.memory_space<vmem>>[vector<16xi32>, vector<16xi32>], vector<16xf32>,
        tpu.vector_store_idx %arg7[%add3A_1165, %add3A_1141], %gather3A_1171 : memref<64x512xf32, #tpu.memory_space<vmem>>[vector<16xi32>, vector<16xi32>], vector<16xf32>,
        %iota3A_1172 = tpu.iota {dimensions = array<i32: 0>} : vector<16xi32>
        %add3A_1173 = arith.constant 48 : i32
        %add3A_1174 = vector.broadcast %add3A_1173 : i32 to vector<16xi32>
        %add3A_1175 = arith.addi %iota3A_1172, %add3A_1174 : vector<16xi32>
        %gather3A_1176 = arith.constant 1 : i32
        %gather3A_1177 = arith.constant 0 : i32
        %gather3A_1178 = arith.constant 0 : i32
        %gather3A_1179 = tpu.memref_slice %arg6[%gather3A_1176, %gather3A_1177, %gather3A_1178] : memref<8x64x128xf32, #tpu.memory_space<vmem>> -> memref<1x64x128xf32, #tpu.memory_space<vmem>>
        %gather3A_1180 = tpu.memref_squeeze %gather3A_1179 : memref<1x64x128xf32, #tpu.memory_space<vmem>> -> memref<64x128xf32, #tpu.memory_space<vmem>>
        %gather3A_1181 = tpu.vector_load_idx %gather3A_1180[%add3A_1175, %broadcast_in_dim3A_1137] : memref<64x128xf32, #tpu.memory_space<vmem>>[vector<16xi32>, vector<16xi32>], vector<16xf32>,
        tpu.vector_store_idx %arg7[%add3A_1175, %add3A_1141], %gather3A_1181 : memref<64x512xf32, #tpu.memory_space<vmem>>[vector<16xi32>, vector<16xi32>], vector<16xf32>,
      } else {
      }
      %slice3A_865 = vector.extract_strided_slice %get3A_519 {offsets = [9], sizes = [1], strides = [1]} : vector<16xi32> to vector<1xi32>
      %squeeze3A_866 = vector.extract %slice3A_865[0] : i32 from vector<1xi32>
      %shift_right_logical3A_867 = arith.constant 7 : i32
      %shift_right_logical3A_868 = arith.shrui %squeeze3A_866, %shift_right_logical3A_867 : i32
      %and3A_869 = arith.constant 127 : i32
      %and3A_870 = arith.andi %squeeze3A_866, %and3A_869 : i32
      %mul3A_871 = arith.constant 128 : i32
      %mul3A_872 = arith.muli %shift_right_logical3A_868, %mul3A_871 : i32
      %multiple_of3A_873 = tpu.assume_multiple %mul3A_872, 128 : i32
      %dma_start3A_874 = arith.constant 1 : i32
      %dma_start3A_875 = arith.constant 0 : i32
      %dma_start3A_876 = arith.constant 0 : i32
      %dma_start3A_877 = tpu.memref_slice %arg6[%dma_start3A_874, %dma_start3A_875, %dma_start3A_876] : memref<8x64x128xf32, #tpu.memory_space<vmem>> -> memref<1x64x128xf32, #tpu.memory_space<vmem>>
      %dma_start3A_878 = tpu.memref_squeeze %dma_start3A_877 : memref<1x64x128xf32, #tpu.memory_space<vmem>> -> memref<64x128xf32, #tpu.memory_space<vmem>>
      %dma_start3A_879 = arith.constant 0 : i32
      %dma_start3A_880 = tpu.memref_slice %arg3[%dma_start3A_879, %multiple_of3A_873] : memref<64x1000001xf32, #tpu.memory_space<hbm>> -> memref<64x128xf32, #tpu.memory_space<hbm>>
      %dma_start3A_881 = arith.constant 0 : i32
      %dma_start3A_882 = arith.constant 0 : i32
      %dma_start3A_883 = tpu.memref_slice %arg6[%dma_start3A_874, %dma_start3A_881, %dma_start3A_882] : memref<8x64x128xf32, #tpu.memory_space<vmem>> -> memref<1x64x128xf32, #tpu.memory_space<vmem>>
      %dma_start3A_884 = tpu.memref_squeeze %dma_start3A_883 : memref<1x64x128xf32, #tpu.memory_space<vmem>> -> memref<64x128xf32, #tpu.memory_space<vmem>>
      %dma_start3A_885 = arith.constant 0 : i32
      %dma_start3A_886 = tpu.memref_slice %arg3[%dma_start3A_885, %multiple_of3A_873] : memref<64x1000001xf32, #tpu.memory_space<hbm>> -> memref<64x128xf32, #tpu.memory_space<hbm>>
      tpu.enqueue_dma source(%dma_start3A_886 : memref<64x128xf32, #tpu.memory_space<hbm>>) target(%dma_start3A_884 : memref<64x128xf32, #tpu.memory_space<vmem>>) target_semaphore(%arg10 : memref<!tpu.dma_semaphore, #tpu.memory_space<semaphore_mem>>)
      %swap3A_887 = arith.constant 1 : i32
      %swap3A_888 = arith.index_cast %swap3A_887 : i32 to index
      %swap3A_889 = memref.load %arg8[%swap3A_888] : memref<8xi32, #tpu.memory_space<smem>>
      memref.store %and3A_870, %arg8[%swap3A_888] : memref<8xi32, #tpu.memory_space<smem>>
      %mul3A_890 = arith.constant 16 : i32
      %mul3A_891 = arith.muli %scan3A_515, %mul3A_890 : i32
      %add3A_892 = arith.constant 10 : i32
      %add3A_893 = arith.addi %mul3A_891, %add3A_892 : i32
      %eq3A_894 = arith.constant 0 : i32
      %eq3A_895 = arith.cmpi eq, %scan3A_515, %eq3A_894 : i32
      %and3A_896 = arith.constant false
      %and3A_897 = arith.andi %eq3A_895, %and3A_896 : i1
      %not3A_898 = arith.constant true
      %not3A_899 = arith.xori %and3A_897, %not3A_898 : i1
      %convert_element_type3A_900 = arith.extui %not3A_899 : i1 to i32
      %cond3A_901 = arith.constant 0 : i32
      %cond3A_902 = arith.cmpi ne, %convert_element_type3A_900, %cond3A_901 : i32
      scf.if %cond3A_902 {
        %dma_wait3A_1118 = arith.constant 2 : i32
        %dma_wait3A_1119 = arith.constant 0 : i32
        %dma_wait3A_1120 = arith.constant 0 : i32
        %dma_wait3A_1121 = tpu.memref_slice %arg6[%dma_wait3A_1118, %dma_wait3A_1119, %dma_wait3A_1120] : memref<8x64x128xf32, #tpu.memory_space<vmem>> -> memref<1x64x128xf32, #tpu.memory_space<vmem>>
        %dma_wait3A_1122 = tpu.memref_squeeze %dma_wait3A_1121 : memref<1x64x128xf32, #tpu.memory_space<vmem>> -> memref<64x128xf32, #tpu.memory_space<vmem>>
        %dma_wait3A_1123 = arith.constant 0 : i32
        %dma_wait3A_1124 = arith.constant 0 : i32
        %dma_wait3A_1125 = tpu.memref_slice %arg3[%dma_wait3A_1123, %dma_wait3A_1124] : memref<64x1000001xf32, #tpu.memory_space<hbm>> -> memref<64x128xf32, #tpu.memory_space<hbm>>
        %dma_wait3A_1126 = arith.constant 0 : i32
        %dma_wait3A_1127 = arith.constant 0 : i32
        %dma_wait3A_1128 = tpu.memref_slice %arg6[%dma_wait3A_1118, %dma_wait3A_1126, %dma_wait3A_1127] : memref<8x64x128xf32, #tpu.memory_space<vmem>> -> memref<1x64x128xf32, #tpu.memory_space<vmem>>
        %dma_wait3A_1129 = tpu.memref_squeeze %dma_wait3A_1128 : memref<1x64x128xf32, #tpu.memory_space<vmem>> -> memref<64x128xf32, #tpu.memory_space<vmem>>
        %dma_wait3A_1130 = arith.constant 0 : i32
        %dma_wait3A_1131 = arith.constant 0 : i32
        %dma_wait3A_1132 = tpu.memref_slice %arg3[%dma_wait3A_1130, %dma_wait3A_1131] : memref<64x1000001xf32, #tpu.memory_space<hbm>> -> memref<64x128xf32, #tpu.memory_space<hbm>>
        tpu.wait_dma2 semaphore(%arg11 : memref<!tpu.dma_semaphore, #tpu.memory_space<semaphore_mem>>) src(%dma_wait3A_1132 : memref<64x128xf32, #tpu.memory_space<hbm>>) dst(%dma_wait3A_1129 : memref<64x128xf32, #tpu.memory_space<vmem>>)
        %sub3A = arith.constant 8 : i32
        %sub3A_1133 = arith.subi %add3A_893, %sub3A : i32
        %get3A_1134 = arith.constant 2 : i32
        %get3A_1135 = arith.index_cast %get3A_1134 : i32 to index
        %get3A_1136 = memref.load %arg8[%get3A_1135] : memref<8xi32, #tpu.memory_space<smem>>
        %broadcast_in_dim3A_1137 = vector.broadcast %get3A_1136 : i32 to vector<16xi32>
        %broadcast_in_dim3A_1138 = arith.constant 0 : i32
        %broadcast_in_dim3A_1139 = vector.broadcast %broadcast_in_dim3A_1138 : i32 to vector<16xi32>
        %add3A_1140 = vector.broadcast %sub3A_1133 : i32 to vector<16xi32>
        %add3A_1141 = arith.addi %broadcast_in_dim3A_1139, %add3A_1140 : vector<16xi32>
        %iota3A_1142 = tpu.iota {dimensions = array<i32: 0>} : vector<16xi32>
        %add3A_1143 = arith.constant 0 : i32
        %add3A_1144 = vector.broadcast %add3A_1143 : i32 to vector<16xi32>
        %add3A_1145 = arith.addi %iota3A_1142, %add3A_1144 : vector<16xi32>
        %gather3A_1146 = arith.constant 2 : i32
        %gather3A_1147 = arith.constant 0 : i32
        %gather3A_1148 = arith.constant 0 : i32
        %gather3A_1149 = tpu.memref_slice %arg6[%gather3A_1146, %gather3A_1147, %gather3A_1148] : memref<8x64x128xf32, #tpu.memory_space<vmem>> -> memref<1x64x128xf32, #tpu.memory_space<vmem>>
        %gather3A_1150 = tpu.memref_squeeze %gather3A_1149 : memref<1x64x128xf32, #tpu.memory_space<vmem>> -> memref<64x128xf32, #tpu.memory_space<vmem>>
        %gather3A_1151 = tpu.vector_load_idx %gather3A_1150[%add3A_1145, %broadcast_in_dim3A_1137] : memref<64x128xf32, #tpu.memory_space<vmem>>[vector<16xi32>, vector<16xi32>], vector<16xf32>,
        tpu.vector_store_idx %arg7[%add3A_1145, %add3A_1141], %gather3A_1151 : memref<64x512xf32, #tpu.memory_space<vmem>>[vector<16xi32>, vector<16xi32>], vector<16xf32>,
        %iota3A_1152 = tpu.iota {dimensions = array<i32: 0>} : vector<16xi32>
        %add3A_1153 = arith.constant 16 : i32
        %add3A_1154 = vector.broadcast %add3A_1153 : i32 to vector<16xi32>
        %add3A_1155 = arith.addi %iota3A_1152, %add3A_1154 : vector<16xi32>
        %gather3A_1156 = arith.constant 2 : i32
        %gather3A_1157 = arith.constant 0 : i32
        %gather3A_1158 = arith.constant 0 : i32
        %gather3A_1159 = tpu.memref_slice %arg6[%gather3A_1156, %gather3A_1157, %gather3A_1158] : memref<8x64x128xf32, #tpu.memory_space<vmem>> -> memref<1x64x128xf32, #tpu.memory_space<vmem>>
        %gather3A_1160 = tpu.memref_squeeze %gather3A_1159 : memref<1x64x128xf32, #tpu.memory_space<vmem>> -> memref<64x128xf32, #tpu.memory_space<vmem>>
        %gather3A_1161 = tpu.vector_load_idx %gather3A_1160[%add3A_1155, %broadcast_in_dim3A_1137] : memref<64x128xf32, #tpu.memory_space<vmem>>[vector<16xi32>, vector<16xi32>], vector<16xf32>,
        tpu.vector_store_idx %arg7[%add3A_1155, %add3A_1141], %gather3A_1161 : memref<64x512xf32, #tpu.memory_space<vmem>>[vector<16xi32>, vector<16xi32>], vector<16xf32>,
        %iota3A_1162 = tpu.iota {dimensions = array<i32: 0>} : vector<16xi32>
        %add3A_1163 = arith.constant 32 : i32
        %add3A_1164 = vector.broadcast %add3A_1163 : i32 to vector<16xi32>
        %add3A_1165 = arith.addi %iota3A_1162, %add3A_1164 : vector<16xi32>
        %gather3A_1166 = arith.constant 2 : i32
        %gather3A_1167 = arith.constant 0 : i32
        %gather3A_1168 = arith.constant 0 : i32
        %gather3A_1169 = tpu.memref_slice %arg6[%gather3A_1166, %gather3A_1167, %gather3A_1168] : memref<8x64x128xf32, #tpu.memory_space<vmem>> -> memref<1x64x128xf32, #tpu.memory_space<vmem>>
        %gather3A_1170 = tpu.memref_squeeze %gather3A_1169 : memref<1x64x128xf32, #tpu.memory_space<vmem>> -> memref<64x128xf32, #tpu.memory_space<vmem>>
        %gather3A_1171 = tpu.vector_load_idx %gather3A_1170[%add3A_1165, %broadcast_in_dim3A_1137] : memref<64x128xf32, #tpu.memory_space<vmem>>[vector<16xi32>, vector<16xi32>], vector<16xf32>,
        tpu.vector_store_idx %arg7[%add3A_1165, %add3A_1141], %gather3A_1171 : memref<64x512xf32, #tpu.memory_space<vmem>>[vector<16xi32>, vector<16xi32>], vector<16xf32>,
        %iota3A_1172 = tpu.iota {dimensions = array<i32: 0>} : vector<16xi32>
        %add3A_1173 = arith.constant 48 : i32
        %add3A_1174 = vector.broadcast %add3A_1173 : i32 to vector<16xi32>
        %add3A_1175 = arith.addi %iota3A_1172, %add3A_1174 : vector<16xi32>
        %gather3A_1176 = arith.constant 2 : i32
        %gather3A_1177 = arith.constant 0 : i32
        %gather3A_1178 = arith.constant 0 : i32
        %gather3A_1179 = tpu.memref_slice %arg6[%gather3A_1176, %gather3A_1177, %gather3A_1178] : memref<8x64x128xf32, #tpu.memory_space<vmem>> -> memref<1x64x128xf32, #tpu.memory_space<vmem>>
        %gather3A_1180 = tpu.memref_squeeze %gather3A_1179 : memref<1x64x128xf32, #tpu.memory_space<vmem>> -> memref<64x128xf32, #tpu.memory_space<vmem>>
        %gather3A_1181 = tpu.vector_load_idx %gather3A_1180[%add3A_1175, %broadcast_in_dim3A_1137] : memref<64x128xf32, #tpu.memory_space<vmem>>[vector<16xi32>, vector<16xi32>], vector<16xf32>,
        tpu.vector_store_idx %arg7[%add3A_1175, %add3A_1141], %gather3A_1181 : memref<64x512xf32, #tpu.memory_space<vmem>>[vector<16xi32>, vector<16xi32>], vector<16xf32>,
      } else {
      }
      %slice3A_903 = vector.extract_strided_slice %get3A_519 {offsets = [10], sizes = [1], strides = [1]} : vector<16xi32> to vector<1xi32>
      %squeeze3A_904 = vector.extract %slice3A_903[0] : i32 from vector<1xi32>
      %shift_right_logical3A_905 = arith.constant 7 : i32
      %shift_right_logical3A_906 = arith.shrui %squeeze3A_904, %shift_right_logical3A_905 : i32
      %and3A_907 = arith.constant 127 : i32
      %and3A_908 = arith.andi %squeeze3A_904, %and3A_907 : i32
      %mul3A_909 = arith.constant 128 : i32
      %mul3A_910 = arith.muli %shift_right_logical3A_906, %mul3A_909 : i32
      %multiple_of3A_911 = tpu.assume_multiple %mul3A_910, 128 : i32
      %dma_start3A_912 = arith.constant 2 : i32
      %dma_start3A_913 = arith.constant 0 : i32
      %dma_start3A_914 = arith.constant 0 : i32
      %dma_start3A_915 = tpu.memref_slice %arg6[%dma_start3A_912, %dma_start3A_913, %dma_start3A_914] : memref<8x64x128xf32, #tpu.memory_space<vmem>> -> memref<1x64x128xf32, #tpu.memory_space<vmem>>
      %dma_start3A_916 = tpu.memref_squeeze %dma_start3A_915 : memref<1x64x128xf32, #tpu.memory_space<vmem>> -> memref<64x128xf32, #tpu.memory_space<vmem>>
      %dma_start3A_917 = arith.constant 0 : i32
      %dma_start3A_918 = tpu.memref_slice %arg3[%dma_start3A_917, %multiple_of3A_911] : memref<64x1000001xf32, #tpu.memory_space<hbm>> -> memref<64x128xf32, #tpu.memory_space<hbm>>
      %dma_start3A_919 = arith.constant 0 : i32
      %dma_start3A_920 = arith.constant 0 : i32
      %dma_start3A_921 = tpu.memref_slice %arg6[%dma_start3A_912, %dma_start3A_919, %dma_start3A_920] : memref<8x64x128xf32, #tpu.memory_space<vmem>> -> memref<1x64x128xf32, #tpu.memory_space<vmem>>
      %dma_start3A_922 = tpu.memref_squeeze %dma_start3A_921 : memref<1x64x128xf32, #tpu.memory_space<vmem>> -> memref<64x128xf32, #tpu.memory_space<vmem>>
      %dma_start3A_923 = arith.constant 0 : i32
      %dma_start3A_924 = tpu.memref_slice %arg3[%dma_start3A_923, %multiple_of3A_911] : memref<64x1000001xf32, #tpu.memory_space<hbm>> -> memref<64x128xf32, #tpu.memory_space<hbm>>
      tpu.enqueue_dma source(%dma_start3A_924 : memref<64x128xf32, #tpu.memory_space<hbm>>) target(%dma_start3A_922 : memref<64x128xf32, #tpu.memory_space<vmem>>) target_semaphore(%arg11 : memref<!tpu.dma_semaphore, #tpu.memory_space<semaphore_mem>>)
      %swap3A_925 = arith.constant 2 : i32
      %swap3A_926 = arith.index_cast %swap3A_925 : i32 to index
      %swap3A_927 = memref.load %arg8[%swap3A_926] : memref<8xi32, #tpu.memory_space<smem>>
      memref.store %and3A_908, %arg8[%swap3A_926] : memref<8xi32, #tpu.memory_space<smem>>
      %mul3A_928 = arith.constant 16 : i32
      %mul3A_929 = arith.muli %scan3A_515, %mul3A_928 : i32
      %add3A_930 = arith.constant 11 : i32
      %add3A_931 = arith.addi %mul3A_929, %add3A_930 : i32
      %eq3A_932 = arith.constant 0 : i32
      %eq3A_933 = arith.cmpi eq, %scan3A_515, %eq3A_932 : i32
      %and3A_934 = arith.constant false
      %and3A_935 = arith.andi %eq3A_933, %and3A_934 : i1
      %not3A_936 = arith.constant true
      %not3A_937 = arith.xori %and3A_935, %not3A_936 : i1
      %convert_element_type3A_938 = arith.extui %not3A_937 : i1 to i32
      %cond3A_939 = arith.constant 0 : i32
      %cond3A_940 = arith.cmpi ne, %convert_element_type3A_938, %cond3A_939 : i32
      scf.if %cond3A_940 {
        %dma_wait3A_1118 = arith.constant 3 : i32
        %dma_wait3A_1119 = arith.constant 0 : i32
        %dma_wait3A_1120 = arith.constant 0 : i32
        %dma_wait3A_1121 = tpu.memref_slice %arg6[%dma_wait3A_1118, %dma_wait3A_1119, %dma_wait3A_1120] : memref<8x64x128xf32, #tpu.memory_space<vmem>> -> memref<1x64x128xf32, #tpu.memory_space<vmem>>
        %dma_wait3A_1122 = tpu.memref_squeeze %dma_wait3A_1121 : memref<1x64x128xf32, #tpu.memory_space<vmem>> -> memref<64x128xf32, #tpu.memory_space<vmem>>
        %dma_wait3A_1123 = arith.constant 0 : i32
        %dma_wait3A_1124 = arith.constant 0 : i32
        %dma_wait3A_1125 = tpu.memref_slice %arg3[%dma_wait3A_1123, %dma_wait3A_1124] : memref<64x1000001xf32, #tpu.memory_space<hbm>> -> memref<64x128xf32, #tpu.memory_space<hbm>>
        %dma_wait3A_1126 = arith.constant 0 : i32
        %dma_wait3A_1127 = arith.constant 0 : i32
        %dma_wait3A_1128 = tpu.memref_slice %arg6[%dma_wait3A_1118, %dma_wait3A_1126, %dma_wait3A_1127] : memref<8x64x128xf32, #tpu.memory_space<vmem>> -> memref<1x64x128xf32, #tpu.memory_space<vmem>>
        %dma_wait3A_1129 = tpu.memref_squeeze %dma_wait3A_1128 : memref<1x64x128xf32, #tpu.memory_space<vmem>> -> memref<64x128xf32, #tpu.memory_space<vmem>>
        %dma_wait3A_1130 = arith.constant 0 : i32
        %dma_wait3A_1131 = arith.constant 0 : i32
        %dma_wait3A_1132 = tpu.memref_slice %arg3[%dma_wait3A_1130, %dma_wait3A_1131] : memref<64x1000001xf32, #tpu.memory_space<hbm>> -> memref<64x128xf32, #tpu.memory_space<hbm>>
        tpu.wait_dma2 semaphore(%arg12 : memref<!tpu.dma_semaphore, #tpu.memory_space<semaphore_mem>>) src(%dma_wait3A_1132 : memref<64x128xf32, #tpu.memory_space<hbm>>) dst(%dma_wait3A_1129 : memref<64x128xf32, #tpu.memory_space<vmem>>)
        %sub3A = arith.constant 8 : i32
        %sub3A_1133 = arith.subi %add3A_931, %sub3A : i32
        %get3A_1134 = arith.constant 3 : i32
        %get3A_1135 = arith.index_cast %get3A_1134 : i32 to index
        %get3A_1136 = memref.load %arg8[%get3A_1135] : memref<8xi32, #tpu.memory_space<smem>>
        %broadcast_in_dim3A_1137 = vector.broadcast %get3A_1136 : i32 to vector<16xi32>
        %broadcast_in_dim3A_1138 = arith.constant 0 : i32
        %broadcast_in_dim3A_1139 = vector.broadcast %broadcast_in_dim3A_1138 : i32 to vector<16xi32>
        %add3A_1140 = vector.broadcast %sub3A_1133 : i32 to vector<16xi32>
        %add3A_1141 = arith.addi %broadcast_in_dim3A_1139, %add3A_1140 : vector<16xi32>
        %iota3A_1142 = tpu.iota {dimensions = array<i32: 0>} : vector<16xi32>
        %add3A_1143 = arith.constant 0 : i32
        %add3A_1144 = vector.broadcast %add3A_1143 : i32 to vector<16xi32>
        %add3A_1145 = arith.addi %iota3A_1142, %add3A_1144 : vector<16xi32>
        %gather3A_1146 = arith.constant 3 : i32
        %gather3A_1147 = arith.constant 0 : i32
        %gather3A_1148 = arith.constant 0 : i32
        %gather3A_1149 = tpu.memref_slice %arg6[%gather3A_1146, %gather3A_1147, %gather3A_1148] : memref<8x64x128xf32, #tpu.memory_space<vmem>> -> memref<1x64x128xf32, #tpu.memory_space<vmem>>
        %gather3A_1150 = tpu.memref_squeeze %gather3A_1149 : memref<1x64x128xf32, #tpu.memory_space<vmem>> -> memref<64x128xf32, #tpu.memory_space<vmem>>
        %gather3A_1151 = tpu.vector_load_idx %gather3A_1150[%add3A_1145, %broadcast_in_dim3A_1137] : memref<64x128xf32, #tpu.memory_space<vmem>>[vector<16xi32>, vector<16xi32>], vector<16xf32>,
        tpu.vector_store_idx %arg7[%add3A_1145, %add3A_1141], %gather3A_1151 : memref<64x512xf32, #tpu.memory_space<vmem>>[vector<16xi32>, vector<16xi32>], vector<16xf32>,
        %iota3A_1152 = tpu.iota {dimensions = array<i32: 0>} : vector<16xi32>
        %add3A_1153 = arith.constant 16 : i32
        %add3A_1154 = vector.broadcast %add3A_1153 : i32 to vector<16xi32>
        %add3A_1155 = arith.addi %iota3A_1152, %add3A_1154 : vector<16xi32>
        %gather3A_1156 = arith.constant 3 : i32
        %gather3A_1157 = arith.constant 0 : i32
        %gather3A_1158 = arith.constant 0 : i32
        %gather3A_1159 = tpu.memref_slice %arg6[%gather3A_1156, %gather3A_1157, %gather3A_1158] : memref<8x64x128xf32, #tpu.memory_space<vmem>> -> memref<1x64x128xf32, #tpu.memory_space<vmem>>
        %gather3A_1160 = tpu.memref_squeeze %gather3A_1159 : memref<1x64x128xf32, #tpu.memory_space<vmem>> -> memref<64x128xf32, #tpu.memory_space<vmem>>
        %gather3A_1161 = tpu.vector_load_idx %gather3A_1160[%add3A_1155, %broadcast_in_dim3A_1137] : memref<64x128xf32, #tpu.memory_space<vmem>>[vector<16xi32>, vector<16xi32>], vector<16xf32>,
        tpu.vector_store_idx %arg7[%add3A_1155, %add3A_1141], %gather3A_1161 : memref<64x512xf32, #tpu.memory_space<vmem>>[vector<16xi32>, vector<16xi32>], vector<16xf32>,
        %iota3A_1162 = tpu.iota {dimensions = array<i32: 0>} : vector<16xi32>
        %add3A_1163 = arith.constant 32 : i32
        %add3A_1164 = vector.broadcast %add3A_1163 : i32 to vector<16xi32>
        %add3A_1165 = arith.addi %iota3A_1162, %add3A_1164 : vector<16xi32>
        %gather3A_1166 = arith.constant 3 : i32
        %gather3A_1167 = arith.constant 0 : i32
        %gather3A_1168 = arith.constant 0 : i32
        %gather3A_1169 = tpu.memref_slice %arg6[%gather3A_1166, %gather3A_1167, %gather3A_1168] : memref<8x64x128xf32, #tpu.memory_space<vmem>> -> memref<1x64x128xf32, #tpu.memory_space<vmem>>
        %gather3A_1170 = tpu.memref_squeeze %gather3A_1169 : memref<1x64x128xf32, #tpu.memory_space<vmem>> -> memref<64x128xf32, #tpu.memory_space<vmem>>
        %gather3A_1171 = tpu.vector_load_idx %gather3A_1170[%add3A_1165, %broadcast_in_dim3A_1137] : memref<64x128xf32, #tpu.memory_space<vmem>>[vector<16xi32>, vector<16xi32>], vector<16xf32>,
        tpu.vector_store_idx %arg7[%add3A_1165, %add3A_1141], %gather3A_1171 : memref<64x512xf32, #tpu.memory_space<vmem>>[vector<16xi32>, vector<16xi32>], vector<16xf32>,
        %iota3A_1172 = tpu.iota {dimensions = array<i32: 0>} : vector<16xi32>
        %add3A_1173 = arith.constant 48 : i32
        %add3A_1174 = vector.broadcast %add3A_1173 : i32 to vector<16xi32>
        %add3A_1175 = arith.addi %iota3A_1172, %add3A_1174 : vector<16xi32>
        %gather3A_1176 = arith.constant 3 : i32
        %gather3A_1177 = arith.constant 0 : i32
        %gather3A_1178 = arith.constant 0 : i32
        %gather3A_1179 = tpu.memref_slice %arg6[%gather3A_1176, %gather3A_1177, %gather3A_1178] : memref<8x64x128xf32, #tpu.memory_space<vmem>> -> memref<1x64x128xf32, #tpu.memory_space<vmem>>
        %gather3A_1180 = tpu.memref_squeeze %gather3A_1179 : memref<1x64x128xf32, #tpu.memory_space<vmem>> -> memref<64x128xf32, #tpu.memory_space<vmem>>
        %gather3A_1181 = tpu.vector_load_idx %gather3A_1180[%add3A_1175, %broadcast_in_dim3A_1137] : memref<64x128xf32, #tpu.memory_space<vmem>>[vector<16xi32>, vector<16xi32>], vector<16xf32>,
        tpu.vector_store_idx %arg7[%add3A_1175, %add3A_1141], %gather3A_1181 : memref<64x512xf32, #tpu.memory_space<vmem>>[vector<16xi32>, vector<16xi32>], vector<16xf32>,
      } else {
      }
      %slice3A_941 = vector.extract_strided_slice %get3A_519 {offsets = [11], sizes = [1], strides = [1]} : vector<16xi32> to vector<1xi32>
      %squeeze3A_942 = vector.extract %slice3A_941[0] : i32 from vector<1xi32>
      %shift_right_logical3A_943 = arith.constant 7 : i32
      %shift_right_logical3A_944 = arith.shrui %squeeze3A_942, %shift_right_logical3A_943 : i32
      %and3A_945 = arith.constant 127 : i32
      %and3A_946 = arith.andi %squeeze3A_942, %and3A_945 : i32
      %mul3A_947 = arith.constant 128 : i32
      %mul3A_948 = arith.muli %shift_right_logical3A_944, %mul3A_947 : i32
      %multiple_of3A_949 = tpu.assume_multiple %mul3A_948, 128 : i32
      %dma_start3A_950 = arith.constant 3 : i32
      %dma_start3A_951 = arith.constant 0 : i32
      %dma_start3A_952 = arith.constant 0 : i32
      %dma_start3A_953 = tpu.memref_slice %arg6[%dma_start3A_950, %dma_start3A_951, %dma_start3A_952] : memref<8x64x128xf32, #tpu.memory_space<vmem>> -> memref<1x64x128xf32, #tpu.memory_space<vmem>>
      %dma_start3A_954 = tpu.memref_squeeze %dma_start3A_953 : memref<1x64x128xf32, #tpu.memory_space<vmem>> -> memref<64x128xf32, #tpu.memory_space<vmem>>
      %dma_start3A_955 = arith.constant 0 : i32
      %dma_start3A_956 = tpu.memref_slice %arg3[%dma_start3A_955, %multiple_of3A_949] : memref<64x1000001xf32, #tpu.memory_space<hbm>> -> memref<64x128xf32, #tpu.memory_space<hbm>>
      %dma_start3A_957 = arith.constant 0 : i32
      %dma_start3A_958 = arith.constant 0 : i32
      %dma_start3A_959 = tpu.memref_slice %arg6[%dma_start3A_950, %dma_start3A_957, %dma_start3A_958] : memref<8x64x128xf32, #tpu.memory_space<vmem>> -> memref<1x64x128xf32, #tpu.memory_space<vmem>>
      %dma_start3A_960 = tpu.memref_squeeze %dma_start3A_959 : memref<1x64x128xf32, #tpu.memory_space<vmem>> -> memref<64x128xf32, #tpu.memory_space<vmem>>
      %dma_start3A_961 = arith.constant 0 : i32
      %dma_start3A_962 = tpu.memref_slice %arg3[%dma_start3A_961, %multiple_of3A_949] : memref<64x1000001xf32, #tpu.memory_space<hbm>> -> memref<64x128xf32, #tpu.memory_space<hbm>>
      tpu.enqueue_dma source(%dma_start3A_962 : memref<64x128xf32, #tpu.memory_space<hbm>>) target(%dma_start3A_960 : memref<64x128xf32, #tpu.memory_space<vmem>>) target_semaphore(%arg12 : memref<!tpu.dma_semaphore, #tpu.memory_space<semaphore_mem>>)
      %swap3A_963 = arith.constant 3 : i32
      %swap3A_964 = arith.index_cast %swap3A_963 : i32 to index
      %swap3A_965 = memref.load %arg8[%swap3A_964] : memref<8xi32, #tpu.memory_space<smem>>
      memref.store %and3A_946, %arg8[%swap3A_964] : memref<8xi32, #tpu.memory_space<smem>>
      %mul3A_966 = arith.constant 16 : i32
      %mul3A_967 = arith.muli %scan3A_515, %mul3A_966 : i32
      %add3A_968 = arith.constant 12 : i32
      %add3A_969 = arith.addi %mul3A_967, %add3A_968 : i32
      %eq3A_970 = arith.constant 0 : i32
      %eq3A_971 = arith.cmpi eq, %scan3A_515, %eq3A_970 : i32
      %and3A_972 = arith.constant false
      %and3A_973 = arith.andi %eq3A_971, %and3A_972 : i1
      %not3A_974 = arith.constant true
      %not3A_975 = arith.xori %and3A_973, %not3A_974 : i1
      %convert_element_type3A_976 = arith.extui %not3A_975 : i1 to i32
      %cond3A_977 = arith.constant 0 : i32
      %cond3A_978 = arith.cmpi ne, %convert_element_type3A_976, %cond3A_977 : i32
      scf.if %cond3A_978 {
        %dma_wait3A_1118 = arith.constant 4 : i32
        %dma_wait3A_1119 = arith.constant 0 : i32
        %dma_wait3A_1120 = arith.constant 0 : i32
        %dma_wait3A_1121 = tpu.memref_slice %arg6[%dma_wait3A_1118, %dma_wait3A_1119, %dma_wait3A_1120] : memref<8x64x128xf32, #tpu.memory_space<vmem>> -> memref<1x64x128xf32, #tpu.memory_space<vmem>>
        %dma_wait3A_1122 = tpu.memref_squeeze %dma_wait3A_1121 : memref<1x64x128xf32, #tpu.memory_space<vmem>> -> memref<64x128xf32, #tpu.memory_space<vmem>>
        %dma_wait3A_1123 = arith.constant 0 : i32
        %dma_wait3A_1124 = arith.constant 0 : i32
        %dma_wait3A_1125 = tpu.memref_slice %arg3[%dma_wait3A_1123, %dma_wait3A_1124] : memref<64x1000001xf32, #tpu.memory_space<hbm>> -> memref<64x128xf32, #tpu.memory_space<hbm>>
        %dma_wait3A_1126 = arith.constant 0 : i32
        %dma_wait3A_1127 = arith.constant 0 : i32
        %dma_wait3A_1128 = tpu.memref_slice %arg6[%dma_wait3A_1118, %dma_wait3A_1126, %dma_wait3A_1127] : memref<8x64x128xf32, #tpu.memory_space<vmem>> -> memref<1x64x128xf32, #tpu.memory_space<vmem>>
        %dma_wait3A_1129 = tpu.memref_squeeze %dma_wait3A_1128 : memref<1x64x128xf32, #tpu.memory_space<vmem>> -> memref<64x128xf32, #tpu.memory_space<vmem>>
        %dma_wait3A_1130 = arith.constant 0 : i32
        %dma_wait3A_1131 = arith.constant 0 : i32
        %dma_wait3A_1132 = tpu.memref_slice %arg3[%dma_wait3A_1130, %dma_wait3A_1131] : memref<64x1000001xf32, #tpu.memory_space<hbm>> -> memref<64x128xf32, #tpu.memory_space<hbm>>
        tpu.wait_dma2 semaphore(%arg13 : memref<!tpu.dma_semaphore, #tpu.memory_space<semaphore_mem>>) src(%dma_wait3A_1132 : memref<64x128xf32, #tpu.memory_space<hbm>>) dst(%dma_wait3A_1129 : memref<64x128xf32, #tpu.memory_space<vmem>>)
        %sub3A = arith.constant 8 : i32
        %sub3A_1133 = arith.subi %add3A_969, %sub3A : i32
        %get3A_1134 = arith.constant 4 : i32
        %get3A_1135 = arith.index_cast %get3A_1134 : i32 to index
        %get3A_1136 = memref.load %arg8[%get3A_1135] : memref<8xi32, #tpu.memory_space<smem>>
        %broadcast_in_dim3A_1137 = vector.broadcast %get3A_1136 : i32 to vector<16xi32>
        %broadcast_in_dim3A_1138 = arith.constant 0 : i32
        %broadcast_in_dim3A_1139 = vector.broadcast %broadcast_in_dim3A_1138 : i32 to vector<16xi32>
        %add3A_1140 = vector.broadcast %sub3A_1133 : i32 to vector<16xi32>
        %add3A_1141 = arith.addi %broadcast_in_dim3A_1139, %add3A_1140 : vector<16xi32>
        %iota3A_1142 = tpu.iota {dimensions = array<i32: 0>} : vector<16xi32>
        %add3A_1143 = arith.constant 0 : i32
        %add3A_1144 = vector.broadcast %add3A_1143 : i32 to vector<16xi32>
        %add3A_1145 = arith.addi %iota3A_1142, %add3A_1144 : vector<16xi32>
        %gather3A_1146 = arith.constant 4 : i32
        %gather3A_1147 = arith.constant 0 : i32
        %gather3A_1148 = arith.constant 0 : i32
        %gather3A_1149 = tpu.memref_slice %arg6[%gather3A_1146, %gather3A_1147, %gather3A_1148] : memref<8x64x128xf32, #tpu.memory_space<vmem>> -> memref<1x64x128xf32, #tpu.memory_space<vmem>>
        %gather3A_1150 = tpu.memref_squeeze %gather3A_1149 : memref<1x64x128xf32, #tpu.memory_space<vmem>> -> memref<64x128xf32, #tpu.memory_space<vmem>>
        %gather3A_1151 = tpu.vector_load_idx %gather3A_1150[%add3A_1145, %broadcast_in_dim3A_1137] : memref<64x128xf32, #tpu.memory_space<vmem>>[vector<16xi32>, vector<16xi32>], vector<16xf32>,
        tpu.vector_store_idx %arg7[%add3A_1145, %add3A_1141], %gather3A_1151 : memref<64x512xf32, #tpu.memory_space<vmem>>[vector<16xi32>, vector<16xi32>], vector<16xf32>,
        %iota3A_1152 = tpu.iota {dimensions = array<i32: 0>} : vector<16xi32>
        %add3A_1153 = arith.constant 16 : i32
        %add3A_1154 = vector.broadcast %add3A_1153 : i32 to vector<16xi32>
        %add3A_1155 = arith.addi %iota3A_1152, %add3A_1154 : vector<16xi32>
        %gather3A_1156 = arith.constant 4 : i32
        %gather3A_1157 = arith.constant 0 : i32
        %gather3A_1158 = arith.constant 0 : i32
        %gather3A_1159 = tpu.memref_slice %arg6[%gather3A_1156, %gather3A_1157, %gather3A_1158] : memref<8x64x128xf32, #tpu.memory_space<vmem>> -> memref<1x64x128xf32, #tpu.memory_space<vmem>>
        %gather3A_1160 = tpu.memref_squeeze %gather3A_1159 : memref<1x64x128xf32, #tpu.memory_space<vmem>> -> memref<64x128xf32, #tpu.memory_space<vmem>>
        %gather3A_1161 = tpu.vector_load_idx %gather3A_1160[%add3A_1155, %broadcast_in_dim3A_1137] : memref<64x128xf32, #tpu.memory_space<vmem>>[vector<16xi32>, vector<16xi32>], vector<16xf32>,
        tpu.vector_store_idx %arg7[%add3A_1155, %add3A_1141], %gather3A_1161 : memref<64x512xf32, #tpu.memory_space<vmem>>[vector<16xi32>, vector<16xi32>], vector<16xf32>,
        %iota3A_1162 = tpu.iota {dimensions = array<i32: 0>} : vector<16xi32>
        %add3A_1163 = arith.constant 32 : i32
        %add3A_1164 = vector.broadcast %add3A_1163 : i32 to vector<16xi32>
        %add3A_1165 = arith.addi %iota3A_1162, %add3A_1164 : vector<16xi32>
        %gather3A_1166 = arith.constant 4 : i32
        %gather3A_1167 = arith.constant 0 : i32
        %gather3A_1168 = arith.constant 0 : i32
        %gather3A_1169 = tpu.memref_slice %arg6[%gather3A_1166, %gather3A_1167, %gather3A_1168] : memref<8x64x128xf32, #tpu.memory_space<vmem>> -> memref<1x64x128xf32, #tpu.memory_space<vmem>>
        %gather3A_1170 = tpu.memref_squeeze %gather3A_1169 : memref<1x64x128xf32, #tpu.memory_space<vmem>> -> memref<64x128xf32, #tpu.memory_space<vmem>>
        %gather3A_1171 = tpu.vector_load_idx %gather3A_1170[%add3A_1165, %broadcast_in_dim3A_1137] : memref<64x128xf32, #tpu.memory_space<vmem>>[vector<16xi32>, vector<16xi32>], vector<16xf32>,
        tpu.vector_store_idx %arg7[%add3A_1165, %add3A_1141], %gather3A_1171 : memref<64x512xf32, #tpu.memory_space<vmem>>[vector<16xi32>, vector<16xi32>], vector<16xf32>,
        %iota3A_1172 = tpu.iota {dimensions = array<i32: 0>} : vector<16xi32>
        %add3A_1173 = arith.constant 48 : i32
        %add3A_1174 = vector.broadcast %add3A_1173 : i32 to vector<16xi32>
        %add3A_1175 = arith.addi %iota3A_1172, %add3A_1174 : vector<16xi32>
        %gather3A_1176 = arith.constant 4 : i32
        %gather3A_1177 = arith.constant 0 : i32
        %gather3A_1178 = arith.constant 0 : i32
        %gather3A_1179 = tpu.memref_slice %arg6[%gather3A_1176, %gather3A_1177, %gather3A_1178] : memref<8x64x128xf32, #tpu.memory_space<vmem>> -> memref<1x64x128xf32, #tpu.memory_space<vmem>>
        %gather3A_1180 = tpu.memref_squeeze %gather3A_1179 : memref<1x64x128xf32, #tpu.memory_space<vmem>> -> memref<64x128xf32, #tpu.memory_space<vmem>>
        %gather3A_1181 = tpu.vector_load_idx %gather3A_1180[%add3A_1175, %broadcast_in_dim3A_1137] : memref<64x128xf32, #tpu.memory_space<vmem>>[vector<16xi32>, vector<16xi32>], vector<16xf32>,
        tpu.vector_store_idx %arg7[%add3A_1175, %add3A_1141], %gather3A_1181 : memref<64x512xf32, #tpu.memory_space<vmem>>[vector<16xi32>, vector<16xi32>], vector<16xf32>,
      } else {
      }
      %slice3A_979 = vector.extract_strided_slice %get3A_519 {offsets = [12], sizes = [1], strides = [1]} : vector<16xi32> to vector<1xi32>
      %squeeze3A_980 = vector.extract %slice3A_979[0] : i32 from vector<1xi32>
      %shift_right_logical3A_981 = arith.constant 7 : i32
      %shift_right_logical3A_982 = arith.shrui %squeeze3A_980, %shift_right_logical3A_981 : i32
      %and3A_983 = arith.constant 127 : i32
      %and3A_984 = arith.andi %squeeze3A_980, %and3A_983 : i32
      %mul3A_985 = arith.constant 128 : i32
      %mul3A_986 = arith.muli %shift_right_logical3A_982, %mul3A_985 : i32
      %multiple_of3A_987 = tpu.assume_multiple %mul3A_986, 128 : i32
      %dma_start3A_988 = arith.constant 4 : i32
      %dma_start3A_989 = arith.constant 0 : i32
      %dma_start3A_990 = arith.constant 0 : i32
      %dma_start3A_991 = tpu.memref_slice %arg6[%dma_start3A_988, %dma_start3A_989, %dma_start3A_990] : memref<8x64x128xf32, #tpu.memory_space<vmem>> -> memref<1x64x128xf32, #tpu.memory_space<vmem>>
      %dma_start3A_992 = tpu.memref_squeeze %dma_start3A_991 : memref<1x64x128xf32, #tpu.memory_space<vmem>> -> memref<64x128xf32, #tpu.memory_space<vmem>>
      %dma_start3A_993 = arith.constant 0 : i32
      %dma_start3A_994 = tpu.memref_slice %arg3[%dma_start3A_993, %multiple_of3A_987] : memref<64x1000001xf32, #tpu.memory_space<hbm>> -> memref<64x128xf32, #tpu.memory_space<hbm>>
      %dma_start3A_995 = arith.constant 0 : i32
      %dma_start3A_996 = arith.constant 0 : i32
      %dma_start3A_997 = tpu.memref_slice %arg6[%dma_start3A_988, %dma_start3A_995, %dma_start3A_996] : memref<8x64x128xf32, #tpu.memory_space<vmem>> -> memref<1x64x128xf32, #tpu.memory_space<vmem>>
      %dma_start3A_998 = tpu.memref_squeeze %dma_start3A_997 : memref<1x64x128xf32, #tpu.memory_space<vmem>> -> memref<64x128xf32, #tpu.memory_space<vmem>>
      %dma_start3A_999 = arith.constant 0 : i32
      %dma_start3A_1000 = tpu.memref_slice %arg3[%dma_start3A_999, %multiple_of3A_987] : memref<64x1000001xf32, #tpu.memory_space<hbm>> -> memref<64x128xf32, #tpu.memory_space<hbm>>
      tpu.enqueue_dma source(%dma_start3A_1000 : memref<64x128xf32, #tpu.memory_space<hbm>>) target(%dma_start3A_998 : memref<64x128xf32, #tpu.memory_space<vmem>>) target_semaphore(%arg13 : memref<!tpu.dma_semaphore, #tpu.memory_space<semaphore_mem>>)
      %swap3A_1001 = arith.constant 4 : i32
      %swap3A_1002 = arith.index_cast %swap3A_1001 : i32 to index
      %swap3A_1003 = memref.load %arg8[%swap3A_1002] : memref<8xi32, #tpu.memory_space<smem>>
      memref.store %and3A_984, %arg8[%swap3A_1002] : memref<8xi32, #tpu.memory_space<smem>>
      %mul3A_1004 = arith.constant 16 : i32
      %mul3A_1005 = arith.muli %scan3A_515, %mul3A_1004 : i32
      %add3A_1006 = arith.constant 13 : i32
      %add3A_1007 = arith.addi %mul3A_1005, %add3A_1006 : i32
      %eq3A_1008 = arith.constant 0 : i32
      %eq3A_1009 = arith.cmpi eq, %scan3A_515, %eq3A_1008 : i32
      %and3A_1010 = arith.constant false
      %and3A_1011 = arith.andi %eq3A_1009, %and3A_1010 : i1
      %not3A_1012 = arith.constant true
      %not3A_1013 = arith.xori %and3A_1011, %not3A_1012 : i1
      %convert_element_type3A_1014 = arith.extui %not3A_1013 : i1 to i32
      %cond3A_1015 = arith.constant 0 : i32
      %cond3A_1016 = arith.cmpi ne, %convert_element_type3A_1014, %cond3A_1015 : i32
      scf.if %cond3A_1016 {
        %dma_wait3A_1118 = arith.constant 5 : i32
        %dma_wait3A_1119 = arith.constant 0 : i32
        %dma_wait3A_1120 = arith.constant 0 : i32
        %dma_wait3A_1121 = tpu.memref_slice %arg6[%dma_wait3A_1118, %dma_wait3A_1119, %dma_wait3A_1120] : memref<8x64x128xf32, #tpu.memory_space<vmem>> -> memref<1x64x128xf32, #tpu.memory_space<vmem>>
        %dma_wait3A_1122 = tpu.memref_squeeze %dma_wait3A_1121 : memref<1x64x128xf32, #tpu.memory_space<vmem>> -> memref<64x128xf32, #tpu.memory_space<vmem>>
        %dma_wait3A_1123 = arith.constant 0 : i32
        %dma_wait3A_1124 = arith.constant 0 : i32
        %dma_wait3A_1125 = tpu.memref_slice %arg3[%dma_wait3A_1123, %dma_wait3A_1124] : memref<64x1000001xf32, #tpu.memory_space<hbm>> -> memref<64x128xf32, #tpu.memory_space<hbm>>
        %dma_wait3A_1126 = arith.constant 0 : i32
        %dma_wait3A_1127 = arith.constant 0 : i32
        %dma_wait3A_1128 = tpu.memref_slice %arg6[%dma_wait3A_1118, %dma_wait3A_1126, %dma_wait3A_1127] : memref<8x64x128xf32, #tpu.memory_space<vmem>> -> memref<1x64x128xf32, #tpu.memory_space<vmem>>
        %dma_wait3A_1129 = tpu.memref_squeeze %dma_wait3A_1128 : memref<1x64x128xf32, #tpu.memory_space<vmem>> -> memref<64x128xf32, #tpu.memory_space<vmem>>
        %dma_wait3A_1130 = arith.constant 0 : i32
        %dma_wait3A_1131 = arith.constant 0 : i32
        %dma_wait3A_1132 = tpu.memref_slice %arg3[%dma_wait3A_1130, %dma_wait3A_1131] : memref<64x1000001xf32, #tpu.memory_space<hbm>> -> memref<64x128xf32, #tpu.memory_space<hbm>>
        tpu.wait_dma2 semaphore(%arg14 : memref<!tpu.dma_semaphore, #tpu.memory_space<semaphore_mem>>) src(%dma_wait3A_1132 : memref<64x128xf32, #tpu.memory_space<hbm>>) dst(%dma_wait3A_1129 : memref<64x128xf32, #tpu.memory_space<vmem>>)
        %sub3A = arith.constant 8 : i32
        %sub3A_1133 = arith.subi %add3A_1007, %sub3A : i32
        %get3A_1134 = arith.constant 5 : i32
        %get3A_1135 = arith.index_cast %get3A_1134 : i32 to index
        %get3A_1136 = memref.load %arg8[%get3A_1135] : memref<8xi32, #tpu.memory_space<smem>>
        %broadcast_in_dim3A_1137 = vector.broadcast %get3A_1136 : i32 to vector<16xi32>
        %broadcast_in_dim3A_1138 = arith.constant 0 : i32
        %broadcast_in_dim3A_1139 = vector.broadcast %broadcast_in_dim3A_1138 : i32 to vector<16xi32>
        %add3A_1140 = vector.broadcast %sub3A_1133 : i32 to vector<16xi32>
        %add3A_1141 = arith.addi %broadcast_in_dim3A_1139, %add3A_1140 : vector<16xi32>
        %iota3A_1142 = tpu.iota {dimensions = array<i32: 0>} : vector<16xi32>
        %add3A_1143 = arith.constant 0 : i32
        %add3A_1144 = vector.broadcast %add3A_1143 : i32 to vector<16xi32>
        %add3A_1145 = arith.addi %iota3A_1142, %add3A_1144 : vector<16xi32>
        %gather3A_1146 = arith.constant 5 : i32
        %gather3A_1147 = arith.constant 0 : i32
        %gather3A_1148 = arith.constant 0 : i32
        %gather3A_1149 = tpu.memref_slice %arg6[%gather3A_1146, %gather3A_1147, %gather3A_1148] : memref<8x64x128xf32, #tpu.memory_space<vmem>> -> memref<1x64x128xf32, #tpu.memory_space<vmem>>
        %gather3A_1150 = tpu.memref_squeeze %gather3A_1149 : memref<1x64x128xf32, #tpu.memory_space<vmem>> -> memref<64x128xf32, #tpu.memory_space<vmem>>
        %gather3A_1151 = tpu.vector_load_idx %gather3A_1150[%add3A_1145, %broadcast_in_dim3A_1137] : memref<64x128xf32, #tpu.memory_space<vmem>>[vector<16xi32>, vector<16xi32>], vector<16xf32>,
        tpu.vector_store_idx %arg7[%add3A_1145, %add3A_1141], %gather3A_1151 : memref<64x512xf32, #tpu.memory_space<vmem>>[vector<16xi32>, vector<16xi32>], vector<16xf32>,
        %iota3A_1152 = tpu.iota {dimensions = array<i32: 0>} : vector<16xi32>
        %add3A_1153 = arith.constant 16 : i32
        %add3A_1154 = vector.broadcast %add3A_1153 : i32 to vector<16xi32>
        %add3A_1155 = arith.addi %iota3A_1152, %add3A_1154 : vector<16xi32>
        %gather3A_1156 = arith.constant 5 : i32
        %gather3A_1157 = arith.constant 0 : i32
        %gather3A_1158 = arith.constant 0 : i32
        %gather3A_1159 = tpu.memref_slice %arg6[%gather3A_1156, %gather3A_1157, %gather3A_1158] : memref<8x64x128xf32, #tpu.memory_space<vmem>> -> memref<1x64x128xf32, #tpu.memory_space<vmem>>
        %gather3A_1160 = tpu.memref_squeeze %gather3A_1159 : memref<1x64x128xf32, #tpu.memory_space<vmem>> -> memref<64x128xf32, #tpu.memory_space<vmem>>
        %gather3A_1161 = tpu.vector_load_idx %gather3A_1160[%add3A_1155, %broadcast_in_dim3A_1137] : memref<64x128xf32, #tpu.memory_space<vmem>>[vector<16xi32>, vector<16xi32>], vector<16xf32>,
        tpu.vector_store_idx %arg7[%add3A_1155, %add3A_1141], %gather3A_1161 : memref<64x512xf32, #tpu.memory_space<vmem>>[vector<16xi32>, vector<16xi32>], vector<16xf32>,
        %iota3A_1162 = tpu.iota {dimensions = array<i32: 0>} : vector<16xi32>
        %add3A_1163 = arith.constant 32 : i32
        %add3A_1164 = vector.broadcast %add3A_1163 : i32 to vector<16xi32>
        %add3A_1165 = arith.addi %iota3A_1162, %add3A_1164 : vector<16xi32>
        %gather3A_1166 = arith.constant 5 : i32
        %gather3A_1167 = arith.constant 0 : i32
        %gather3A_1168 = arith.constant 0 : i32
        %gather3A_1169 = tpu.memref_slice %arg6[%gather3A_1166, %gather3A_1167, %gather3A_1168] : memref<8x64x128xf32, #tpu.memory_space<vmem>> -> memref<1x64x128xf32, #tpu.memory_space<vmem>>
        %gather3A_1170 = tpu.memref_squeeze %gather3A_1169 : memref<1x64x128xf32, #tpu.memory_space<vmem>> -> memref<64x128xf32, #tpu.memory_space<vmem>>
        %gather3A_1171 = tpu.vector_load_idx %gather3A_1170[%add3A_1165, %broadcast_in_dim3A_1137] : memref<64x128xf32, #tpu.memory_space<vmem>>[vector<16xi32>, vector<16xi32>], vector<16xf32>,
        tpu.vector_store_idx %arg7[%add3A_1165, %add3A_1141], %gather3A_1171 : memref<64x512xf32, #tpu.memory_space<vmem>>[vector<16xi32>, vector<16xi32>], vector<16xf32>,
        %iota3A_1172 = tpu.iota {dimensions = array<i32: 0>} : vector<16xi32>
        %add3A_1173 = arith.constant 48 : i32
        %add3A_1174 = vector.broadcast %add3A_1173 : i32 to vector<16xi32>
        %add3A_1175 = arith.addi %iota3A_1172, %add3A_1174 : vector<16xi32>
        %gather3A_1176 = arith.constant 5 : i32
        %gather3A_1177 = arith.constant 0 : i32
        %gather3A_1178 = arith.constant 0 : i32
        %gather3A_1179 = tpu.memref_slice %arg6[%gather3A_1176, %gather3A_1177, %gather3A_1178] : memref<8x64x128xf32, #tpu.memory_space<vmem>> -> memref<1x64x128xf32, #tpu.memory_space<vmem>>
        %gather3A_1180 = tpu.memref_squeeze %gather3A_1179 : memref<1x64x128xf32, #tpu.memory_space<vmem>> -> memref<64x128xf32, #tpu.memory_space<vmem>>
        %gather3A_1181 = tpu.vector_load_idx %gather3A_1180[%add3A_1175, %broadcast_in_dim3A_1137] : memref<64x128xf32, #tpu.memory_space<vmem>>[vector<16xi32>, vector<16xi32>], vector<16xf32>,
        tpu.vector_store_idx %arg7[%add3A_1175, %add3A_1141], %gather3A_1181 : memref<64x512xf32, #tpu.memory_space<vmem>>[vector<16xi32>, vector<16xi32>], vector<16xf32>,
      } else {
      }
      %slice3A_1017 = vector.extract_strided_slice %get3A_519 {offsets = [13], sizes = [1], strides = [1]} : vector<16xi32> to vector<1xi32>
      %squeeze3A_1018 = vector.extract %slice3A_1017[0] : i32 from vector<1xi32>
      %shift_right_logical3A_1019 = arith.constant 7 : i32
      %shift_right_logical3A_1020 = arith.shrui %squeeze3A_1018, %shift_right_logical3A_1019 : i32
      %and3A_1021 = arith.constant 127 : i32
      %and3A_1022 = arith.andi %squeeze3A_1018, %and3A_1021 : i32
      %mul3A_1023 = arith.constant 128 : i32
      %mul3A_1024 = arith.muli %shift_right_logical3A_1020, %mul3A_1023 : i32
      %multiple_of3A_1025 = tpu.assume_multiple %mul3A_1024, 128 : i32
      %dma_start3A_1026 = arith.constant 5 : i32
      %dma_start3A_1027 = arith.constant 0 : i32
      %dma_start3A_1028 = arith.constant 0 : i32
      %dma_start3A_1029 = tpu.memref_slice %arg6[%dma_start3A_1026, %dma_start3A_1027, %dma_start3A_1028] : memref<8x64x128xf32, #tpu.memory_space<vmem>> -> memref<1x64x128xf32, #tpu.memory_space<vmem>>
      %dma_start3A_1030 = tpu.memref_squeeze %dma_start3A_1029 : memref<1x64x128xf32, #tpu.memory_space<vmem>> -> memref<64x128xf32, #tpu.memory_space<vmem>>
      %dma_start3A_1031 = arith.constant 0 : i32
      %dma_start3A_1032 = tpu.memref_slice %arg3[%dma_start3A_1031, %multiple_of3A_1025] : memref<64x1000001xf32, #tpu.memory_space<hbm>> -> memref<64x128xf32, #tpu.memory_space<hbm>>
      %dma_start3A_1033 = arith.constant 0 : i32
      %dma_start3A_1034 = arith.constant 0 : i32
      %dma_start3A_1035 = tpu.memref_slice %arg6[%dma_start3A_1026, %dma_start3A_1033, %dma_start3A_1034] : memref<8x64x128xf32, #tpu.memory_space<vmem>> -> memref<1x64x128xf32, #tpu.memory_space<vmem>>
      %dma_start3A_1036 = tpu.memref_squeeze %dma_start3A_1035 : memref<1x64x128xf32, #tpu.memory_space<vmem>> -> memref<64x128xf32, #tpu.memory_space<vmem>>
      %dma_start3A_1037 = arith.constant 0 : i32
      %dma_start3A_1038 = tpu.memref_slice %arg3[%dma_start3A_1037, %multiple_of3A_1025] : memref<64x1000001xf32, #tpu.memory_space<hbm>> -> memref<64x128xf32, #tpu.memory_space<hbm>>
      tpu.enqueue_dma source(%dma_start3A_1038 : memref<64x128xf32, #tpu.memory_space<hbm>>) target(%dma_start3A_1036 : memref<64x128xf32, #tpu.memory_space<vmem>>) target_semaphore(%arg14 : memref<!tpu.dma_semaphore, #tpu.memory_space<semaphore_mem>>)
      %swap3A_1039 = arith.constant 5 : i32
      %swap3A_1040 = arith.index_cast %swap3A_1039 : i32 to index
      %swap3A_1041 = memref.load %arg8[%swap3A_1040] : memref<8xi32, #tpu.memory_space<smem>>
      memref.store %and3A_1022, %arg8[%swap3A_1040] : memref<8xi32, #tpu.memory_space<smem>>
      %mul3A_1042 = arith.constant 16 : i32
      %mul3A_1043 = arith.muli %scan3A_515, %mul3A_1042 : i32
      %add3A_1044 = arith.constant 14 : i32
      %add3A_1045 = arith.addi %mul3A_1043, %add3A_1044 : i32
      %eq3A_1046 = arith.constant 0 : i32
      %eq3A_1047 = arith.cmpi eq, %scan3A_515, %eq3A_1046 : i32
      %and3A_1048 = arith.constant false
      %and3A_1049 = arith.andi %eq3A_1047, %and3A_1048 : i1
      %not3A_1050 = arith.constant true
      %not3A_1051 = arith.xori %and3A_1049, %not3A_1050 : i1
      %convert_element_type3A_1052 = arith.extui %not3A_1051 : i1 to i32
      %cond3A_1053 = arith.constant 0 : i32
      %cond3A_1054 = arith.cmpi ne, %convert_element_type3A_1052, %cond3A_1053 : i32
      scf.if %cond3A_1054 {
        %dma_wait3A_1118 = arith.constant 6 : i32
        %dma_wait3A_1119 = arith.constant 0 : i32
        %dma_wait3A_1120 = arith.constant 0 : i32
        %dma_wait3A_1121 = tpu.memref_slice %arg6[%dma_wait3A_1118, %dma_wait3A_1119, %dma_wait3A_1120] : memref<8x64x128xf32, #tpu.memory_space<vmem>> -> memref<1x64x128xf32, #tpu.memory_space<vmem>>
        %dma_wait3A_1122 = tpu.memref_squeeze %dma_wait3A_1121 : memref<1x64x128xf32, #tpu.memory_space<vmem>> -> memref<64x128xf32, #tpu.memory_space<vmem>>
        %dma_wait3A_1123 = arith.constant 0 : i32
        %dma_wait3A_1124 = arith.constant 0 : i32
        %dma_wait3A_1125 = tpu.memref_slice %arg3[%dma_wait3A_1123, %dma_wait3A_1124] : memref<64x1000001xf32, #tpu.memory_space<hbm>> -> memref<64x128xf32, #tpu.memory_space<hbm>>
        %dma_wait3A_1126 = arith.constant 0 : i32
        %dma_wait3A_1127 = arith.constant 0 : i32
        %dma_wait3A_1128 = tpu.memref_slice %arg6[%dma_wait3A_1118, %dma_wait3A_1126, %dma_wait3A_1127] : memref<8x64x128xf32, #tpu.memory_space<vmem>> -> memref<1x64x128xf32, #tpu.memory_space<vmem>>
        %dma_wait3A_1129 = tpu.memref_squeeze %dma_wait3A_1128 : memref<1x64x128xf32, #tpu.memory_space<vmem>> -> memref<64x128xf32, #tpu.memory_space<vmem>>
        %dma_wait3A_1130 = arith.constant 0 : i32
        %dma_wait3A_1131 = arith.constant 0 : i32
        %dma_wait3A_1132 = tpu.memref_slice %arg3[%dma_wait3A_1130, %dma_wait3A_1131] : memref<64x1000001xf32, #tpu.memory_space<hbm>> -> memref<64x128xf32, #tpu.memory_space<hbm>>
        tpu.wait_dma2 semaphore(%arg15 : memref<!tpu.dma_semaphore, #tpu.memory_space<semaphore_mem>>) src(%dma_wait3A_1132 : memref<64x128xf32, #tpu.memory_space<hbm>>) dst(%dma_wait3A_1129 : memref<64x128xf32, #tpu.memory_space<vmem>>)
        %sub3A = arith.constant 8 : i32
        %sub3A_1133 = arith.subi %add3A_1045, %sub3A : i32
        %get3A_1134 = arith.constant 6 : i32
        %get3A_1135 = arith.index_cast %get3A_1134 : i32 to index
        %get3A_1136 = memref.load %arg8[%get3A_1135] : memref<8xi32, #tpu.memory_space<smem>>
        %broadcast_in_dim3A_1137 = vector.broadcast %get3A_1136 : i32 to vector<16xi32>
        %broadcast_in_dim3A_1138 = arith.constant 0 : i32
        %broadcast_in_dim3A_1139 = vector.broadcast %broadcast_in_dim3A_1138 : i32 to vector<16xi32>
        %add3A_1140 = vector.broadcast %sub3A_1133 : i32 to vector<16xi32>
        %add3A_1141 = arith.addi %broadcast_in_dim3A_1139, %add3A_1140 : vector<16xi32>
        %iota3A_1142 = tpu.iota {dimensions = array<i32: 0>} : vector<16xi32>
        %add3A_1143 = arith.constant 0 : i32
        %add3A_1144 = vector.broadcast %add3A_1143 : i32 to vector<16xi32>
        %add3A_1145 = arith.addi %iota3A_1142, %add3A_1144 : vector<16xi32>
        %gather3A_1146 = arith.constant 6 : i32
        %gather3A_1147 = arith.constant 0 : i32
        %gather3A_1148 = arith.constant 0 : i32
        %gather3A_1149 = tpu.memref_slice %arg6[%gather3A_1146, %gather3A_1147, %gather3A_1148] : memref<8x64x128xf32, #tpu.memory_space<vmem>> -> memref<1x64x128xf32, #tpu.memory_space<vmem>>
        %gather3A_1150 = tpu.memref_squeeze %gather3A_1149 : memref<1x64x128xf32, #tpu.memory_space<vmem>> -> memref<64x128xf32, #tpu.memory_space<vmem>>
        %gather3A_1151 = tpu.vector_load_idx %gather3A_1150[%add3A_1145, %broadcast_in_dim3A_1137] : memref<64x128xf32, #tpu.memory_space<vmem>>[vector<16xi32>, vector<16xi32>], vector<16xf32>,
        tpu.vector_store_idx %arg7[%add3A_1145, %add3A_1141], %gather3A_1151 : memref<64x512xf32, #tpu.memory_space<vmem>>[vector<16xi32>, vector<16xi32>], vector<16xf32>,
        %iota3A_1152 = tpu.iota {dimensions = array<i32: 0>} : vector<16xi32>
        %add3A_1153 = arith.constant 16 : i32
        %add3A_1154 = vector.broadcast %add3A_1153 : i32 to vector<16xi32>
        %add3A_1155 = arith.addi %iota3A_1152, %add3A_1154 : vector<16xi32>
        %gather3A_1156 = arith.constant 6 : i32
        %gather3A_1157 = arith.constant 0 : i32
        %gather3A_1158 = arith.constant 0 : i32
        %gather3A_1159 = tpu.memref_slice %arg6[%gather3A_1156, %gather3A_1157, %gather3A_1158] : memref<8x64x128xf32, #tpu.memory_space<vmem>> -> memref<1x64x128xf32, #tpu.memory_space<vmem>>
        %gather3A_1160 = tpu.memref_squeeze %gather3A_1159 : memref<1x64x128xf32, #tpu.memory_space<vmem>> -> memref<64x128xf32, #tpu.memory_space<vmem>>
        %gather3A_1161 = tpu.vector_load_idx %gather3A_1160[%add3A_1155, %broadcast_in_dim3A_1137] : memref<64x128xf32, #tpu.memory_space<vmem>>[vector<16xi32>, vector<16xi32>], vector<16xf32>,
        tpu.vector_store_idx %arg7[%add3A_1155, %add3A_1141], %gather3A_1161 : memref<64x512xf32, #tpu.memory_space<vmem>>[vector<16xi32>, vector<16xi32>], vector<16xf32>,
        %iota3A_1162 = tpu.iota {dimensions = array<i32: 0>} : vector<16xi32>
        %add3A_1163 = arith.constant 32 : i32
        %add3A_1164 = vector.broadcast %add3A_1163 : i32 to vector<16xi32>
        %add3A_1165 = arith.addi %iota3A_1162, %add3A_1164 : vector<16xi32>
        %gather3A_1166 = arith.constant 6 : i32
        %gather3A_1167 = arith.constant 0 : i32
        %gather3A_1168 = arith.constant 0 : i32
        %gather3A_1169 = tpu.memref_slice %arg6[%gather3A_1166, %gather3A_1167, %gather3A_1168] : memref<8x64x128xf32, #tpu.memory_space<vmem>> -> memref<1x64x128xf32, #tpu.memory_space<vmem>>
        %gather3A_1170 = tpu.memref_squeeze %gather3A_1169 : memref<1x64x128xf32, #tpu.memory_space<vmem>> -> memref<64x128xf32, #tpu.memory_space<vmem>>
        %gather3A_1171 = tpu.vector_load_idx %gather3A_1170[%add3A_1165, %broadcast_in_dim3A_1137] : memref<64x128xf32, #tpu.memory_space<vmem>>[vector<16xi32>, vector<16xi32>], vector<16xf32>,
        tpu.vector_store_idx %arg7[%add3A_1165, %add3A_1141], %gather3A_1171 : memref<64x512xf32, #tpu.memory_space<vmem>>[vector<16xi32>, vector<16xi32>], vector<16xf32>,
        %iota3A_1172 = tpu.iota {dimensions = array<i32: 0>} : vector<16xi32>
        %add3A_1173 = arith.constant 48 : i32
        %add3A_1174 = vector.broadcast %add3A_1173 : i32 to vector<16xi32>
        %add3A_1175 = arith.addi %iota3A_1172, %add3A_1174 : vector<16xi32>
        %gather3A_1176 = arith.constant 6 : i32
        %gather3A_1177 = arith.constant 0 : i32
        %gather3A_1178 = arith.constant 0 : i32
        %gather3A_1179 = tpu.memref_slice %arg6[%gather3A_1176, %gather3A_1177, %gather3A_1178] : memref<8x64x128xf32, #tpu.memory_space<vmem>> -> memref<1x64x128xf32, #tpu.memory_space<vmem>>
        %gather3A_1180 = tpu.memref_squeeze %gather3A_1179 : memref<1x64x128xf32, #tpu.memory_space<vmem>> -> memref<64x128xf32, #tpu.memory_space<vmem>>
        %gather3A_1181 = tpu.vector_load_idx %gather3A_1180[%add3A_1175, %broadcast_in_dim3A_1137] : memref<64x128xf32, #tpu.memory_space<vmem>>[vector<16xi32>, vector<16xi32>], vector<16xf32>,
        tpu.vector_store_idx %arg7[%add3A_1175, %add3A_1141], %gather3A_1181 : memref<64x512xf32, #tpu.memory_space<vmem>>[vector<16xi32>, vector<16xi32>], vector<16xf32>,
      } else {
      }
      %slice3A_1055 = vector.extract_strided_slice %get3A_519 {offsets = [14], sizes = [1], strides = [1]} : vector<16xi32> to vector<1xi32>
      %squeeze3A_1056 = vector.extract %slice3A_1055[0] : i32 from vector<1xi32>
      %shift_right_logical3A_1057 = arith.constant 7 : i32
      %shift_right_logical3A_1058 = arith.shrui %squeeze3A_1056, %shift_right_logical3A_1057 : i32
      %and3A_1059 = arith.constant 127 : i32
      %and3A_1060 = arith.andi %squeeze3A_1056, %and3A_1059 : i32
      %mul3A_1061 = arith.constant 128 : i32
      %mul3A_1062 = arith.muli %shift_right_logical3A_1058, %mul3A_1061 : i32
      %multiple_of3A_1063 = tpu.assume_multiple %mul3A_1062, 128 : i32
      %dma_start3A_1064 = arith.constant 6 : i32
      %dma_start3A_1065 = arith.constant 0 : i32
      %dma_start3A_1066 = arith.constant 0 : i32
      %dma_start3A_1067 = tpu.memref_slice %arg6[%dma_start3A_1064, %dma_start3A_1065, %dma_start3A_1066] : memref<8x64x128xf32, #tpu.memory_space<vmem>> -> memref<1x64x128xf32, #tpu.memory_space<vmem>>
      %dma_start3A_1068 = tpu.memref_squeeze %dma_start3A_1067 : memref<1x64x128xf32, #tpu.memory_space<vmem>> -> memref<64x128xf32, #tpu.memory_space<vmem>>
      %dma_start3A_1069 = arith.constant 0 : i32
      %dma_start3A_1070 = tpu.memref_slice %arg3[%dma_start3A_1069, %multiple_of3A_1063] : memref<64x1000001xf32, #tpu.memory_space<hbm>> -> memref<64x128xf32, #tpu.memory_space<hbm>>
      %dma_start3A_1071 = arith.constant 0 : i32
      %dma_start3A_1072 = arith.constant 0 : i32
      %dma_start3A_1073 = tpu.memref_slice %arg6[%dma_start3A_1064, %dma_start3A_1071, %dma_start3A_1072] : memref<8x64x128xf32, #tpu.memory_space<vmem>> -> memref<1x64x128xf32, #tpu.memory_space<vmem>>
      %dma_start3A_1074 = tpu.memref_squeeze %dma_start3A_1073 : memref<1x64x128xf32, #tpu.memory_space<vmem>> -> memref<64x128xf32, #tpu.memory_space<vmem>>
      %dma_start3A_1075 = arith.constant 0 : i32
      %dma_start3A_1076 = tpu.memref_slice %arg3[%dma_start3A_1075, %multiple_of3A_1063] : memref<64x1000001xf32, #tpu.memory_space<hbm>> -> memref<64x128xf32, #tpu.memory_space<hbm>>
      tpu.enqueue_dma source(%dma_start3A_1076 : memref<64x128xf32, #tpu.memory_space<hbm>>) target(%dma_start3A_1074 : memref<64x128xf32, #tpu.memory_space<vmem>>) target_semaphore(%arg15 : memref<!tpu.dma_semaphore, #tpu.memory_space<semaphore_mem>>)
      %swap3A_1077 = arith.constant 6 : i32
      %swap3A_1078 = arith.index_cast %swap3A_1077 : i32 to index
      %swap3A_1079 = memref.load %arg8[%swap3A_1078] : memref<8xi32, #tpu.memory_space<smem>>
      memref.store %and3A_1060, %arg8[%swap3A_1078] : memref<8xi32, #tpu.memory_space<smem>>
      %mul3A_1080 = arith.constant 16 : i32
      %mul3A_1081 = arith.muli %scan3A_515, %mul3A_1080 : i32
      %add3A_1082 = arith.constant 15 : i32
      %add3A_1083 = arith.addi %mul3A_1081, %add3A_1082 : i32
      %eq3A_1084 = arith.constant 0 : i32
      %eq3A_1085 = arith.cmpi eq, %scan3A_515, %eq3A_1084 : i32
      %and3A_1086 = arith.constant false
      %and3A_1087 = arith.andi %eq3A_1085, %and3A_1086 : i1
      %not3A_1088 = arith.constant true
      %not3A_1089 = arith.xori %and3A_1087, %not3A_1088 : i1
      %convert_element_type3A_1090 = arith.extui %not3A_1089 : i1 to i32
      %cond3A_1091 = arith.constant 0 : i32
      %cond3A_1092 = arith.cmpi ne, %convert_element_type3A_1090, %cond3A_1091 : i32
      scf.if %cond3A_1092 {
        %dma_wait3A_1118 = arith.constant 7 : i32
        %dma_wait3A_1119 = arith.constant 0 : i32
        %dma_wait3A_1120 = arith.constant 0 : i32
        %dma_wait3A_1121 = tpu.memref_slice %arg6[%dma_wait3A_1118, %dma_wait3A_1119, %dma_wait3A_1120] : memref<8x64x128xf32, #tpu.memory_space<vmem>> -> memref<1x64x128xf32, #tpu.memory_space<vmem>>
        %dma_wait3A_1122 = tpu.memref_squeeze %dma_wait3A_1121 : memref<1x64x128xf32, #tpu.memory_space<vmem>> -> memref<64x128xf32, #tpu.memory_space<vmem>>
        %dma_wait3A_1123 = arith.constant 0 : i32
        %dma_wait3A_1124 = arith.constant 0 : i32
        %dma_wait3A_1125 = tpu.memref_slice %arg3[%dma_wait3A_1123, %dma_wait3A_1124] : memref<64x1000001xf32, #tpu.memory_space<hbm>> -> memref<64x128xf32, #tpu.memory_space<hbm>>
        %dma_wait3A_1126 = arith.constant 0 : i32
        %dma_wait3A_1127 = arith.constant 0 : i32
        %dma_wait3A_1128 = tpu.memref_slice %arg6[%dma_wait3A_1118, %dma_wait3A_1126, %dma_wait3A_1127] : memref<8x64x128xf32, #tpu.memory_space<vmem>> -> memref<1x64x128xf32, #tpu.memory_space<vmem>>
        %dma_wait3A_1129 = tpu.memref_squeeze %dma_wait3A_1128 : memref<1x64x128xf32, #tpu.memory_space<vmem>> -> memref<64x128xf32, #tpu.memory_space<vmem>>
        %dma_wait3A_1130 = arith.constant 0 : i32
        %dma_wait3A_1131 = arith.constant 0 : i32
        %dma_wait3A_1132 = tpu.memref_slice %arg3[%dma_wait3A_1130, %dma_wait3A_1131] : memref<64x1000001xf32, #tpu.memory_space<hbm>> -> memref<64x128xf32, #tpu.memory_space<hbm>>
        tpu.wait_dma2 semaphore(%arg16 : memref<!tpu.dma_semaphore, #tpu.memory_space<semaphore_mem>>) src(%dma_wait3A_1132 : memref<64x128xf32, #tpu.memory_space<hbm>>) dst(%dma_wait3A_1129 : memref<64x128xf32, #tpu.memory_space<vmem>>)
        %sub3A = arith.constant 8 : i32
        %sub3A_1133 = arith.subi %add3A_1083, %sub3A : i32
        %get3A_1134 = arith.constant 7 : i32
        %get3A_1135 = arith.index_cast %get3A_1134 : i32 to index
        %get3A_1136 = memref.load %arg8[%get3A_1135] : memref<8xi32, #tpu.memory_space<smem>>
        %broadcast_in_dim3A_1137 = vector.broadcast %get3A_1136 : i32 to vector<16xi32>
        %broadcast_in_dim3A_1138 = arith.constant 0 : i32
        %broadcast_in_dim3A_1139 = vector.broadcast %broadcast_in_dim3A_1138 : i32 to vector<16xi32>
        %add3A_1140 = vector.broadcast %sub3A_1133 : i32 to vector<16xi32>
        %add3A_1141 = arith.addi %broadcast_in_dim3A_1139, %add3A_1140 : vector<16xi32>
        %iota3A_1142 = tpu.iota {dimensions = array<i32: 0>} : vector<16xi32>
        %add3A_1143 = arith.constant 0 : i32
        %add3A_1144 = vector.broadcast %add3A_1143 : i32 to vector<16xi32>
        %add3A_1145 = arith.addi %iota3A_1142, %add3A_1144 : vector<16xi32>
        %gather3A_1146 = arith.constant 7 : i32
        %gather3A_1147 = arith.constant 0 : i32
        %gather3A_1148 = arith.constant 0 : i32
        %gather3A_1149 = tpu.memref_slice %arg6[%gather3A_1146, %gather3A_1147, %gather3A_1148] : memref<8x64x128xf32, #tpu.memory_space<vmem>> -> memref<1x64x128xf32, #tpu.memory_space<vmem>>
        %gather3A_1150 = tpu.memref_squeeze %gather3A_1149 : memref<1x64x128xf32, #tpu.memory_space<vmem>> -> memref<64x128xf32, #tpu.memory_space<vmem>>
        %gather3A_1151 = tpu.vector_load_idx %gather3A_1150[%add3A_1145, %broadcast_in_dim3A_1137] : memref<64x128xf32, #tpu.memory_space<vmem>>[vector<16xi32>, vector<16xi32>], vector<16xf32>,
        tpu.vector_store_idx %arg7[%add3A_1145, %add3A_1141], %gather3A_1151 : memref<64x512xf32, #tpu.memory_space<vmem>>[vector<16xi32>, vector<16xi32>], vector<16xf32>,
        %iota3A_1152 = tpu.iota {dimensions = array<i32: 0>} : vector<16xi32>
        %add3A_1153 = arith.constant 16 : i32
        %add3A_1154 = vector.broadcast %add3A_1153 : i32 to vector<16xi32>
        %add3A_1155 = arith.addi %iota3A_1152, %add3A_1154 : vector<16xi32>
        %gather3A_1156 = arith.constant 7 : i32
        %gather3A_1157 = arith.constant 0 : i32
        %gather3A_1158 = arith.constant 0 : i32
        %gather3A_1159 = tpu.memref_slice %arg6[%gather3A_1156, %gather3A_1157, %gather3A_1158] : memref<8x64x128xf32, #tpu.memory_space<vmem>> -> memref<1x64x128xf32, #tpu.memory_space<vmem>>
        %gather3A_1160 = tpu.memref_squeeze %gather3A_1159 : memref<1x64x128xf32, #tpu.memory_space<vmem>> -> memref<64x128xf32, #tpu.memory_space<vmem>>
        %gather3A_1161 = tpu.vector_load_idx %gather3A_1160[%add3A_1155, %broadcast_in_dim3A_1137] : memref<64x128xf32, #tpu.memory_space<vmem>>[vector<16xi32>, vector<16xi32>], vector<16xf32>,
        tpu.vector_store_idx %arg7[%add3A_1155, %add3A_1141], %gather3A_1161 : memref<64x512xf32, #tpu.memory_space<vmem>>[vector<16xi32>, vector<16xi32>], vector<16xf32>,
        %iota3A_1162 = tpu.iota {dimensions = array<i32: 0>} : vector<16xi32>
        %add3A_1163 = arith.constant 32 : i32
        %add3A_1164 = vector.broadcast %add3A_1163 : i32 to vector<16xi32>
        %add3A_1165 = arith.addi %iota3A_1162, %add3A_1164 : vector<16xi32>
        %gather3A_1166 = arith.constant 7 : i32
        %gather3A_1167 = arith.constant 0 : i32
        %gather3A_1168 = arith.constant 0 : i32
        %gather3A_1169 = tpu.memref_slice %arg6[%gather3A_1166, %gather3A_1167, %gather3A_1168] : memref<8x64x128xf32, #tpu.memory_space<vmem>> -> memref<1x64x128xf32, #tpu.memory_space<vmem>>
        %gather3A_1170 = tpu.memref_squeeze %gather3A_1169 : memref<1x64x128xf32, #tpu.memory_space<vmem>> -> memref<64x128xf32, #tpu.memory_space<vmem>>
        %gather3A_1171 = tpu.vector_load_idx %gather3A_1170[%add3A_1165, %broadcast_in_dim3A_1137] : memref<64x128xf32, #tpu.memory_space<vmem>>[vector<16xi32>, vector<16xi32>], vector<16xf32>,
        tpu.vector_store_idx %arg7[%add3A_1165, %add3A_1141], %gather3A_1171 : memref<64x512xf32, #tpu.memory_space<vmem>>[vector<16xi32>, vector<16xi32>], vector<16xf32>,
        %iota3A_1172 = tpu.iota {dimensions = array<i32: 0>} : vector<16xi32>
        %add3A_1173 = arith.constant 48 : i32
        %add3A_1174 = vector.broadcast %add3A_1173 : i32 to vector<16xi32>
        %add3A_1175 = arith.addi %iota3A_1172, %add3A_1174 : vector<16xi32>
        %gather3A_1176 = arith.constant 7 : i32
        %gather3A_1177 = arith.constant 0 : i32
        %gather3A_1178 = arith.constant 0 : i32
        %gather3A_1179 = tpu.memref_slice %arg6[%gather3A_1176, %gather3A_1177, %gather3A_1178] : memref<8x64x128xf32, #tpu.memory_space<vmem>> -> memref<1x64x128xf32, #tpu.memory_space<vmem>>
        %gather3A_1180 = tpu.memref_squeeze %gather3A_1179 : memref<1x64x128xf32, #tpu.memory_space<vmem>> -> memref<64x128xf32, #tpu.memory_space<vmem>>
        %gather3A_1181 = tpu.vector_load_idx %gather3A_1180[%add3A_1175, %broadcast_in_dim3A_1137] : memref<64x128xf32, #tpu.memory_space<vmem>>[vector<16xi32>, vector<16xi32>], vector<16xf32>,
        tpu.vector_store_idx %arg7[%add3A_1175, %add3A_1141], %gather3A_1181 : memref<64x512xf32, #tpu.memory_space<vmem>>[vector<16xi32>, vector<16xi32>], vector<16xf32>,
      } else {
      }
      %slice3A_1093 = vector.extract_strided_slice %get3A_519 {offsets = [15], sizes = [1], strides = [1]} : vector<16xi32> to vector<1xi32>
      %squeeze3A_1094 = vector.extract %slice3A_1093[0] : i32 from vector<1xi32>
      %shift_right_logical3A_1095 = arith.constant 7 : i32
      %shift_right_logical3A_1096 = arith.shrui %squeeze3A_1094, %shift_right_logical3A_1095 : i32
      %and3A_1097 = arith.constant 127 : i32
      %and3A_1098 = arith.andi %squeeze3A_1094, %and3A_1097 : i32
      %mul3A_1099 = arith.constant 128 : i32
      %mul3A_1100 = arith.muli %shift_right_logical3A_1096, %mul3A_1099 : i32
      %multiple_of3A_1101 = tpu.assume_multiple %mul3A_1100, 128 : i32
      %dma_start3A_1102 = arith.constant 7 : i32
      %dma_start3A_1103 = arith.constant 0 : i32
      %dma_start3A_1104 = arith.constant 0 : i32
      %dma_start3A_1105 = tpu.memref_slice %arg6[%dma_start3A_1102, %dma_start3A_1103, %dma_start3A_1104] : memref<8x64x128xf32, #tpu.memory_space<vmem>> -> memref<1x64x128xf32, #tpu.memory_space<vmem>>
      %dma_start3A_1106 = tpu.memref_squeeze %dma_start3A_1105 : memref<1x64x128xf32, #tpu.memory_space<vmem>> -> memref<64x128xf32, #tpu.memory_space<vmem>>
      %dma_start3A_1107 = arith.constant 0 : i32
      %dma_start3A_1108 = tpu.memref_slice %arg3[%dma_start3A_1107, %multiple_of3A_1101] : memref<64x1000001xf32, #tpu.memory_space<hbm>> -> memref<64x128xf32, #tpu.memory_space<hbm>>
      %dma_start3A_1109 = arith.constant 0 : i32
      %dma_start3A_1110 = arith.constant 0 : i32
      %dma_start3A_1111 = tpu.memref_slice %arg6[%dma_start3A_1102, %dma_start3A_1109, %dma_start3A_1110] : memref<8x64x128xf32, #tpu.memory_space<vmem>> -> memref<1x64x128xf32, #tpu.memory_space<vmem>>
      %dma_start3A_1112 = tpu.memref_squeeze %dma_start3A_1111 : memref<1x64x128xf32, #tpu.memory_space<vmem>> -> memref<64x128xf32, #tpu.memory_space<vmem>>
      %dma_start3A_1113 = arith.constant 0 : i32
      %dma_start3A_1114 = tpu.memref_slice %arg3[%dma_start3A_1113, %multiple_of3A_1101] : memref<64x1000001xf32, #tpu.memory_space<hbm>> -> memref<64x128xf32, #tpu.memory_space<hbm>>
      tpu.enqueue_dma source(%dma_start3A_1114 : memref<64x128xf32, #tpu.memory_space<hbm>>) target(%dma_start3A_1112 : memref<64x128xf32, #tpu.memory_space<vmem>>) target_semaphore(%arg16 : memref<!tpu.dma_semaphore, #tpu.memory_space<semaphore_mem>>)
      %swap3A_1115 = arith.constant 7 : i32
      %swap3A_1116 = arith.index_cast %swap3A_1115 : i32 to index
      %swap3A_1117 = memref.load %arg8[%swap3A_1116] : memref<8xi32, #tpu.memory_space<smem>>
      memref.store %and3A_1098, %arg8[%swap3A_1116] : memref<8xi32, #tpu.memory_space<smem>>
    }
    %scan3A_7 = arith.constant 32 : i32
    %dma_wait3A = arith.constant 0 : i32
    %dma_wait3A_8 = arith.constant 0 : i32
    %dma_wait3A_9 = arith.constant 0 : i32
    %dma_wait3A_10 = tpu.memref_slice %arg6[%dma_wait3A, %dma_wait3A_8, %dma_wait3A_9] : memref<8x64x128xf32, #tpu.memory_space<vmem>> -> memref<1x64x128xf32, #tpu.memory_space<vmem>>
    %dma_wait3A_11 = tpu.memref_squeeze %dma_wait3A_10 : memref<1x64x128xf32, #tpu.memory_space<vmem>> -> memref<64x128xf32, #tpu.memory_space<vmem>>
    %dma_wait3A_12 = arith.constant 0 : i32
    %dma_wait3A_13 = arith.constant 0 : i32
    %dma_wait3A_14 = tpu.memref_slice %arg3[%dma_wait3A_12, %dma_wait3A_13] : memref<64x1000001xf32, #tpu.memory_space<hbm>> -> memref<64x128xf32, #tpu.memory_space<hbm>>
    %dma_wait3A_15 = arith.constant 0 : i32
    %dma_wait3A_16 = arith.constant 0 : i32
    %dma_wait3A_17 = tpu.memref_slice %arg6[%dma_wait3A, %dma_wait3A_15, %dma_wait3A_16] : memref<8x64x128xf32, #tpu.memory_space<vmem>> -> memref<1x64x128xf32, #tpu.memory_space<vmem>>
    %dma_wait3A_18 = tpu.memref_squeeze %dma_wait3A_17 : memref<1x64x128xf32, #tpu.memory_space<vmem>> -> memref<64x128xf32, #tpu.memory_space<vmem>>
    %dma_wait3A_19 = arith.constant 0 : i32
    %dma_wait3A_20 = arith.constant 0 : i32
    %dma_wait3A_21 = tpu.memref_slice %arg3[%dma_wait3A_19, %dma_wait3A_20] : memref<64x1000001xf32, #tpu.memory_space<hbm>> -> memref<64x128xf32, #tpu.memory_space<hbm>>
    tpu.wait_dma2 semaphore(%arg9 : memref<!tpu.dma_semaphore, #tpu.memory_space<semaphore_mem>>) src(%dma_wait3A_21 : memref<64x128xf32, #tpu.memory_space<hbm>>) dst(%dma_wait3A_18 : memref<64x128xf32, #tpu.memory_space<vmem>>)
    %get3A = arith.constant 0 : i32
    %get3A_22 = arith.index_cast %get3A : i32 to index
    %get3A_23 = memref.load %arg8[%get3A_22] : memref<8xi32, #tpu.memory_space<smem>>
    %broadcast_in_dim3A = vector.broadcast %get3A_23 : i32 to vector<16xi32>
    %broadcast_in_dim3A_24 = arith.constant 0 : i32
    %broadcast_in_dim3A_25 = vector.broadcast %broadcast_in_dim3A_24 : i32 to vector<16xi32>
    %add3A_26 = arith.constant 504 : i32
    %add3A_27 = vector.broadcast %add3A_26 : i32 to vector<16xi32>
    %add3A_28 = arith.addi %broadcast_in_dim3A_25, %add3A_27 : vector<16xi32>
    %iota3A = tpu.iota {dimensions = array<i32: 0>} : vector<16xi32>
    %add3A_29 = arith.constant 0 : i32
    %add3A_30 = vector.broadcast %add3A_29 : i32 to vector<16xi32>
    %add3A_31 = arith.addi %iota3A, %add3A_30 : vector<16xi32>
    %gather3A = arith.constant 0 : i32
    %gather3A_32 = arith.constant 0 : i32
    %gather3A_33 = arith.constant 0 : i32
    %gather3A_34 = tpu.memref_slice %arg6[%gather3A, %gather3A_32, %gather3A_33] : memref<8x64x128xf32, #tpu.memory_space<vmem>> -> memref<1x64x128xf32, #tpu.memory_space<vmem>>
    %gather3A_35 = tpu.memref_squeeze %gather3A_34 : memref<1x64x128xf32, #tpu.memory_space<vmem>> -> memref<64x128xf32, #tpu.memory_space<vmem>>
    %gather3A_36 = tpu.vector_load_idx %gather3A_35[%add3A_31, %broadcast_in_dim3A] : memref<64x128xf32, #tpu.memory_space<vmem>>[vector<16xi32>, vector<16xi32>], vector<16xf32>,
    tpu.vector_store_idx %arg7[%add3A_31, %add3A_28], %gather3A_36 : memref<64x512xf32, #tpu.memory_space<vmem>>[vector<16xi32>, vector<16xi32>], vector<16xf32>,
    %iota3A_37 = tpu.iota {dimensions = array<i32: 0>} : vector<16xi32>
    %add3A_38 = arith.constant 16 : i32
    %add3A_39 = vector.broadcast %add3A_38 : i32 to vector<16xi32>
    %add3A_40 = arith.addi %iota3A_37, %add3A_39 : vector<16xi32>
    %gather3A_41 = arith.constant 0 : i32
    %gather3A_42 = arith.constant 0 : i32
    %gather3A_43 = arith.constant 0 : i32
    %gather3A_44 = tpu.memref_slice %arg6[%gather3A_41, %gather3A_42, %gather3A_43] : memref<8x64x128xf32, #tpu.memory_space<vmem>> -> memref<1x64x128xf32, #tpu.memory_space<vmem>>
    %gather3A_45 = tpu.memref_squeeze %gather3A_44 : memref<1x64x128xf32, #tpu.memory_space<vmem>> -> memref<64x128xf32, #tpu.memory_space<vmem>>
    %gather3A_46 = tpu.vector_load_idx %gather3A_45[%add3A_40, %broadcast_in_dim3A] : memref<64x128xf32, #tpu.memory_space<vmem>>[vector<16xi32>, vector<16xi32>], vector<16xf32>,
    tpu.vector_store_idx %arg7[%add3A_40, %add3A_28], %gather3A_46 : memref<64x512xf32, #tpu.memory_space<vmem>>[vector<16xi32>, vector<16xi32>], vector<16xf32>,
    %iota3A_47 = tpu.iota {dimensions = array<i32: 0>} : vector<16xi32>
    %add3A_48 = arith.constant 32 : i32
    %add3A_49 = vector.broadcast %add3A_48 : i32 to vector<16xi32>
    %add3A_50 = arith.addi %iota3A_47, %add3A_49 : vector<16xi32>
    %gather3A_51 = arith.constant 0 : i32
    %gather3A_52 = arith.constant 0 : i32
    %gather3A_53 = arith.constant 0 : i32
    %gather3A_54 = tpu.memref_slice %arg6[%gather3A_51, %gather3A_52, %gather3A_53] : memref<8x64x128xf32, #tpu.memory_space<vmem>> -> memref<1x64x128xf32, #tpu.memory_space<vmem>>
    %gather3A_55 = tpu.memref_squeeze %gather3A_54 : memref<1x64x128xf32, #tpu.memory_space<vmem>> -> memref<64x128xf32, #tpu.memory_space<vmem>>
    %gather3A_56 = tpu.vector_load_idx %gather3A_55[%add3A_50, %broadcast_in_dim3A] : memref<64x128xf32, #tpu.memory_space<vmem>>[vector<16xi32>, vector<16xi32>], vector<16xf32>,
    tpu.vector_store_idx %arg7[%add3A_50, %add3A_28], %gather3A_56 : memref<64x512xf32, #tpu.memory_space<vmem>>[vector<16xi32>, vector<16xi32>], vector<16xf32>,
    %iota3A_57 = tpu.iota {dimensions = array<i32: 0>} : vector<16xi32>
    %add3A_58 = arith.constant 48 : i32
    %add3A_59 = vector.broadcast %add3A_58 : i32 to vector<16xi32>
    %add3A_60 = arith.addi %iota3A_57, %add3A_59 : vector<16xi32>
    %gather3A_61 = arith.constant 0 : i32
    %gather3A_62 = arith.constant 0 : i32
    %gather3A_63 = arith.constant 0 : i32
    %gather3A_64 = tpu.memref_slice %arg6[%gather3A_61, %gather3A_62, %gather3A_63] : memref<8x64x128xf32, #tpu.memory_space<vmem>> -> memref<1x64x128xf32, #tpu.memory_space<vmem>>
    %gather3A_65 = tpu.memref_squeeze %gather3A_64 : memref<1x64x128xf32, #tpu.memory_space<vmem>> -> memref<64x128xf32, #tpu.memory_space<vmem>>
    %gather3A_66 = tpu.vector_load_idx %gather3A_65[%add3A_60, %broadcast_in_dim3A] : memref<64x128xf32, #tpu.memory_space<vmem>>[vector<16xi32>, vector<16xi32>], vector<16xf32>,
    tpu.vector_store_idx %arg7[%add3A_60, %add3A_28], %gather3A_66 : memref<64x512xf32, #tpu.memory_space<vmem>>[vector<16xi32>, vector<16xi32>], vector<16xf32>,
    %dma_wait3A_67 = arith.constant 1 : i32
    %dma_wait3A_68 = arith.constant 0 : i32
    %dma_wait3A_69 = arith.constant 0 : i32
    %dma_wait3A_70 = tpu.memref_slice %arg6[%dma_wait3A_67, %dma_wait3A_68, %dma_wait3A_69] : memref<8x64x128xf32, #tpu.memory_space<vmem>> -> memref<1x64x128xf32, #tpu.memory_space<vmem>>
    %dma_wait3A_71 = tpu.memref_squeeze %dma_wait3A_70 : memref<1x64x128xf32, #tpu.memory_space<vmem>> -> memref<64x128xf32, #tpu.memory_space<vmem>>
    %dma_wait3A_72 = arith.constant 0 : i32
    %dma_wait3A_73 = arith.constant 0 : i32
    %dma_wait3A_74 = tpu.memref_slice %arg3[%dma_wait3A_72, %dma_wait3A_73] : memref<64x1000001xf32, #tpu.memory_space<hbm>> -> memref<64x128xf32, #tpu.memory_space<hbm>>
    %dma_wait3A_75 = arith.constant 0 : i32
    %dma_wait3A_76 = arith.constant 0 : i32
    %dma_wait3A_77 = tpu.memref_slice %arg6[%dma_wait3A_67, %dma_wait3A_75, %dma_wait3A_76] : memref<8x64x128xf32, #tpu.memory_space<vmem>> -> memref<1x64x128xf32, #tpu.memory_space<vmem>>
    %dma_wait3A_78 = tpu.memref_squeeze %dma_wait3A_77 : memref<1x64x128xf32, #tpu.memory_space<vmem>> -> memref<64x128xf32, #tpu.memory_space<vmem>>
    %dma_wait3A_79 = arith.constant 0 : i32
    %dma_wait3A_80 = arith.constant 0 : i32
    %dma_wait3A_81 = tpu.memref_slice %arg3[%dma_wait3A_79, %dma_wait3A_80] : memref<64x1000001xf32, #tpu.memory_space<hbm>> -> memref<64x128xf32, #tpu.memory_space<hbm>>
    tpu.wait_dma2 semaphore(%arg10 : memref<!tpu.dma_semaphore, #tpu.memory_space<semaphore_mem>>) src(%dma_wait3A_81 : memref<64x128xf32, #tpu.memory_space<hbm>>) dst(%dma_wait3A_78 : memref<64x128xf32, #tpu.memory_space<vmem>>)
    %get3A_82 = arith.constant 1 : i32
    %get3A_83 = arith.index_cast %get3A_82 : i32 to index
    %get3A_84 = memref.load %arg8[%get3A_83] : memref<8xi32, #tpu.memory_space<smem>>
    %broadcast_in_dim3A_85 = vector.broadcast %get3A_84 : i32 to vector<16xi32>
    %broadcast_in_dim3A_86 = arith.constant 0 : i32
    %broadcast_in_dim3A_87 = vector.broadcast %broadcast_in_dim3A_86 : i32 to vector<16xi32>
    %add3A_88 = arith.constant 505 : i32
    %add3A_89 = vector.broadcast %add3A_88 : i32 to vector<16xi32>
    %add3A_90 = arith.addi %broadcast_in_dim3A_87, %add3A_89 : vector<16xi32>
    %iota3A_91 = tpu.iota {dimensions = array<i32: 0>} : vector<16xi32>
    %add3A_92 = arith.constant 0 : i32
    %add3A_93 = vector.broadcast %add3A_92 : i32 to vector<16xi32>
    %add3A_94 = arith.addi %iota3A_91, %add3A_93 : vector<16xi32>
    %gather3A_95 = arith.constant 1 : i32
    %gather3A_96 = arith.constant 0 : i32
    %gather3A_97 = arith.constant 0 : i32
    %gather3A_98 = tpu.memref_slice %arg6[%gather3A_95, %gather3A_96, %gather3A_97] : memref<8x64x128xf32, #tpu.memory_space<vmem>> -> memref<1x64x128xf32, #tpu.memory_space<vmem>>
    %gather3A_99 = tpu.memref_squeeze %gather3A_98 : memref<1x64x128xf32, #tpu.memory_space<vmem>> -> memref<64x128xf32, #tpu.memory_space<vmem>>
    %gather3A_100 = tpu.vector_load_idx %gather3A_99[%add3A_94, %broadcast_in_dim3A_85] : memref<64x128xf32, #tpu.memory_space<vmem>>[vector<16xi32>, vector<16xi32>], vector<16xf32>,
    tpu.vector_store_idx %arg7[%add3A_94, %add3A_90], %gather3A_100 : memref<64x512xf32, #tpu.memory_space<vmem>>[vector<16xi32>, vector<16xi32>], vector<16xf32>,
    %iota3A_101 = tpu.iota {dimensions = array<i32: 0>} : vector<16xi32>
    %add3A_102 = arith.constant 16 : i32
    %add3A_103 = vector.broadcast %add3A_102 : i32 to vector<16xi32>
    %add3A_104 = arith.addi %iota3A_101, %add3A_103 : vector<16xi32>
    %gather3A_105 = arith.constant 1 : i32
    %gather3A_106 = arith.constant 0 : i32
    %gather3A_107 = arith.constant 0 : i32
    %gather3A_108 = tpu.memref_slice %arg6[%gather3A_105, %gather3A_106, %gather3A_107] : memref<8x64x128xf32, #tpu.memory_space<vmem>> -> memref<1x64x128xf32, #tpu.memory_space<vmem>>
    %gather3A_109 = tpu.memref_squeeze %gather3A_108 : memref<1x64x128xf32, #tpu.memory_space<vmem>> -> memref<64x128xf32, #tpu.memory_space<vmem>>
    %gather3A_110 = tpu.vector_load_idx %gather3A_109[%add3A_104, %broadcast_in_dim3A_85] : memref<64x128xf32, #tpu.memory_space<vmem>>[vector<16xi32>, vector<16xi32>], vector<16xf32>,
    tpu.vector_store_idx %arg7[%add3A_104, %add3A_90], %gather3A_110 : memref<64x512xf32, #tpu.memory_space<vmem>>[vector<16xi32>, vector<16xi32>], vector<16xf32>,
    %iota3A_111 = tpu.iota {dimensions = array<i32: 0>} : vector<16xi32>
    %add3A_112 = arith.constant 32 : i32
    %add3A_113 = vector.broadcast %add3A_112 : i32 to vector<16xi32>
    %add3A_114 = arith.addi %iota3A_111, %add3A_113 : vector<16xi32>
    %gather3A_115 = arith.constant 1 : i32
    %gather3A_116 = arith.constant 0 : i32
    %gather3A_117 = arith.constant 0 : i32
    %gather3A_118 = tpu.memref_slice %arg6[%gather3A_115, %gather3A_116, %gather3A_117] : memref<8x64x128xf32, #tpu.memory_space<vmem>> -> memref<1x64x128xf32, #tpu.memory_space<vmem>>
    %gather3A_119 = tpu.memref_squeeze %gather3A_118 : memref<1x64x128xf32, #tpu.memory_space<vmem>> -> memref<64x128xf32, #tpu.memory_space<vmem>>
    %gather3A_120 = tpu.vector_load_idx %gather3A_119[%add3A_114, %broadcast_in_dim3A_85] : memref<64x128xf32, #tpu.memory_space<vmem>>[vector<16xi32>, vector<16xi32>], vector<16xf32>,
    tpu.vector_store_idx %arg7[%add3A_114, %add3A_90], %gather3A_120 : memref<64x512xf32, #tpu.memory_space<vmem>>[vector<16xi32>, vector<16xi32>], vector<16xf32>,
    %iota3A_121 = tpu.iota {dimensions = array<i32: 0>} : vector<16xi32>
    %add3A_122 = arith.constant 48 : i32
    %add3A_123 = vector.broadcast %add3A_122 : i32 to vector<16xi32>
    %add3A_124 = arith.addi %iota3A_121, %add3A_123 : vector<16xi32>
    %gather3A_125 = arith.constant 1 : i32
    %gather3A_126 = arith.constant 0 : i32
    %gather3A_127 = arith.constant 0 : i32
    %gather3A_128 = tpu.memref_slice %arg6[%gather3A_125, %gather3A_126, %gather3A_127] : memref<8x64x128xf32, #tpu.memory_space<vmem>> -> memref<1x64x128xf32, #tpu.memory_space<vmem>>
    %gather3A_129 = tpu.memref_squeeze %gather3A_128 : memref<1x64x128xf32, #tpu.memory_space<vmem>> -> memref<64x128xf32, #tpu.memory_space<vmem>>
    %gather3A_130 = tpu.vector_load_idx %gather3A_129[%add3A_124, %broadcast_in_dim3A_85] : memref<64x128xf32, #tpu.memory_space<vmem>>[vector<16xi32>, vector<16xi32>], vector<16xf32>,
    tpu.vector_store_idx %arg7[%add3A_124, %add3A_90], %gather3A_130 : memref<64x512xf32, #tpu.memory_space<vmem>>[vector<16xi32>, vector<16xi32>], vector<16xf32>,
    %dma_wait3A_131 = arith.constant 2 : i32
    %dma_wait3A_132 = arith.constant 0 : i32
    %dma_wait3A_133 = arith.constant 0 : i32
    %dma_wait3A_134 = tpu.memref_slice %arg6[%dma_wait3A_131, %dma_wait3A_132, %dma_wait3A_133] : memref<8x64x128xf32, #tpu.memory_space<vmem>> -> memref<1x64x128xf32, #tpu.memory_space<vmem>>
    %dma_wait3A_135 = tpu.memref_squeeze %dma_wait3A_134 : memref<1x64x128xf32, #tpu.memory_space<vmem>> -> memref<64x128xf32, #tpu.memory_space<vmem>>
    %dma_wait3A_136 = arith.constant 0 : i32
    %dma_wait3A_137 = arith.constant 0 : i32
    %dma_wait3A_138 = tpu.memref_slice %arg3[%dma_wait3A_136, %dma_wait3A_137] : memref<64x1000001xf32, #tpu.memory_space<hbm>> -> memref<64x128xf32, #tpu.memory_space<hbm>>
    %dma_wait3A_139 = arith.constant 0 : i32
    %dma_wait3A_140 = arith.constant 0 : i32
    %dma_wait3A_141 = tpu.memref_slice %arg6[%dma_wait3A_131, %dma_wait3A_139, %dma_wait3A_140] : memref<8x64x128xf32, #tpu.memory_space<vmem>> -> memref<1x64x128xf32, #tpu.memory_space<vmem>>
    %dma_wait3A_142 = tpu.memref_squeeze %dma_wait3A_141 : memref<1x64x128xf32, #tpu.memory_space<vmem>> -> memref<64x128xf32, #tpu.memory_space<vmem>>
    %dma_wait3A_143 = arith.constant 0 : i32
    %dma_wait3A_144 = arith.constant 0 : i32
    %dma_wait3A_145 = tpu.memref_slice %arg3[%dma_wait3A_143, %dma_wait3A_144] : memref<64x1000001xf32, #tpu.memory_space<hbm>> -> memref<64x128xf32, #tpu.memory_space<hbm>>
    tpu.wait_dma2 semaphore(%arg11 : memref<!tpu.dma_semaphore, #tpu.memory_space<semaphore_mem>>) src(%dma_wait3A_145 : memref<64x128xf32, #tpu.memory_space<hbm>>) dst(%dma_wait3A_142 : memref<64x128xf32, #tpu.memory_space<vmem>>)
    %get3A_146 = arith.constant 2 : i32
    %get3A_147 = arith.index_cast %get3A_146 : i32 to index
    %get3A_148 = memref.load %arg8[%get3A_147] : memref<8xi32, #tpu.memory_space<smem>>
    %broadcast_in_dim3A_149 = vector.broadcast %get3A_148 : i32 to vector<16xi32>
    %broadcast_in_dim3A_150 = arith.constant 0 : i32
    %broadcast_in_dim3A_151 = vector.broadcast %broadcast_in_dim3A_150 : i32 to vector<16xi32>
    %add3A_152 = arith.constant 506 : i32
    %add3A_153 = vector.broadcast %add3A_152 : i32 to vector<16xi32>
    %add3A_154 = arith.addi %broadcast_in_dim3A_151, %add3A_153 : vector<16xi32>
    %iota3A_155 = tpu.iota {dimensions = array<i32: 0>} : vector<16xi32>
    %add3A_156 = arith.constant 0 : i32
    %add3A_157 = vector.broadcast %add3A_156 : i32 to vector<16xi32>
    %add3A_158 = arith.addi %iota3A_155, %add3A_157 : vector<16xi32>
    %gather3A_159 = arith.constant 2 : i32
    %gather3A_160 = arith.constant 0 : i32
    %gather3A_161 = arith.constant 0 : i32
    %gather3A_162 = tpu.memref_slice %arg6[%gather3A_159, %gather3A_160, %gather3A_161] : memref<8x64x128xf32, #tpu.memory_space<vmem>> -> memref<1x64x128xf32, #tpu.memory_space<vmem>>
    %gather3A_163 = tpu.memref_squeeze %gather3A_162 : memref<1x64x128xf32, #tpu.memory_space<vmem>> -> memref<64x128xf32, #tpu.memory_space<vmem>>
    %gather3A_164 = tpu.vector_load_idx %gather3A_163[%add3A_158, %broadcast_in_dim3A_149] : memref<64x128xf32, #tpu.memory_space<vmem>>[vector<16xi32>, vector<16xi32>], vector<16xf32>,
    tpu.vector_store_idx %arg7[%add3A_158, %add3A_154], %gather3A_164 : memref<64x512xf32, #tpu.memory_space<vmem>>[vector<16xi32>, vector<16xi32>], vector<16xf32>,
    %iota3A_165 = tpu.iota {dimensions = array<i32: 0>} : vector<16xi32>
    %add3A_166 = arith.constant 16 : i32
    %add3A_167 = vector.broadcast %add3A_166 : i32 to vector<16xi32>
    %add3A_168 = arith.addi %iota3A_165, %add3A_167 : vector<16xi32>
    %gather3A_169 = arith.constant 2 : i32
    %gather3A_170 = arith.constant 0 : i32
    %gather3A_171 = arith.constant 0 : i32
    %gather3A_172 = tpu.memref_slice %arg6[%gather3A_169, %gather3A_170, %gather3A_171] : memref<8x64x128xf32, #tpu.memory_space<vmem>> -> memref<1x64x128xf32, #tpu.memory_space<vmem>>
    %gather3A_173 = tpu.memref_squeeze %gather3A_172 : memref<1x64x128xf32, #tpu.memory_space<vmem>> -> memref<64x128xf32, #tpu.memory_space<vmem>>
    %gather3A_174 = tpu.vector_load_idx %gather3A_173[%add3A_168, %broadcast_in_dim3A_149] : memref<64x128xf32, #tpu.memory_space<vmem>>[vector<16xi32>, vector<16xi32>], vector<16xf32>,
    tpu.vector_store_idx %arg7[%add3A_168, %add3A_154], %gather3A_174 : memref<64x512xf32, #tpu.memory_space<vmem>>[vector<16xi32>, vector<16xi32>], vector<16xf32>,
    %iota3A_175 = tpu.iota {dimensions = array<i32: 0>} : vector<16xi32>
    %add3A_176 = arith.constant 32 : i32
    %add3A_177 = vector.broadcast %add3A_176 : i32 to vector<16xi32>
    %add3A_178 = arith.addi %iota3A_175, %add3A_177 : vector<16xi32>
    %gather3A_179 = arith.constant 2 : i32
    %gather3A_180 = arith.constant 0 : i32
    %gather3A_181 = arith.constant 0 : i32
    %gather3A_182 = tpu.memref_slice %arg6[%gather3A_179, %gather3A_180, %gather3A_181] : memref<8x64x128xf32, #tpu.memory_space<vmem>> -> memref<1x64x128xf32, #tpu.memory_space<vmem>>
    %gather3A_183 = tpu.memref_squeeze %gather3A_182 : memref<1x64x128xf32, #tpu.memory_space<vmem>> -> memref<64x128xf32, #tpu.memory_space<vmem>>
    %gather3A_184 = tpu.vector_load_idx %gather3A_183[%add3A_178, %broadcast_in_dim3A_149] : memref<64x128xf32, #tpu.memory_space<vmem>>[vector<16xi32>, vector<16xi32>], vector<16xf32>,
    tpu.vector_store_idx %arg7[%add3A_178, %add3A_154], %gather3A_184 : memref<64x512xf32, #tpu.memory_space<vmem>>[vector<16xi32>, vector<16xi32>], vector<16xf32>,
    %iota3A_185 = tpu.iota {dimensions = array<i32: 0>} : vector<16xi32>
    %add3A_186 = arith.constant 48 : i32
    %add3A_187 = vector.broadcast %add3A_186 : i32 to vector<16xi32>
    %add3A_188 = arith.addi %iota3A_185, %add3A_187 : vector<16xi32>
    %gather3A_189 = arith.constant 2 : i32
    %gather3A_190 = arith.constant 0 : i32
    %gather3A_191 = arith.constant 0 : i32
    %gather3A_192 = tpu.memref_slice %arg6[%gather3A_189, %gather3A_190, %gather3A_191] : memref<8x64x128xf32, #tpu.memory_space<vmem>> -> memref<1x64x128xf32, #tpu.memory_space<vmem>>
    %gather3A_193 = tpu.memref_squeeze %gather3A_192 : memref<1x64x128xf32, #tpu.memory_space<vmem>> -> memref<64x128xf32, #tpu.memory_space<vmem>>
    %gather3A_194 = tpu.vector_load_idx %gather3A_193[%add3A_188, %broadcast_in_dim3A_149] : memref<64x128xf32, #tpu.memory_space<vmem>>[vector<16xi32>, vector<16xi32>], vector<16xf32>,
    tpu.vector_store_idx %arg7[%add3A_188, %add3A_154], %gather3A_194 : memref<64x512xf32, #tpu.memory_space<vmem>>[vector<16xi32>, vector<16xi32>], vector<16xf32>,
    %dma_wait3A_195 = arith.constant 3 : i32
    %dma_wait3A_196 = arith.constant 0 : i32
    %dma_wait3A_197 = arith.constant 0 : i32
    %dma_wait3A_198 = tpu.memref_slice %arg6[%dma_wait3A_195, %dma_wait3A_196, %dma_wait3A_197] : memref<8x64x128xf32, #tpu.memory_space<vmem>> -> memref<1x64x128xf32, #tpu.memory_space<vmem>>
    %dma_wait3A_199 = tpu.memref_squeeze %dma_wait3A_198 : memref<1x64x128xf32, #tpu.memory_space<vmem>> -> memref<64x128xf32, #tpu.memory_space<vmem>>
    %dma_wait3A_200 = arith.constant 0 : i32
    %dma_wait3A_201 = arith.constant 0 : i32
    %dma_wait3A_202 = tpu.memref_slice %arg3[%dma_wait3A_200, %dma_wait3A_201] : memref<64x1000001xf32, #tpu.memory_space<hbm>> -> memref<64x128xf32, #tpu.memory_space<hbm>>
    %dma_wait3A_203 = arith.constant 0 : i32
    %dma_wait3A_204 = arith.constant 0 : i32
    %dma_wait3A_205 = tpu.memref_slice %arg6[%dma_wait3A_195, %dma_wait3A_203, %dma_wait3A_204] : memref<8x64x128xf32, #tpu.memory_space<vmem>> -> memref<1x64x128xf32, #tpu.memory_space<vmem>>
    %dma_wait3A_206 = tpu.memref_squeeze %dma_wait3A_205 : memref<1x64x128xf32, #tpu.memory_space<vmem>> -> memref<64x128xf32, #tpu.memory_space<vmem>>
    %dma_wait3A_207 = arith.constant 0 : i32
    %dma_wait3A_208 = arith.constant 0 : i32
    %dma_wait3A_209 = tpu.memref_slice %arg3[%dma_wait3A_207, %dma_wait3A_208] : memref<64x1000001xf32, #tpu.memory_space<hbm>> -> memref<64x128xf32, #tpu.memory_space<hbm>>
    tpu.wait_dma2 semaphore(%arg12 : memref<!tpu.dma_semaphore, #tpu.memory_space<semaphore_mem>>) src(%dma_wait3A_209 : memref<64x128xf32, #tpu.memory_space<hbm>>) dst(%dma_wait3A_206 : memref<64x128xf32, #tpu.memory_space<vmem>>)
    %get3A_210 = arith.constant 3 : i32
    %get3A_211 = arith.index_cast %get3A_210 : i32 to index
    %get3A_212 = memref.load %arg8[%get3A_211] : memref<8xi32, #tpu.memory_space<smem>>
    %broadcast_in_dim3A_213 = vector.broadcast %get3A_212 : i32 to vector<16xi32>
    %broadcast_in_dim3A_214 = arith.constant 0 : i32
    %broadcast_in_dim3A_215 = vector.broadcast %broadcast_in_dim3A_214 : i32 to vector<16xi32>
    %add3A_216 = arith.constant 507 : i32
    %add3A_217 = vector.broadcast %add3A_216 : i32 to vector<16xi32>
    %add3A_218 = arith.addi %broadcast_in_dim3A_215, %add3A_217 : vector<16xi32>
    %iota3A_219 = tpu.iota {dimensions = array<i32: 0>} : vector<16xi32>
    %add3A_220 = arith.constant 0 : i32
    %add3A_221 = vector.broadcast %add3A_220 : i32 to vector<16xi32>
    %add3A_222 = arith.addi %iota3A_219, %add3A_221 : vector<16xi32>
    %gather3A_223 = arith.constant 3 : i32
    %gather3A_224 = arith.constant 0 : i32
    %gather3A_225 = arith.constant 0 : i32
    %gather3A_226 = tpu.memref_slice %arg6[%gather3A_223, %gather3A_224, %gather3A_225] : memref<8x64x128xf32, #tpu.memory_space<vmem>> -> memref<1x64x128xf32, #tpu.memory_space<vmem>>
    %gather3A_227 = tpu.memref_squeeze %gather3A_226 : memref<1x64x128xf32, #tpu.memory_space<vmem>> -> memref<64x128xf32, #tpu.memory_space<vmem>>
    %gather3A_228 = tpu.vector_load_idx %gather3A_227[%add3A_222, %broadcast_in_dim3A_213] : memref<64x128xf32, #tpu.memory_space<vmem>>[vector<16xi32>, vector<16xi32>], vector<16xf32>,
    tpu.vector_store_idx %arg7[%add3A_222, %add3A_218], %gather3A_228 : memref<64x512xf32, #tpu.memory_space<vmem>>[vector<16xi32>, vector<16xi32>], vector<16xf32>,
    %iota3A_229 = tpu.iota {dimensions = array<i32: 0>} : vector<16xi32>
    %add3A_230 = arith.constant 16 : i32
    %add3A_231 = vector.broadcast %add3A_230 : i32 to vector<16xi32>
    %add3A_232 = arith.addi %iota3A_229, %add3A_231 : vector<16xi32>
    %gather3A_233 = arith.constant 3 : i32
    %gather3A_234 = arith.constant 0 : i32
    %gather3A_235 = arith.constant 0 : i32
    %gather3A_236 = tpu.memref_slice %arg6[%gather3A_233, %gather3A_234, %gather3A_235] : memref<8x64x128xf32, #tpu.memory_space<vmem>> -> memref<1x64x128xf32, #tpu.memory_space<vmem>>
    %gather3A_237 = tpu.memref_squeeze %gather3A_236 : memref<1x64x128xf32, #tpu.memory_space<vmem>> -> memref<64x128xf32, #tpu.memory_space<vmem>>
    %gather3A_238 = tpu.vector_load_idx %gather3A_237[%add3A_232, %broadcast_in_dim3A_213] : memref<64x128xf32, #tpu.memory_space<vmem>>[vector<16xi32>, vector<16xi32>], vector<16xf32>,
    tpu.vector_store_idx %arg7[%add3A_232, %add3A_218], %gather3A_238 : memref<64x512xf32, #tpu.memory_space<vmem>>[vector<16xi32>, vector<16xi32>], vector<16xf32>,
    %iota3A_239 = tpu.iota {dimensions = array<i32: 0>} : vector<16xi32>
    %add3A_240 = arith.constant 32 : i32
    %add3A_241 = vector.broadcast %add3A_240 : i32 to vector<16xi32>
    %add3A_242 = arith.addi %iota3A_239, %add3A_241 : vector<16xi32>
    %gather3A_243 = arith.constant 3 : i32
    %gather3A_244 = arith.constant 0 : i32
    %gather3A_245 = arith.constant 0 : i32
    %gather3A_246 = tpu.memref_slice %arg6[%gather3A_243, %gather3A_244, %gather3A_245] : memref<8x64x128xf32, #tpu.memory_space<vmem>> -> memref<1x64x128xf32, #tpu.memory_space<vmem>>
    %gather3A_247 = tpu.memref_squeeze %gather3A_246 : memref<1x64x128xf32, #tpu.memory_space<vmem>> -> memref<64x128xf32, #tpu.memory_space<vmem>>
    %gather3A_248 = tpu.vector_load_idx %gather3A_247[%add3A_242, %broadcast_in_dim3A_213] : memref<64x128xf32, #tpu.memory_space<vmem>>[vector<16xi32>, vector<16xi32>], vector<16xf32>,
    tpu.vector_store_idx %arg7[%add3A_242, %add3A_218], %gather3A_248 : memref<64x512xf32, #tpu.memory_space<vmem>>[vector<16xi32>, vector<16xi32>], vector<16xf32>,
    %iota3A_249 = tpu.iota {dimensions = array<i32: 0>} : vector<16xi32>
    %add3A_250 = arith.constant 48 : i32
    %add3A_251 = vector.broadcast %add3A_250 : i32 to vector<16xi32>
    %add3A_252 = arith.addi %iota3A_249, %add3A_251 : vector<16xi32>
    %gather3A_253 = arith.constant 3 : i32
    %gather3A_254 = arith.constant 0 : i32
    %gather3A_255 = arith.constant 0 : i32
    %gather3A_256 = tpu.memref_slice %arg6[%gather3A_253, %gather3A_254, %gather3A_255] : memref<8x64x128xf32, #tpu.memory_space<vmem>> -> memref<1x64x128xf32, #tpu.memory_space<vmem>>
    %gather3A_257 = tpu.memref_squeeze %gather3A_256 : memref<1x64x128xf32, #tpu.memory_space<vmem>> -> memref<64x128xf32, #tpu.memory_space<vmem>>
    %gather3A_258 = tpu.vector_load_idx %gather3A_257[%add3A_252, %broadcast_in_dim3A_213] : memref<64x128xf32, #tpu.memory_space<vmem>>[vector<16xi32>, vector<16xi32>], vector<16xf32>,
    tpu.vector_store_idx %arg7[%add3A_252, %add3A_218], %gather3A_258 : memref<64x512xf32, #tpu.memory_space<vmem>>[vector<16xi32>, vector<16xi32>], vector<16xf32>,
    %dma_wait3A_259 = arith.constant 4 : i32
    %dma_wait3A_260 = arith.constant 0 : i32
    %dma_wait3A_261 = arith.constant 0 : i32
    %dma_wait3A_262 = tpu.memref_slice %arg6[%dma_wait3A_259, %dma_wait3A_260, %dma_wait3A_261] : memref<8x64x128xf32, #tpu.memory_space<vmem>> -> memref<1x64x128xf32, #tpu.memory_space<vmem>>
    %dma_wait3A_263 = tpu.memref_squeeze %dma_wait3A_262 : memref<1x64x128xf32, #tpu.memory_space<vmem>> -> memref<64x128xf32, #tpu.memory_space<vmem>>
    %dma_wait3A_264 = arith.constant 0 : i32
    %dma_wait3A_265 = arith.constant 0 : i32
    %dma_wait3A_266 = tpu.memref_slice %arg3[%dma_wait3A_264, %dma_wait3A_265] : memref<64x1000001xf32, #tpu.memory_space<hbm>> -> memref<64x128xf32, #tpu.memory_space<hbm>>
    %dma_wait3A_267 = arith.constant 0 : i32
    %dma_wait3A_268 = arith.constant 0 : i32
    %dma_wait3A_269 = tpu.memref_slice %arg6[%dma_wait3A_259, %dma_wait3A_267, %dma_wait3A_268] : memref<8x64x128xf32, #tpu.memory_space<vmem>> -> memref<1x64x128xf32, #tpu.memory_space<vmem>>
    %dma_wait3A_270 = tpu.memref_squeeze %dma_wait3A_269 : memref<1x64x128xf32, #tpu.memory_space<vmem>> -> memref<64x128xf32, #tpu.memory_space<vmem>>
    %dma_wait3A_271 = arith.constant 0 : i32
    %dma_wait3A_272 = arith.constant 0 : i32
    %dma_wait3A_273 = tpu.memref_slice %arg3[%dma_wait3A_271, %dma_wait3A_272] : memref<64x1000001xf32, #tpu.memory_space<hbm>> -> memref<64x128xf32, #tpu.memory_space<hbm>>
    tpu.wait_dma2 semaphore(%arg13 : memref<!tpu.dma_semaphore, #tpu.memory_space<semaphore_mem>>) src(%dma_wait3A_273 : memref<64x128xf32, #tpu.memory_space<hbm>>) dst(%dma_wait3A_270 : memref<64x128xf32, #tpu.memory_space<vmem>>)
    %get3A_274 = arith.constant 4 : i32
    %get3A_275 = arith.index_cast %get3A_274 : i32 to index
    %get3A_276 = memref.load %arg8[%get3A_275] : memref<8xi32, #tpu.memory_space<smem>>
    %broadcast_in_dim3A_277 = vector.broadcast %get3A_276 : i32 to vector<16xi32>
    %broadcast_in_dim3A_278 = arith.constant 0 : i32
    %broadcast_in_dim3A_279 = vector.broadcast %broadcast_in_dim3A_278 : i32 to vector<16xi32>
    %add3A_280 = arith.constant 508 : i32
    %add3A_281 = vector.broadcast %add3A_280 : i32 to vector<16xi32>
    %add3A_282 = arith.addi %broadcast_in_dim3A_279, %add3A_281 : vector<16xi32>
    %iota3A_283 = tpu.iota {dimensions = array<i32: 0>} : vector<16xi32>
    %add3A_284 = arith.constant 0 : i32
    %add3A_285 = vector.broadcast %add3A_284 : i32 to vector<16xi32>
    %add3A_286 = arith.addi %iota3A_283, %add3A_285 : vector<16xi32>
    %gather3A_287 = arith.constant 4 : i32
    %gather3A_288 = arith.constant 0 : i32
    %gather3A_289 = arith.constant 0 : i32
    %gather3A_290 = tpu.memref_slice %arg6[%gather3A_287, %gather3A_288, %gather3A_289] : memref<8x64x128xf32, #tpu.memory_space<vmem>> -> memref<1x64x128xf32, #tpu.memory_space<vmem>>
    %gather3A_291 = tpu.memref_squeeze %gather3A_290 : memref<1x64x128xf32, #tpu.memory_space<vmem>> -> memref<64x128xf32, #tpu.memory_space<vmem>>
    %gather3A_292 = tpu.vector_load_idx %gather3A_291[%add3A_286, %broadcast_in_dim3A_277] : memref<64x128xf32, #tpu.memory_space<vmem>>[vector<16xi32>, vector<16xi32>], vector<16xf32>,
    tpu.vector_store_idx %arg7[%add3A_286, %add3A_282], %gather3A_292 : memref<64x512xf32, #tpu.memory_space<vmem>>[vector<16xi32>, vector<16xi32>], vector<16xf32>,
    %iota3A_293 = tpu.iota {dimensions = array<i32: 0>} : vector<16xi32>
    %add3A_294 = arith.constant 16 : i32
    %add3A_295 = vector.broadcast %add3A_294 : i32 to vector<16xi32>
    %add3A_296 = arith.addi %iota3A_293, %add3A_295 : vector<16xi32>
    %gather3A_297 = arith.constant 4 : i32
    %gather3A_298 = arith.constant 0 : i32
    %gather3A_299 = arith.constant 0 : i32
    %gather3A_300 = tpu.memref_slice %arg6[%gather3A_297, %gather3A_298, %gather3A_299] : memref<8x64x128xf32, #tpu.memory_space<vmem>> -> memref<1x64x128xf32, #tpu.memory_space<vmem>>
    %gather3A_301 = tpu.memref_squeeze %gather3A_300 : memref<1x64x128xf32, #tpu.memory_space<vmem>> -> memref<64x128xf32, #tpu.memory_space<vmem>>
    %gather3A_302 = tpu.vector_load_idx %gather3A_301[%add3A_296, %broadcast_in_dim3A_277] : memref<64x128xf32, #tpu.memory_space<vmem>>[vector<16xi32>, vector<16xi32>], vector<16xf32>,
    tpu.vector_store_idx %arg7[%add3A_296, %add3A_282], %gather3A_302 : memref<64x512xf32, #tpu.memory_space<vmem>>[vector<16xi32>, vector<16xi32>], vector<16xf32>,
    %iota3A_303 = tpu.iota {dimensions = array<i32: 0>} : vector<16xi32>
    %add3A_304 = arith.constant 32 : i32
    %add3A_305 = vector.broadcast %add3A_304 : i32 to vector<16xi32>
    %add3A_306 = arith.addi %iota3A_303, %add3A_305 : vector<16xi32>
    %gather3A_307 = arith.constant 4 : i32
    %gather3A_308 = arith.constant 0 : i32
    %gather3A_309 = arith.constant 0 : i32
    %gather3A_310 = tpu.memref_slice %arg6[%gather3A_307, %gather3A_308, %gather3A_309] : memref<8x64x128xf32, #tpu.memory_space<vmem>> -> memref<1x64x128xf32, #tpu.memory_space<vmem>>
    %gather3A_311 = tpu.memref_squeeze %gather3A_310 : memref<1x64x128xf32, #tpu.memory_space<vmem>> -> memref<64x128xf32, #tpu.memory_space<vmem>>
    %gather3A_312 = tpu.vector_load_idx %gather3A_311[%add3A_306, %broadcast_in_dim3A_277] : memref<64x128xf32, #tpu.memory_space<vmem>>[vector<16xi32>, vector<16xi32>], vector<16xf32>,
    tpu.vector_store_idx %arg7[%add3A_306, %add3A_282], %gather3A_312 : memref<64x512xf32, #tpu.memory_space<vmem>>[vector<16xi32>, vector<16xi32>], vector<16xf32>,
    %iota3A_313 = tpu.iota {dimensions = array<i32: 0>} : vector<16xi32>
    %add3A_314 = arith.constant 48 : i32
    %add3A_315 = vector.broadcast %add3A_314 : i32 to vector<16xi32>
    %add3A_316 = arith.addi %iota3A_313, %add3A_315 : vector<16xi32>
    %gather3A_317 = arith.constant 4 : i32
    %gather3A_318 = arith.constant 0 : i32
    %gather3A_319 = arith.constant 0 : i32
    %gather3A_320 = tpu.memref_slice %arg6[%gather3A_317, %gather3A_318, %gather3A_319] : memref<8x64x128xf32, #tpu.memory_space<vmem>> -> memref<1x64x128xf32, #tpu.memory_space<vmem>>
    %gather3A_321 = tpu.memref_squeeze %gather3A_320 : memref<1x64x128xf32, #tpu.memory_space<vmem>> -> memref<64x128xf32, #tpu.memory_space<vmem>>
    %gather3A_322 = tpu.vector_load_idx %gather3A_321[%add3A_316, %broadcast_in_dim3A_277] : memref<64x128xf32, #tpu.memory_space<vmem>>[vector<16xi32>, vector<16xi32>], vector<16xf32>,
    tpu.vector_store_idx %arg7[%add3A_316, %add3A_282], %gather3A_322 : memref<64x512xf32, #tpu.memory_space<vmem>>[vector<16xi32>, vector<16xi32>], vector<16xf32>,
    %dma_wait3A_323 = arith.constant 5 : i32
    %dma_wait3A_324 = arith.constant 0 : i32
    %dma_wait3A_325 = arith.constant 0 : i32
    %dma_wait3A_326 = tpu.memref_slice %arg6[%dma_wait3A_323, %dma_wait3A_324, %dma_wait3A_325] : memref<8x64x128xf32, #tpu.memory_space<vmem>> -> memref<1x64x128xf32, #tpu.memory_space<vmem>>
    %dma_wait3A_327 = tpu.memref_squeeze %dma_wait3A_326 : memref<1x64x128xf32, #tpu.memory_space<vmem>> -> memref<64x128xf32, #tpu.memory_space<vmem>>
    %dma_wait3A_328 = arith.constant 0 : i32
    %dma_wait3A_329 = arith.constant 0 : i32
    %dma_wait3A_330 = tpu.memref_slice %arg3[%dma_wait3A_328, %dma_wait3A_329] : memref<64x1000001xf32, #tpu.memory_space<hbm>> -> memref<64x128xf32, #tpu.memory_space<hbm>>
    %dma_wait3A_331 = arith.constant 0 : i32
    %dma_wait3A_332 = arith.constant 0 : i32
    %dma_wait3A_333 = tpu.memref_slice %arg6[%dma_wait3A_323, %dma_wait3A_331, %dma_wait3A_332] : memref<8x64x128xf32, #tpu.memory_space<vmem>> -> memref<1x64x128xf32, #tpu.memory_space<vmem>>
    %dma_wait3A_334 = tpu.memref_squeeze %dma_wait3A_333 : memref<1x64x128xf32, #tpu.memory_space<vmem>> -> memref<64x128xf32, #tpu.memory_space<vmem>>
    %dma_wait3A_335 = arith.constant 0 : i32
    %dma_wait3A_336 = arith.constant 0 : i32
    %dma_wait3A_337 = tpu.memref_slice %arg3[%dma_wait3A_335, %dma_wait3A_336] : memref<64x1000001xf32, #tpu.memory_space<hbm>> -> memref<64x128xf32, #tpu.memory_space<hbm>>
    tpu.wait_dma2 semaphore(%arg14 : memref<!tpu.dma_semaphore, #tpu.memory_space<semaphore_mem>>) src(%dma_wait3A_337 : memref<64x128xf32, #tpu.memory_space<hbm>>) dst(%dma_wait3A_334 : memref<64x128xf32, #tpu.memory_space<vmem>>)
    %get3A_338 = arith.constant 5 : i32
    %get3A_339 = arith.index_cast %get3A_338 : i32 to index
    %get3A_340 = memref.load %arg8[%get3A_339] : memref<8xi32, #tpu.memory_space<smem>>
    %broadcast_in_dim3A_341 = vector.broadcast %get3A_340 : i32 to vector<16xi32>
    %broadcast_in_dim3A_342 = arith.constant 0 : i32
    %broadcast_in_dim3A_343 = vector.broadcast %broadcast_in_dim3A_342 : i32 to vector<16xi32>
    %add3A_344 = arith.constant 509 : i32
    %add3A_345 = vector.broadcast %add3A_344 : i32 to vector<16xi32>
    %add3A_346 = arith.addi %broadcast_in_dim3A_343, %add3A_345 : vector<16xi32>
    %iota3A_347 = tpu.iota {dimensions = array<i32: 0>} : vector<16xi32>
    %add3A_348 = arith.constant 0 : i32
    %add3A_349 = vector.broadcast %add3A_348 : i32 to vector<16xi32>
    %add3A_350 = arith.addi %iota3A_347, %add3A_349 : vector<16xi32>
    %gather3A_351 = arith.constant 5 : i32
    %gather3A_352 = arith.constant 0 : i32
    %gather3A_353 = arith.constant 0 : i32
    %gather3A_354 = tpu.memref_slice %arg6[%gather3A_351, %gather3A_352, %gather3A_353] : memref<8x64x128xf32, #tpu.memory_space<vmem>> -> memref<1x64x128xf32, #tpu.memory_space<vmem>>
    %gather3A_355 = tpu.memref_squeeze %gather3A_354 : memref<1x64x128xf32, #tpu.memory_space<vmem>> -> memref<64x128xf32, #tpu.memory_space<vmem>>
    %gather3A_356 = tpu.vector_load_idx %gather3A_355[%add3A_350, %broadcast_in_dim3A_341] : memref<64x128xf32, #tpu.memory_space<vmem>>[vector<16xi32>, vector<16xi32>], vector<16xf32>,
    tpu.vector_store_idx %arg7[%add3A_350, %add3A_346], %gather3A_356 : memref<64x512xf32, #tpu.memory_space<vmem>>[vector<16xi32>, vector<16xi32>], vector<16xf32>,
    %iota3A_357 = tpu.iota {dimensions = array<i32: 0>} : vector<16xi32>
    %add3A_358 = arith.constant 16 : i32
    %add3A_359 = vector.broadcast %add3A_358 : i32 to vector<16xi32>
    %add3A_360 = arith.addi %iota3A_357, %add3A_359 : vector<16xi32>
    %gather3A_361 = arith.constant 5 : i32
    %gather3A_362 = arith.constant 0 : i32
    %gather3A_363 = arith.constant 0 : i32
    %gather3A_364 = tpu.memref_slice %arg6[%gather3A_361, %gather3A_362, %gather3A_363] : memref<8x64x128xf32, #tpu.memory_space<vmem>> -> memref<1x64x128xf32, #tpu.memory_space<vmem>>
    %gather3A_365 = tpu.memref_squeeze %gather3A_364 : memref<1x64x128xf32, #tpu.memory_space<vmem>> -> memref<64x128xf32, #tpu.memory_space<vmem>>
    %gather3A_366 = tpu.vector_load_idx %gather3A_365[%add3A_360, %broadcast_in_dim3A_341] : memref<64x128xf32, #tpu.memory_space<vmem>>[vector<16xi32>, vector<16xi32>], vector<16xf32>,
    tpu.vector_store_idx %arg7[%add3A_360, %add3A_346], %gather3A_366 : memref<64x512xf32, #tpu.memory_space<vmem>>[vector<16xi32>, vector<16xi32>], vector<16xf32>,
    %iota3A_367 = tpu.iota {dimensions = array<i32: 0>} : vector<16xi32>
    %add3A_368 = arith.constant 32 : i32
    %add3A_369 = vector.broadcast %add3A_368 : i32 to vector<16xi32>
    %add3A_370 = arith.addi %iota3A_367, %add3A_369 : vector<16xi32>
    %gather3A_371 = arith.constant 5 : i32
    %gather3A_372 = arith.constant 0 : i32
    %gather3A_373 = arith.constant 0 : i32
    %gather3A_374 = tpu.memref_slice %arg6[%gather3A_371, %gather3A_372, %gather3A_373] : memref<8x64x128xf32, #tpu.memory_space<vmem>> -> memref<1x64x128xf32, #tpu.memory_space<vmem>>
    %gather3A_375 = tpu.memref_squeeze %gather3A_374 : memref<1x64x128xf32, #tpu.memory_space<vmem>> -> memref<64x128xf32, #tpu.memory_space<vmem>>
    %gather3A_376 = tpu.vector_load_idx %gather3A_375[%add3A_370, %broadcast_in_dim3A_341] : memref<64x128xf32, #tpu.memory_space<vmem>>[vector<16xi32>, vector<16xi32>], vector<16xf32>,
    tpu.vector_store_idx %arg7[%add3A_370, %add3A_346], %gather3A_376 : memref<64x512xf32, #tpu.memory_space<vmem>>[vector<16xi32>, vector<16xi32>], vector<16xf32>,
    %iota3A_377 = tpu.iota {dimensions = array<i32: 0>} : vector<16xi32>
    %add3A_378 = arith.constant 48 : i32
    %add3A_379 = vector.broadcast %add3A_378 : i32 to vector<16xi32>
    %add3A_380 = arith.addi %iota3A_377, %add3A_379 : vector<16xi32>
    %gather3A_381 = arith.constant 5 : i32
    %gather3A_382 = arith.constant 0 : i32
    %gather3A_383 = arith.constant 0 : i32
    %gather3A_384 = tpu.memref_slice %arg6[%gather3A_381, %gather3A_382, %gather3A_383] : memref<8x64x128xf32, #tpu.memory_space<vmem>> -> memref<1x64x128xf32, #tpu.memory_space<vmem>>
    %gather3A_385 = tpu.memref_squeeze %gather3A_384 : memref<1x64x128xf32, #tpu.memory_space<vmem>> -> memref<64x128xf32, #tpu.memory_space<vmem>>
    %gather3A_386 = tpu.vector_load_idx %gather3A_385[%add3A_380, %broadcast_in_dim3A_341] : memref<64x128xf32, #tpu.memory_space<vmem>>[vector<16xi32>, vector<16xi32>], vector<16xf32>,
    tpu.vector_store_idx %arg7[%add3A_380, %add3A_346], %gather3A_386 : memref<64x512xf32, #tpu.memory_space<vmem>>[vector<16xi32>, vector<16xi32>], vector<16xf32>,
    %dma_wait3A_387 = arith.constant 6 : i32
    %dma_wait3A_388 = arith.constant 0 : i32
    %dma_wait3A_389 = arith.constant 0 : i32
    %dma_wait3A_390 = tpu.memref_slice %arg6[%dma_wait3A_387, %dma_wait3A_388, %dma_wait3A_389] : memref<8x64x128xf32, #tpu.memory_space<vmem>> -> memref<1x64x128xf32, #tpu.memory_space<vmem>>
    %dma_wait3A_391 = tpu.memref_squeeze %dma_wait3A_390 : memref<1x64x128xf32, #tpu.memory_space<vmem>> -> memref<64x128xf32, #tpu.memory_space<vmem>>
    %dma_wait3A_392 = arith.constant 0 : i32
    %dma_wait3A_393 = arith.constant 0 : i32
    %dma_wait3A_394 = tpu.memref_slice %arg3[%dma_wait3A_392, %dma_wait3A_393] : memref<64x1000001xf32, #tpu.memory_space<hbm>> -> memref<64x128xf32, #tpu.memory_space<hbm>>
    %dma_wait3A_395 = arith.constant 0 : i32
    %dma_wait3A_396 = arith.constant 0 : i32
    %dma_wait3A_397 = tpu.memref_slice %arg6[%dma_wait3A_387, %dma_wait3A_395, %dma_wait3A_396] : memref<8x64x128xf32, #tpu.memory_space<vmem>> -> memref<1x64x128xf32, #tpu.memory_space<vmem>>
    %dma_wait3A_398 = tpu.memref_squeeze %dma_wait3A_397 : memref<1x64x128xf32, #tpu.memory_space<vmem>> -> memref<64x128xf32, #tpu.memory_space<vmem>>
    %dma_wait3A_399 = arith.constant 0 : i32
    %dma_wait3A_400 = arith.constant 0 : i32
    %dma_wait3A_401 = tpu.memref_slice %arg3[%dma_wait3A_399, %dma_wait3A_400] : memref<64x1000001xf32, #tpu.memory_space<hbm>> -> memref<64x128xf32, #tpu.memory_space<hbm>>
    tpu.wait_dma2 semaphore(%arg15 : memref<!tpu.dma_semaphore, #tpu.memory_space<semaphore_mem>>) src(%dma_wait3A_401 : memref<64x128xf32, #tpu.memory_space<hbm>>) dst(%dma_wait3A_398 : memref<64x128xf32, #tpu.memory_space<vmem>>)
    %get3A_402 = arith.constant 6 : i32
    %get3A_403 = arith.index_cast %get3A_402 : i32 to index
    %get3A_404 = memref.load %arg8[%get3A_403] : memref<8xi32, #tpu.memory_space<smem>>
    %broadcast_in_dim3A_405 = vector.broadcast %get3A_404 : i32 to vector<16xi32>
    %broadcast_in_dim3A_406 = arith.constant 0 : i32
    %broadcast_in_dim3A_407 = vector.broadcast %broadcast_in_dim3A_406 : i32 to vector<16xi32>
    %add3A_408 = arith.constant 510 : i32
    %add3A_409 = vector.broadcast %add3A_408 : i32 to vector<16xi32>
    %add3A_410 = arith.addi %broadcast_in_dim3A_407, %add3A_409 : vector<16xi32>
    %iota3A_411 = tpu.iota {dimensions = array<i32: 0>} : vector<16xi32>
    %add3A_412 = arith.constant 0 : i32
    %add3A_413 = vector.broadcast %add3A_412 : i32 to vector<16xi32>
    %add3A_414 = arith.addi %iota3A_411, %add3A_413 : vector<16xi32>
    %gather3A_415 = arith.constant 6 : i32
    %gather3A_416 = arith.constant 0 : i32
    %gather3A_417 = arith.constant 0 : i32
    %gather3A_418 = tpu.memref_slice %arg6[%gather3A_415, %gather3A_416, %gather3A_417] : memref<8x64x128xf32, #tpu.memory_space<vmem>> -> memref<1x64x128xf32, #tpu.memory_space<vmem>>
    %gather3A_419 = tpu.memref_squeeze %gather3A_418 : memref<1x64x128xf32, #tpu.memory_space<vmem>> -> memref<64x128xf32, #tpu.memory_space<vmem>>
    %gather3A_420 = tpu.vector_load_idx %gather3A_419[%add3A_414, %broadcast_in_dim3A_405] : memref<64x128xf32, #tpu.memory_space<vmem>>[vector<16xi32>, vector<16xi32>], vector<16xf32>,
    tpu.vector_store_idx %arg7[%add3A_414, %add3A_410], %gather3A_420 : memref<64x512xf32, #tpu.memory_space<vmem>>[vector<16xi32>, vector<16xi32>], vector<16xf32>,
    %iota3A_421 = tpu.iota {dimensions = array<i32: 0>} : vector<16xi32>
    %add3A_422 = arith.constant 16 : i32
    %add3A_423 = vector.broadcast %add3A_422 : i32 to vector<16xi32>
    %add3A_424 = arith.addi %iota3A_421, %add3A_423 : vector<16xi32>
    %gather3A_425 = arith.constant 6 : i32
    %gather3A_426 = arith.constant 0 : i32
    %gather3A_427 = arith.constant 0 : i32
    %gather3A_428 = tpu.memref_slice %arg6[%gather3A_425, %gather3A_426, %gather3A_427] : memref<8x64x128xf32, #tpu.memory_space<vmem>> -> memref<1x64x128xf32, #tpu.memory_space<vmem>>
    %gather3A_429 = tpu.memref_squeeze %gather3A_428 : memref<1x64x128xf32, #tpu.memory_space<vmem>> -> memref<64x128xf32, #tpu.memory_space<vmem>>
    %gather3A_430 = tpu.vector_load_idx %gather3A_429[%add3A_424, %broadcast_in_dim3A_405] : memref<64x128xf32, #tpu.memory_space<vmem>>[vector<16xi32>, vector<16xi32>], vector<16xf32>,
    tpu.vector_store_idx %arg7[%add3A_424, %add3A_410], %gather3A_430 : memref<64x512xf32, #tpu.memory_space<vmem>>[vector<16xi32>, vector<16xi32>], vector<16xf32>,
    %iota3A_431 = tpu.iota {dimensions = array<i32: 0>} : vector<16xi32>
    %add3A_432 = arith.constant 32 : i32
    %add3A_433 = vector.broadcast %add3A_432 : i32 to vector<16xi32>
    %add3A_434 = arith.addi %iota3A_431, %add3A_433 : vector<16xi32>
    %gather3A_435 = arith.constant 6 : i32
    %gather3A_436 = arith.constant 0 : i32
    %gather3A_437 = arith.constant 0 : i32
    %gather3A_438 = tpu.memref_slice %arg6[%gather3A_435, %gather3A_436, %gather3A_437] : memref<8x64x128xf32, #tpu.memory_space<vmem>> -> memref<1x64x128xf32, #tpu.memory_space<vmem>>
    %gather3A_439 = tpu.memref_squeeze %gather3A_438 : memref<1x64x128xf32, #tpu.memory_space<vmem>> -> memref<64x128xf32, #tpu.memory_space<vmem>>
    %gather3A_440 = tpu.vector_load_idx %gather3A_439[%add3A_434, %broadcast_in_dim3A_405] : memref<64x128xf32, #tpu.memory_space<vmem>>[vector<16xi32>, vector<16xi32>], vector<16xf32>,
    tpu.vector_store_idx %arg7[%add3A_434, %add3A_410], %gather3A_440 : memref<64x512xf32, #tpu.memory_space<vmem>>[vector<16xi32>, vector<16xi32>], vector<16xf32>,
    %iota3A_441 = tpu.iota {dimensions = array<i32: 0>} : vector<16xi32>
    %add3A_442 = arith.constant 48 : i32
    %add3A_443 = vector.broadcast %add3A_442 : i32 to vector<16xi32>
    %add3A_444 = arith.addi %iota3A_441, %add3A_443 : vector<16xi32>
    %gather3A_445 = arith.constant 6 : i32
    %gather3A_446 = arith.constant 0 : i32
    %gather3A_447 = arith.constant 0 : i32
    %gather3A_448 = tpu.memref_slice %arg6[%gather3A_445, %gather3A_446, %gather3A_447] : memref<8x64x128xf32, #tpu.memory_space<vmem>> -> memref<1x64x128xf32, #tpu.memory_space<vmem>>
    %gather3A_449 = tpu.memref_squeeze %gather3A_448 : memref<1x64x128xf32, #tpu.memory_space<vmem>> -> memref<64x128xf32, #tpu.memory_space<vmem>>
    %gather3A_450 = tpu.vector_load_idx %gather3A_449[%add3A_444, %broadcast_in_dim3A_405] : memref<64x128xf32, #tpu.memory_space<vmem>>[vector<16xi32>, vector<16xi32>], vector<16xf32>,
    tpu.vector_store_idx %arg7[%add3A_444, %add3A_410], %gather3A_450 : memref<64x512xf32, #tpu.memory_space<vmem>>[vector<16xi32>, vector<16xi32>], vector<16xf32>,
    %dma_wait3A_451 = arith.constant 7 : i32
    %dma_wait3A_452 = arith.constant 0 : i32
    %dma_wait3A_453 = arith.constant 0 : i32
    %dma_wait3A_454 = tpu.memref_slice %arg6[%dma_wait3A_451, %dma_wait3A_452, %dma_wait3A_453] : memref<8x64x128xf32, #tpu.memory_space<vmem>> -> memref<1x64x128xf32, #tpu.memory_space<vmem>>
    %dma_wait3A_455 = tpu.memref_squeeze %dma_wait3A_454 : memref<1x64x128xf32, #tpu.memory_space<vmem>> -> memref<64x128xf32, #tpu.memory_space<vmem>>
    %dma_wait3A_456 = arith.constant 0 : i32
    %dma_wait3A_457 = arith.constant 0 : i32
    %dma_wait3A_458 = tpu.memref_slice %arg3[%dma_wait3A_456, %dma_wait3A_457] : memref<64x1000001xf32, #tpu.memory_space<hbm>> -> memref<64x128xf32, #tpu.memory_space<hbm>>
    %dma_wait3A_459 = arith.constant 0 : i32
    %dma_wait3A_460 = arith.constant 0 : i32
    %dma_wait3A_461 = tpu.memref_slice %arg6[%dma_wait3A_451, %dma_wait3A_459, %dma_wait3A_460] : memref<8x64x128xf32, #tpu.memory_space<vmem>> -> memref<1x64x128xf32, #tpu.memory_space<vmem>>
    %dma_wait3A_462 = tpu.memref_squeeze %dma_wait3A_461 : memref<1x64x128xf32, #tpu.memory_space<vmem>> -> memref<64x128xf32, #tpu.memory_space<vmem>>
    %dma_wait3A_463 = arith.constant 0 : i32
    %dma_wait3A_464 = arith.constant 0 : i32
    %dma_wait3A_465 = tpu.memref_slice %arg3[%dma_wait3A_463, %dma_wait3A_464] : memref<64x1000001xf32, #tpu.memory_space<hbm>> -> memref<64x128xf32, #tpu.memory_space<hbm>>
    tpu.wait_dma2 semaphore(%arg16 : memref<!tpu.dma_semaphore, #tpu.memory_space<semaphore_mem>>) src(%dma_wait3A_465 : memref<64x128xf32, #tpu.memory_space<hbm>>) dst(%dma_wait3A_462 : memref<64x128xf32, #tpu.memory_space<vmem>>)
    %get3A_466 = arith.constant 7 : i32
    %get3A_467 = arith.index_cast %get3A_466 : i32 to index
    %get3A_468 = memref.load %arg8[%get3A_467] : memref<8xi32, #tpu.memory_space<smem>>
    %broadcast_in_dim3A_469 = vector.broadcast %get3A_468 : i32 to vector<16xi32>
    %broadcast_in_dim3A_470 = arith.constant 0 : i32
    %broadcast_in_dim3A_471 = vector.broadcast %broadcast_in_dim3A_470 : i32 to vector<16xi32>
    %add3A_472 = arith.constant 511 : i32
    %add3A_473 = vector.broadcast %add3A_472 : i32 to vector<16xi32>
    %add3A_474 = arith.addi %broadcast_in_dim3A_471, %add3A_473 : vector<16xi32>
    %iota3A_475 = tpu.iota {dimensions = array<i32: 0>} : vector<16xi32>
    %add3A_476 = arith.constant 0 : i32
    %add3A_477 = vector.broadcast %add3A_476 : i32 to vector<16xi32>
    %add3A_478 = arith.addi %iota3A_475, %add3A_477 : vector<16xi32>
    %gather3A_479 = arith.constant 7 : i32
    %gather3A_480 = arith.constant 0 : i32
    %gather3A_481 = arith.constant 0 : i32
    %gather3A_482 = tpu.memref_slice %arg6[%gather3A_479, %gather3A_480, %gather3A_481] : memref<8x64x128xf32, #tpu.memory_space<vmem>> -> memref<1x64x128xf32, #tpu.memory_space<vmem>>
    %gather3A_483 = tpu.memref_squeeze %gather3A_482 : memref<1x64x128xf32, #tpu.memory_space<vmem>> -> memref<64x128xf32, #tpu.memory_space<vmem>>
    %gather3A_484 = tpu.vector_load_idx %gather3A_483[%add3A_478, %broadcast_in_dim3A_469] : memref<64x128xf32, #tpu.memory_space<vmem>>[vector<16xi32>, vector<16xi32>], vector<16xf32>,
    tpu.vector_store_idx %arg7[%add3A_478, %add3A_474], %gather3A_484 : memref<64x512xf32, #tpu.memory_space<vmem>>[vector<16xi32>, vector<16xi32>], vector<16xf32>,
    %iota3A_485 = tpu.iota {dimensions = array<i32: 0>} : vector<16xi32>
    %add3A_486 = arith.constant 16 : i32
    %add3A_487 = vector.broadcast %add3A_486 : i32 to vector<16xi32>
    %add3A_488 = arith.addi %iota3A_485, %add3A_487 : vector<16xi32>
    %gather3A_489 = arith.constant 7 : i32
    %gather3A_490 = arith.constant 0 : i32
    %gather3A_491 = arith.constant 0 : i32
    %gather3A_492 = tpu.memref_slice %arg6[%gather3A_489, %gather3A_490, %gather3A_491] : memref<8x64x128xf32, #tpu.memory_space<vmem>> -> memref<1x64x128xf32, #tpu.memory_space<vmem>>
    %gather3A_493 = tpu.memref_squeeze %gather3A_492 : memref<1x64x128xf32, #tpu.memory_space<vmem>> -> memref<64x128xf32, #tpu.memory_space<vmem>>
    %gather3A_494 = tpu.vector_load_idx %gather3A_493[%add3A_488, %broadcast_in_dim3A_469] : memref<64x128xf32, #tpu.memory_space<vmem>>[vector<16xi32>, vector<16xi32>], vector<16xf32>,
    tpu.vector_store_idx %arg7[%add3A_488, %add3A_474], %gather3A_494 : memref<64x512xf32, #tpu.memory_space<vmem>>[vector<16xi32>, vector<16xi32>], vector<16xf32>,
    %iota3A_495 = tpu.iota {dimensions = array<i32: 0>} : vector<16xi32>
    %add3A_496 = arith.constant 32 : i32
    %add3A_497 = vector.broadcast %add3A_496 : i32 to vector<16xi32>
    %add3A_498 = arith.addi %iota3A_495, %add3A_497 : vector<16xi32>
    %gather3A_499 = arith.constant 7 : i32
    %gather3A_500 = arith.constant 0 : i32
    %gather3A_501 = arith.constant 0 : i32
    %gather3A_502 = tpu.memref_slice %arg6[%gather3A_499, %gather3A_500, %gather3A_501] : memref<8x64x128xf32, #tpu.memory_space<vmem>> -> memref<1x64x128xf32, #tpu.memory_space<vmem>>
    %gather3A_503 = tpu.memref_squeeze %gather3A_502 : memref<1x64x128xf32, #tpu.memory_space<vmem>> -> memref<64x128xf32, #tpu.memory_space<vmem>>
    %gather3A_504 = tpu.vector_load_idx %gather3A_503[%add3A_498, %broadcast_in_dim3A_469] : memref<64x128xf32, #tpu.memory_space<vmem>>[vector<16xi32>, vector<16xi32>], vector<16xf32>,
    tpu.vector_store_idx %arg7[%add3A_498, %add3A_474], %gather3A_504 : memref<64x512xf32, #tpu.memory_space<vmem>>[vector<16xi32>, vector<16xi32>], vector<16xf32>,
    %iota3A_505 = tpu.iota {dimensions = array<i32: 0>} : vector<16xi32>
    %add3A_506 = arith.constant 48 : i32
    %add3A_507 = vector.broadcast %add3A_506 : i32 to vector<16xi32>
    %add3A_508 = arith.addi %iota3A_505, %add3A_507 : vector<16xi32>
    %gather3A_509 = arith.constant 7 : i32
    %gather3A_510 = arith.constant 0 : i32
    %gather3A_511 = arith.constant 0 : i32
    %gather3A_512 = tpu.memref_slice %arg6[%gather3A_509, %gather3A_510, %gather3A_511] : memref<8x64x128xf32, #tpu.memory_space<vmem>> -> memref<1x64x128xf32, #tpu.memory_space<vmem>>
    %gather3A_513 = tpu.memref_squeeze %gather3A_512 : memref<1x64x128xf32, #tpu.memory_space<vmem>> -> memref<64x128xf32, #tpu.memory_space<vmem>>
    %gather3A_514 = tpu.vector_load_idx %gather3A_513[%add3A_508, %broadcast_in_dim3A_469] : memref<64x128xf32, #tpu.memory_space<vmem>>[vector<16xi32>, vector<16xi32>], vector<16xf32>,
    tpu.vector_store_idx %arg7[%add3A_508, %add3A_474], %gather3A_514 : memref<64x512xf32, #tpu.memory_space<vmem>>[vector<16xi32>, vector<16xi32>], vector<16xf32>,
    %multiple_of3A = tpu.assume_multiple %mul3A_2, 128 : i32
    "tpu.region"() ({
      %run_scoped3A = tpu.sem_alloc : memref<!tpu.dma_semaphore, #tpu.memory_space<semaphore_mem>>
      %dma_start3A = arith.constant 0 : i32
      %dma_start3A_515 = tpu.memref_slice %arg4[%dma_start3A, %multiple_of3A] : memref<64x16384xf32, #tpu.memory_space<hbm>> -> memref<64x512xf32, #tpu.memory_space<hbm>>
      %dma_start3A_516 = arith.constant 0 : i32
      %dma_start3A_517 = tpu.memref_slice %arg4[%dma_start3A_516, %multiple_of3A] : memref<64x16384xf32, #tpu.memory_space<hbm>> -> memref<64x512xf32, #tpu.memory_space<hbm>>
      tpu.enqueue_dma source(%arg7 : memref<64x512xf32, #tpu.memory_space<vmem>>) target(%dma_start3A_517 : memref<64x512xf32, #tpu.memory_space<hbm>>) target_semaphore(%run_scoped3A : memref<!tpu.dma_semaphore, #tpu.memory_space<semaphore_mem>>)
      %dma_wait3A_518 = arith.constant 0 : i32
      %dma_wait3A_519 = tpu.memref_slice %arg4[%dma_wait3A_518, %multiple_of3A] : memref<64x16384xf32, #tpu.memory_space<hbm>> -> memref<64x512xf32, #tpu.memory_space<hbm>>
      %dma_wait3A_520 = arith.constant 0 : i32
      %dma_wait3A_521 = tpu.memref_slice %arg4[%dma_wait3A_520, %multiple_of3A] : memref<64x16384xf32, #tpu.memory_space<hbm>> -> memref<64x512xf32, #tpu.memory_space<hbm>>
      tpu.wait_dma2 semaphore(%run_scoped3A : memref<!tpu.dma_semaphore, #tpu.memory_space<semaphore_mem>>) src(%arg7 : memref<64x512xf32, #tpu.memory_space<vmem>>) dst(%dma_wait3A_521 : memref<64x512xf32, #tpu.memory_space<hbm>>)
      tpu.yield
    }) : () -> ()
    return
  }
}

</mosaic_0001>

<sc_bundles>
// kernel: kernel.3.cloned.1.call-start
scs
__scs_entry_jumppad:
0x0: {  	(pc) =	sbr.rel $0x88, $3  }
0x1: {  	(tag) =	ssettag $0x0;
	lr =	simm.s32 $0x1  }
0x2: {  	[smem:$0x3F9F] =	sst lr;
	_ =	strace $0xD0000000  }
0x3: {  	_ = 	snop  }
0x4: {  	_ = 	snop  }
0x5: {  	_ = 	snop  }
0x6: {  	_ = 	snop  }
0x7: {  	_ = 	snop  }
__scs_overlays_trampoline_lowered:
0x8: {  	[smem:$0x3FAE] =	sst s0  }
0x9: {  	[smem:$0x3FAF] =	sst s1  }
0xa: {  	[smem:$0x3FB0] =	sst s2  }
0xb: {  	[smem:$0x3FB1] =	sst s3  }
0xc: {  	[smem:$0x3FB2] =	sst s4  }
0xd: {  	[smem:$0x3FB3] =	sst s5  }
0xe: {  	[smem:$0x3FB4] =	sst s6  }
0xf: {  	[smem:$0x3FB5] =	sst s7  }
0x10: {  	[smem:$0x3FB6] =	sst s8  }
0x11: {  	[smem:$0x3FB7] =	sst s9;
	s0 =	simm.s32 @!p0 $0x0  }
0x12: {  	s1 =	sld [smem:$0x3F9D];
	s0 =	simm.s32 @p0 $0x1  }
0x13: {  	[smem:$0x3FB8] =	sst s0;
	s0 =	simm.s32 @!p1 $0x0  }
0x14: {  	s2 =	sld [smem:$0x3F9C];
	s0 =	simm.s32 @p1 $0x1  }
0x15: {  	[smem:$0x3FB9] =	sst s0;
	s0 =	simm.s32 @!p2 $0x0  }
0x16: {  	s3 =	sld [smem:$0x3FDB];
	s0 =	simm.s32 @p2 $0x1  }
0x17: {  	s4 =	simm.s32 $0x1BF5;
	[smem:$0x3FBB] =	sst s0  }
0x18: {  	s0 =	sld [smem:$0x3F9E];
	_ =	swait.ge [sflag:s4], $0x0  }
0x19: {  	s7 =	sld [smem:$0x3F9F]  }
0x1a: {  	s8 =	sadd.s32 $0xFFFFE003, lr  }
0x1b: {  	s9 =	sadd.s32 $0xFFFFFEF7, lr;
	s5 =	simm.s32 $0xFFFFFFFF;
	p2 =	slt.u32 s8, $0xFFFFF086  }
0x1c: {  	p1 =	slt.u32 s9, $0xF7A;
	s5 =	simm.s32 @!p2 $0x0  }
0x1d: {  	s5 =	simm.s32 @p1 $0x1;
	p0 =	seq.s32 s7, s2  }
0x1e: {  	s7 =	smul.u32 @!p0 $0xF7A, s2;
	p2 =	seq.s32 @!p0 s5, $0x0  }
0x1f: {  	s9 =	smul.u32 $0xF7A, s1;
	s8 =	simm.s32 @!p0 $0x1BF5;
	p2 =	por !p2, p0  }
0x20: {  	[sflag:s8] =	ssyncset.s32 @!p0 $0xFFFFF086;
	s6 =	sadd.s32 @!p0 s3, s7;
	s7 =	simm.s32 @!p0 $0x108  }
0x21: {  	s3 =	sadd.s32 s3, s9;
	s6 =	sadd.s32 @!p0 $0x88, s6;
	s7 =	simm.s32 @p2 $0x1082  }
0x22: {  	[simem:s7], [sflag:s8] =	dma.local @!p0 [hbm:s6], $0xF7A  }
0x23: {  	s9 =	sor.u32 $0xD0000000, s2;
	s6 =	simm.s32 $0x108;
	_ =	swait.ge @!p0 [sflag:s8], $0x0  }
0x24: {  	s3 =	sadd.s32 $0x88, s3;
	s6 =	simm.s32 @!p1 $0x1082;
	[sflag:s4] =	ssyncset.s32 $0xFFFFF086  }
0x25: {  	[simem:s6], [sflag:s4] =	dma.local [hbm:s3], $0xF7A  }
0x26: {  	[smem:$0x3F9F] =	sst s1;
	(tag) =	ssettag s2;
	_ =	strace s9  }
0x27: {  	s1 =	sld [smem:$0x3FAF]  }
0x28: {  	s2 =	sld [smem:$0x3FB0]  }
0x29: {  	s4 =	sld [smem:$0x3FB2]  }
0x2a: {  	p0 =	seq.s32 s5, $0x0;
	s5 =	sld [smem:$0x3FB3]  }
0x2b: {  	s6 =	sld [smem:$0x3FB4]  }
0x2c: {  	s7 =	sld [smem:$0x3FB5]  }
0x2d: {  	s3 =	simm.s32 $0x108;
	s8 =	sld [smem:$0x3FB6]  }
0x2e: {  	s3 =	simm.s32 @!p0 $0x1082;
	s9 =	sld [smem:$0x3FB7]  }
0x2f: {  	lr =	sadd.s32 s0, s3;
	s0 =	sld [smem:$0x3FAE]  }
0x30: {  	s3 =	sld [smem:$0x3FB1]  }
0x31: {  	[smem:$0x3FBA] =	sst s10  }
0x32: {  	s10 =	sld [smem:$0x3FB8];
	_ =	sdelay $0x3  }
0x33: {  	p0 =	seq.s32 s10, $0x1;
	s10 =	sld [smem:$0x3FBA];
	_ =	sdelay $0x3  }
0x34: {  	[smem:$0x3FBA] =	sst s10  }
0x35: {  	s10 =	sld [smem:$0x3FB9];
	_ =	sdelay $0x3  }
0x36: {  	p1 =	seq.s32 s10, $0x1;
	s10 =	sld [smem:$0x3FBA];
	_ =	sdelay $0x3  }
0x37: {  	[smem:$0x3FBA] =	sst s10  }
0x38: {  	s10 =	sld [smem:$0x3FBB]  }
0x39: {  	_ = 	snop;
	(pc) =	sbr.ind lr, $3  }
0x3a: {  	_ = 	snop  }
0x3b: {  	_ = 	snop  }
0x3c: {  	p2 =	seq.s32 s10, $0x1;
	s10 =	sld [smem:$0x3FBA]  }
0x3d: {  	_ =	shalt  }
0x3e: {  	_ =	shalt  }
0x3f: {  	_ =	shalt  }
0x40: {  	_ =	shalt  }
0x41: {  	_ =	shalt  }
0x42: {  	_ =	shalt  }
0x43: {  	_ =	shalt  }
0x44: {  	_ =	shalt  }
0x45: {  	_ =	shalt  }
0x46: {  	_ =	shalt  }
0x47: {  	_ =	shalt  }
0x48: {  	_ =	shalt  }
0x49: {  	_ =	shalt  }
0x4a: {  	_ =	shalt  }
0x4b: {  	_ =	shalt  }
0x4c: {  	_ =	shalt  }
0x4d: {  	_ =	shalt  }
0x4e: {  	_ =	shalt  }
0x4f: {  	_ =	shalt  }
0x50: {  	_ =	shalt  }
0x51: {  	_ =	shalt  }
0x52: {  	_ =	shalt  }
0x53: {  	_ =	shalt  }
0x54: {  	_ =	shalt  }
0x55: {  	_ =	shalt  }
0x56: {  	_ =	shalt  }
0x57: {  	_ =	shalt  }
0x58: {  	_ =	shalt  }
0x59: {  	_ =	shalt  }
0x5a: {  	_ =	shalt  }
0x5b: {  	_ =	shalt  }
0x5c: {  	_ =	shalt  }
0x5d: {  	_ =	shalt  }
0x5e: {  	_ =	shalt  }
0x5f: {  	_ =	shalt  }
0x60: {  	_ =	shalt  }
0x61: {  	_ =	shalt  }
0x62: {  	_ =	shalt  }
0x63: {  	_ =	shalt  }
0x64: {  	_ =	shalt  }
0x65: {  	_ =	shalt  }
0x66: {  	_ =	shalt  }
0x67: {  	_ =	shalt  }
0x68: {  	_ =	shalt  }
0x69: {  	_ =	shalt  }
0x6a: {  	_ =	shalt  }
0x6b: {  	_ =	shalt  }
0x6c: {  	_ =	shalt  }
0x6d: {  	_ =	shalt  }
0x6e: {  	_ =	shalt  }
0x6f: {  	_ =	shalt  }
0x70: {  	_ =	shalt  }
0x71: {  	_ =	shalt  }
0x72: {  	_ =	shalt  }
0x73: {  	_ =	shalt  }
0x74: {  	_ =	shalt  }
0x75: {  	_ =	shalt  }
0x76: {  	_ =	shalt  }
0x77: {  	_ =	shalt  }
0x78: {  	_ =	shalt  }
0x79: {  	_ =	shalt  }
0x7a: {  	_ =	shalt  }
0x7b: {  	_ =	shalt  }
0x7c: {  	_ =	shalt  }
0x7d: {  	_ =	shalt  }
0x7e: {  	_ =	shalt  }
0x7f: {  	_ =	shalt  }
0x80: {  	_ =	shalt  }
0x81: {  	_ =	shalt  }
0x82: {  	_ =	shalt  }
0x83: {  	_ =	shalt  }
0x84: {  	_ =	shalt  }
0x85: {  	_ =	shalt  }
0x86: {  	_ =	shalt  }
0x87: {  	_ =	shalt  }
.Lfunc_end0:
.L_simem_size_0:
called_computation_lowered:
.L_overlay_start_0:
0x88: {  	s2 =	sld [smem:$0x3FD9]  }
0x89: {  	s3 =	sld [smem:$0x3FFE];
	_ =	sdelay $0x1  }
0x8a: {  	s1 =	srdreg.scid  }
0x8b: {  	s0 =	sand.u32 $0x1, s1  }
0x8c: {  	s18 =	sshll.u32 s0, $0xA;
	s2 =	sadd.s32 s3, s2  }
0x8d: {  	s2 =	sadd.s32 s2, s18  }
0x8e: {  	[smem:$0x3FC6] =	sst s2  }
0x8f: {  	_ = 	snop  }
0x90: {  	s2 =	sld [smem:$0x3FC9]  }
0x91: {  	s19 =	sld [smem:$0x3FC8]  }
0x92: {  	s4 =	sld [smem:$0x3FD0];
	(tm) =	ssettm $0x1  }
0x93: {  	s5 =	sld [smem:$0x3FFB];
	_ =	sdelay $0x3  }
0x94: {  	_ =	strace s5  }
0x95: {  	s5 =	sld [smem:$0x3FFC];
	_ =	sdelay $0x3  }
0x96: {  	_ =	strace s5  }
0x97: {  	s5 =	sld [smem:$0x3FFD];
	_ =	sdelay $0x3  }
0x98: {  	_ =	strace s5  }
0x99: {  	_ =	strace $0x8FFFFFFF  }
0x9a: {  	s20 =	sld [smem:$0x3FDB];
	_ =	sdelay $0x1  }
0x9b: {  	s6 =	simm.s32 $_scs_section_size  }
0x9c: {  	s7 =	simm.s32 $_size__tile_overlayer_lowered;
	s8 =	simm.s32 $_tile_overlayer_lowered  }
0x9d: {  	s23 =	simm.s32 $0x1BFF;
	s22 =	sshll.u32 s8, $0x1;
	s5 =	sadd.s32 s6, s20  }
0x9e: {  	s9 =	simm.s32 $0x0;
	s21 =	sshll.u32 s7, $0x1;
	s7 =	sadd.s32 s22, s5  }
0x9f: {  	[timem:s9], [sflag:s23] =	dma.local [hbm:s7], s21  }
0xa0: {  	_ =	swait.ge [sflag:s23], s21  }
0xa1: {  	s6 =	ssub.s32 $0x0, s21;
	[sflag:s23] =	ssyncset.done $0x0  }
0xa2: {  	[sflag:s23] =	ssyncadd.s32 s6;
	_ =	sdelay $0x1  }
0xa3: {  	s24 =	simm.s32 $0x1B8B  }
0xa4: {  	_ =	swait.ge [sflag:s24], $0x1  }
0xa5: {  	[sflag:s24] =	ssyncset.done $0x0  }
0xa6: {  	s25 =	simm.s32 $0x1B8E;
	[sflag:s24] =	ssyncadd.s32 $0xFFFFFFFF  }
0xa7: {  	s26 =	simm.s32 $execute0_lowered;
	[smem:$0x3FD2] =	sst s25  }
0xa8: {  	s6 =	sshll.u32 s26, $0x1;
	_ =	strace $0x80000046;
	[dreg:$0x1] =	wrdreg $0xFFFFFFFF  }
0xa9: {  	s28 =	simm.s32 $_size_execute0_lowered;
	s5 =	sadd.s32 s5, s6;
	[dreg:$0x0] =	wrdreg $0x0  }
0xaa: {  	s6 =	sshll.u32 s28, $0x1;
	[dreg:$0x2] =	wrdreg s5  }
0xab: {  	[dreg:$0x3] =	wrdreg s6  }
0xac: {  	[dreg:$0x4] =	wrdreg $0xC0  }
0xad: {  	_ =	task [dreg:s9], $0x5FFFF  }
0xae: {  	[dreg:$0x1] =	wrdreg $0xFFFFFFFF  }
0xaf: {  	[dreg:$0x0] =	wrdreg $0x60  }
0xb0: {  	[dreg:$0x2] =	wrdreg s2  }
0xb1: {  	[dreg:$0x3] =	wrdreg s19  }
0xb2: {  	[dreg:$0x4] =	wrdreg s4  }
0xb3: {  	[dreg:$0x5] =	wrdreg $0x9  }
0xb4: {  	_ =	task.clear_ibuf [dreg:s9], $0x6FFFF;
	_ =	strace $0x90000046  }
0xb5: {  	s29 =	simm.s32 $0x9;
	_ =	strace $0x80000048  }
0xb6: {  	_ =	swait.ge [sflag:s29], $0x1  }
0xb7: {  	[sflag:s29] =	ssyncadd.s32 $0xFFFFFFFF  }
0xb8: {  	_ =	strace $0x90000048  }
0xb9: {  	_ =	sfence  }
0xba: {  	s30 =	sld [smem:$0x0];
	_ =	sdelay $0x2  }
0xbb: {  	s31 =	sshll.u32 s1, $0xD;
	s1 =	sshrl.u32 s1, $0x2  }
0xbc: {  	s3 =	sand.u32 $0x4000, s31;
	s1 =	sadd.s32 s1, s30  }
0xbd: {  	s0 =	sor.u32 s3, s0;
	s1 =	sshll.u32 s1, $0x11  }
0xbe: {  	s0 =	sor.u32 s1, s0  }
0xbf: {  	s0 =	sadd.s32 $0x8F2B, s0  }
0xc0: {  	[sflag:s0] =	ssyncadd.remote.s32 $0x1  }
0xc1: {  	_ =	sfence.sel $0xFFFF  }
0xc2: {  	[dreg:$0x0] =	wrdreg $0xFFFFFFFF;
	(pc) =	sbr.abs _section_cstart, $3  }
0xc3: {  	[dreg:$0x1] =	wrdreg $0xFFFFFFFF  }
0xc4: {  	_ =	task.clear_ibuf [dreg:s9], $0x2FFFF;
	_ =	strace $0x9FFFFFFF  }
0xc5: {  	(tm) =	ssettm $0x7FFFFFFF  }
tec
execute0_lowered:
.L_overlay_start_1:
0x0: {  	(tag) =	ssettag $0x1  }
0x1: {  	v0 =	vimm.s32 $0x1380;
	vm14 =	vcmask $0x300  }
0x2: {  	vm13 =	vcmask $0x704;
	vm12 =	vcmask $0xB08;
	vm11 =	vcmask $0xF0C  }
0x3: {  	vm10 =	vcmask $0x1310;
	vm9 =	vcmask $0x1714;
	vm8 =	vcmask $0x1B18  }
0x4: {  	v1 =	vlaneseq.u32;
	vm6 =	vcmask $0x1F1C;
	vm0 =	vcmask $0x2320  }
0x5: {  	v3 =	vimm.s32 $0x5380;
	vm1 =	vcmask $0x2724;
	vm2 =	vcmask $0x2B28  }
0x6: {  	vm3 =	vcmask $0x2F2C;
	vm4 =	vcmask $0x3330;
	vm5 =	vcmask $0x3734  }
0x7: {  	vm7 =	vcmask $0x3B38;
	v7 =	vimm.s32 $0x7380;
	v8 =	vimm.s32 $0x1FF8  }
0x8: {  	v9 =	vimm.s32 $0x3FF8;
	v10 =	vimm.s32 $0x5FF8;
	v11 =	vimm.s32 $0x7FF8  }
0x9: {  	v12 =	vimm.s32 $0x1FF9;
	v13 =	vimm.s32 $0x3FF9;
	v14 =	vimm.s32 $0x5FF9  }
0xa: {  	v15 =	vimm.s32 $0x7FF9;
	v16 =	vimm.s32 $0x1FFA;
	v17 =	vimm.s32 $0x3FFA  }
0xb: {  	v18 =	vimm.s32 $0x5FFA;
	v19 =	vimm.s32 $0x7FFA;
	v20 =	vimm.s32 $0x1FFB  }
0xc: {  	v21 =	vimm.s32 $0x3FFB;
	v22 =	vimm.s32 $0x5FFB;
	v23 =	vimm.s32 $0x7FFB  }
0xd: {  	v24 =	vimm.s32 $0x1FFC;
	v25 =	vimm.s32 $0x3FFC;
	v26 =	vimm.s32 $0x5FFC  }
0xe: {  	v27 =	vimm.s32 $0x7FFC;
	v28 =	vimm.s32 $0x1FFD;
	v29 =	vimm.s32 $0x3FFD  }
0xf: {  	v30 =	vimm.s32 $0x5FFD;
	v31 =	vimm.s32 $0x7FFD;
	v32 =	vimm.s32 $0x1FFE  }
0x10: {  	v33 =	vimm.s32 $0x3FFE;
	v34 =	vimm.s32 $0x5FFE;
	v35 =	vimm.s32 $0x7FFE  }
0x11: {  	v36 =	vimm.s32 $0x1FFF;
	v37 =	vimm.s32 $0x3FFF;
	v38 =	vimm.s32 $0x5FFF  }
0x12: {  	v39 =	vimm.s32 $0x7FFF;
	v0 =	vsel vm14, $0x0, v0;
	v3 =	vsel vm14, $0x4000, v3  }
0x13: {  	v7 =	vsel vm14, $0x6000, v7;
	v8 =	vsel vm14, $0xC78, v8;
	v9 =	vsel vm14, $0x2C78, v9  }
0x14: {  	v10 =	vsel vm14, $0x4C78, v10;
	v11 =	vsel vm14, $0x6C78, v11;
	v12 =	vsel vm14, $0xC79, v12  }
0x15: {  	v13 =	vsel vm14, $0x2C79, v13;
	v14 =	vsel vm14, $0x4C79, v14;
	v15 =	vsel vm14, $0x6C79, v15  }
0x16: {  	v16 =	vsel vm14, $0xC7A, v16;
	v17 =	vsel vm14, $0x2C7A, v17;
	v18 =	vsel vm14, $0x4C7A, v18  }
0x17: {  	v19 =	vsel vm14, $0x6C7A, v19;
	v20 =	vsel vm14, $0xC7B, v20;
	v21 =	vsel vm14, $0x2C7B, v21  }
0x18: {  	v22 =	vsel vm14, $0x4C7B, v22;
	v23 =	vsel vm14, $0x6C7B, v23;
	v24 =	vsel vm14, $0xC7C, v24  }
0x19: {  	v25 =	vsel vm14, $0x2C7C, v25;
	v26 =	vsel vm14, $0x4C7C, v26;
	v27 =	vsel vm14, $0x6C7C, v27  }
0x1a: {  	v28 =	vsel vm14, $0xC7D, v28;
	v29 =	vsel vm14, $0x2C7D, v29;
	v30 =	vsel vm14, $0x4C7D, v30  }
0x1b: {  	v31 =	vsel vm14, $0x6C7D, v31;
	v32 =	vsel vm14, $0xC7E, v32;
	v33 =	vsel vm14, $0x2C7E, v33  }
0x1c: {  	v34 =	vsel vm14, $0x4C7E, v34;
	v35 =	vsel vm14, $0x6C7E, v35;
	v36 =	vsel vm14, $0xC7F, v36  }
0x1d: {  	v37 =	vsel vm14, $0x2C7F, v37;
	v38 =	vsel vm14, $0x4C7F, v38;
	v39 =	vsel vm14, $0x6C7F, v39  }
0x1e: {  	v0 =	vsel vm13, $0x80, v0;
	v3 =	vsel vm13, $0x4080, v3;
	v7 =	vsel vm13, $0x6080, v7  }
0x1f: {  	v8 =	vsel vm13, $0xCF8, v8;
	v9 =	vsel vm13, $0x2CF8, v9;
	v10 =	vsel vm13, $0x4CF8, v10  }
0x20: {  	v11 =	vsel vm13, $0x6CF8, v11;
	v12 =	vsel vm13, $0xCF9, v12;
	v13 =	vsel vm13, $0x2CF9, v13  }
0x21: {  	v14 =	vsel vm13, $0x4CF9, v14;
	v15 =	vsel vm13, $0x6CF9, v15;
	v16 =	vsel vm13, $0xCFA, v16  }
0x22: {  	v17 =	vsel vm13, $0x2CFA, v17;
	v18 =	vsel vm13, $0x4CFA, v18;
	v19 =	vsel vm13, $0x6CFA, v19  }
0x23: {  	v20 =	vsel vm13, $0xCFB, v20;
	v21 =	vsel vm13, $0x2CFB, v21;
	v22 =	vsel vm13, $0x4CFB, v22  }
0x24: {  	v23 =	vsel vm13, $0x6CFB, v23;
	v24 =	vsel vm13, $0xCFC, v24;
	v25 =	vsel vm13, $0x2CFC, v25  }
0x25: {  	v26 =	vsel vm13, $0x4CFC, v26;
	v27 =	vsel vm13, $0x6CFC, v27;
	v28 =	vsel vm13, $0xCFD, v28  }
0x26: {  	v29 =	vsel vm13, $0x2CFD, v29;
	v30 =	vsel vm13, $0x4CFD, v30;
	v31 =	vsel vm13, $0x6CFD, v31  }
0x27: {  	v32 =	vsel vm13, $0xCFE, v32;
	v33 =	vsel vm13, $0x2CFE, v33;
	v34 =	vsel vm13, $0x4CFE, v34  }
0x28: {  	v35 =	vsel vm13, $0x6CFE, v35;
	v36 =	vsel vm13, $0xCFF, v36;
	v37 =	vsel vm13, $0x2CFF, v37  }
0x29: {  	v38 =	vsel vm13, $0x4CFF, v38;
	v39 =	vsel vm13, $0x6CFF, v39;
	v0 =	vsel vm12, $0x100, v0  }
0x2a: {  	v3 =	vsel vm12, $0x4100, v3;
	v7 =	vsel vm12, $0x6100, v7;
	v8 =	vsel vm12, $0xD78, v8  }
0x2b: {  	v9 =	vsel vm12, $0x2D78, v9;
	v10 =	vsel vm12, $0x4D78, v10;
	v11 =	vsel vm12, $0x6D78, v11  }
0x2c: {  	v12 =	vsel vm12, $0xD79, v12;
	v13 =	vsel vm12, $0x2D79, v13;
	v14 =	vsel vm12, $0x4D79, v14  }
0x2d: {  	v15 =	vsel vm12, $0x6D79, v15;
	v16 =	vsel vm12, $0xD7A, v16;
	v17 =	vsel vm12, $0x2D7A, v17  }
0x2e: {  	v18 =	vsel vm12, $0x4D7A, v18;
	v19 =	vsel vm12, $0x6D7A, v19;
	v20 =	vsel vm12, $0xD7B, v20  }
0x2f: {  	v21 =	vsel vm12, $0x2D7B, v21;
	v22 =	vsel vm12, $0x4D7B, v22;
	v23 =	vsel vm12, $0x6D7B, v23  }
0x30: {  	v24 =	vsel vm12, $0xD7C, v24;
	v25 =	vsel vm12, $0x2D7C, v25;
	v26 =	vsel vm12, $0x4D7C, v26  }
0x31: {  	v27 =	vsel vm12, $0x6D7C, v27;
	v28 =	vsel vm12, $0xD7D, v28;
	v29 =	vsel vm12, $0x2D7D, v29  }
0x32: {  	v30 =	vsel vm12, $0x4D7D, v30;
	v31 =	vsel vm12, $0x6D7D, v31;
	v32 =	vsel vm12, $0xD7E, v32  }
0x33: {  	v33 =	vsel vm12, $0x2D7E, v33;
	v34 =	vsel vm12, $0x4D7E, v34;
	v35 =	vsel vm12, $0x6D7E, v35  }
0x34: {  	v36 =	vsel vm12, $0xD7F, v36;
	v37 =	vsel vm12, $0x2D7F, v37;
	v38 =	vsel vm12, $0x4D7F, v38  }
0x35: {  	v39 =	vsel vm12, $0x6D7F, v39;
	v0 =	vsel vm11, $0x180, v0;
	v3 =	vsel vm11, $0x4180, v3  }
0x36: {  	v7 =	vsel vm11, $0x6180, v7;
	v8 =	vsel vm11, $0xDF8, v8;
	v9 =	vsel vm11, $0x2DF8, v9  }
0x37: {  	v10 =	vsel vm11, $0x4DF8, v10;
	v11 =	vsel vm11, $0x6DF8, v11;
	v12 =	vsel vm11, $0xDF9, v12  }
0x38: {  	v13 =	vsel vm11, $0x2DF9, v13;
	v14 =	vsel vm11, $0x4DF9, v14;
	v15 =	vsel vm11, $0x6DF9, v15  }
0x39: {  	v16 =	vsel vm11, $0xDFA, v16;
	v17 =	vsel vm11, $0x2DFA, v17;
	v18 =	vsel vm11, $0x4DFA, v18  }
0x3a: {  	v19 =	vsel vm11, $0x6DFA, v19;
	v20 =	vsel vm11, $0xDFB, v20;
	v21 =	vsel vm11, $0x2DFB, v21  }
0x3b: {  	v22 =	vsel vm11, $0x4DFB, v22;
	v23 =	vsel vm11, $0x6DFB, v23;
	v24 =	vsel vm11, $0xDFC, v24  }
0x3c: {  	v25 =	vsel vm11, $0x2DFC, v25;
	v26 =	vsel vm11, $0x4DFC, v26;
	v27 =	vsel vm11, $0x6DFC, v27  }
0x3d: {  	v28 =	vsel vm11, $0xDFD, v28;
	v29 =	vsel vm11, $0x2DFD, v29;
	v30 =	vsel vm11, $0x4DFD, v30  }
0x3e: {  	v31 =	vsel vm11, $0x6DFD, v31;
	v32 =	vsel vm11, $0xDFE, v32;
	v33 =	vsel vm11, $0x2DFE, v33  }
0x3f: {  	v34 =	vsel vm11, $0x4DFE, v34;
	v35 =	vsel vm11, $0x6DFE, v35;
	v36 =	vsel vm11, $0xDFF, v36  }
0x40: {  	v37 =	vsel vm11, $0x2DFF, v37;
	v38 =	vsel vm11, $0x4DFF, v38;
	v39 =	vsel vm11, $0x6DFF, v39  }
0x41: {  	v0 =	vsel vm10, $0x200, v0;
	v3 =	vsel vm10, $0x4200, v3;
	v7 =	vsel vm10, $0x6200, v7  }
0x42: {  	v8 =	vsel vm10, $0xE78, v8;
	v9 =	vsel vm10, $0x2E78, v9;
	v10 =	vsel vm10, $0x4E78, v10  }
0x43: {  	v11 =	vsel vm10, $0x6E78, v11;
	v12 =	vsel vm10, $0xE79, v12;
	v13 =	vsel vm10, $0x2E79, v13  }
0x44: {  	v14 =	vsel vm10, $0x4E79, v14;
	v15 =	vsel vm10, $0x6E79, v15;
	v16 =	vsel vm10, $0xE7A, v16  }
0x45: {  	v17 =	vsel vm10, $0x2E7A, v17;
	v18 =	vsel vm10, $0x4E7A, v18;
	v19 =	vsel vm10, $0x6E7A, v19  }
0x46: {  	v20 =	vsel vm10, $0xE7B, v20;
	v21 =	vsel vm10, $0x2E7B, v21;
	v22 =	vsel vm10, $0x4E7B, v22  }
0x47: {  	v23 =	vsel vm10, $0x6E7B, v23;
	v24 =	vsel vm10, $0xE7C, v24;
	v25 =	vsel vm10, $0x2E7C, v25  }
0x48: {  	v26 =	vsel vm10, $0x4E7C, v26;
	v27 =	vsel vm10, $0x6E7C, v27;
	v28 =	vsel vm10, $0xE7D, v28  }
0x49: {  	v29 =	vsel vm10, $0x2E7D, v29;
	v30 =	vsel vm10, $0x4E7D, v30;
	v31 =	vsel vm10, $0x6E7D, v31  }
0x4a: {  	v32 =	vsel vm10, $0xE7E, v32;
	v33 =	vsel vm10, $0x2E7E, v33;
	v34 =	vsel vm10, $0x4E7E, v34  }
0x4b: {  	v35 =	vsel vm10, $0x6E7E, v35;
	v36 =	vsel vm10, $0xE7F, v36;
	v37 =	vsel vm10, $0x2E7F, v37  }
0x4c: {  	v38 =	vsel vm10, $0x4E7F, v38;
	v39 =	vsel vm10, $0x6E7F, v39;
	v0 =	vsel vm9, $0x280, v0  }
0x4d: {  	v3 =	vsel vm9, $0x4280, v3;
	v7 =	vsel vm9, $0x6280, v7;
	v8 =	vsel vm9, $0xEF8, v8  }
0x4e: {  	v9 =	vsel vm9, $0x2EF8, v9;
	v10 =	vsel vm9, $0x4EF8, v10;
	v11 =	vsel vm9, $0x6EF8, v11  }
0x4f: {  	v12 =	vsel vm9, $0xEF9, v12;
	v13 =	vsel vm9, $0x2EF9, v13;
	v14 =	vsel vm9, $0x4EF9, v14  }
0x50: {  	v15 =	vsel vm9, $0x6EF9, v15;
	v16 =	vsel vm9, $0xEFA, v16;
	v17 =	vsel vm9, $0x2EFA, v17  }
0x51: {  	v18 =	vsel vm9, $0x4EFA, v18;
	v19 =	vsel vm9, $0x6EFA, v19;
	v20 =	vsel vm9, $0xEFB, v20  }
0x52: {  	v21 =	vsel vm9, $0x2EFB, v21;
	v22 =	vsel vm9, $0x4EFB, v22;
	v23 =	vsel vm9, $0x6EFB, v23  }
0x53: {  	v24 =	vsel vm9, $0xEFC, v24;
	v25 =	vsel vm9, $0x2EFC, v25;
	v26 =	vsel vm9, $0x4EFC, v26  }
0x54: {  	v27 =	vsel vm9, $0x6EFC, v27;
	v28 =	vsel vm9, $0xEFD, v28;
	v29 =	vsel vm9, $0x2EFD, v29  }
0x55: {  	v30 =	vsel vm9, $0x4EFD, v30;
	v31 =	vsel vm9, $0x6EFD, v31;
	v32 =	vsel vm9, $0xEFE, v32  }
0x56: {  	v33 =	vsel vm9, $0x2EFE, v33;
	v34 =	vsel vm9, $0x4EFE, v34;
	v35 =	vsel vm9, $0x6EFE, v35  }
0x57: {  	v36 =	vsel vm9, $0xEFF, v36;
	v37 =	vsel vm9, $0x2EFF, v37;
	v38 =	vsel vm9, $0x4EFF, v38  }
0x58: {  	v39 =	vsel vm9, $0x6EFF, v39;
	v2 =	vsel vm8, $0x300, v0;
	v0 =	vmul.u32 $0x80, v1  }
0x59: {  	v3 =	vsel vm8, $0x4300, v3;
	v7 =	vsel vm8, $0x6300, v7;
	v8 =	vsel vm8, $0xF78, v8  }
0x5a: {  	v9 =	vsel vm8, $0x2F78, v9;
	v10 =	vsel vm8, $0x4F78, v10;
	v11 =	vsel vm8, $0x6F78, v11  }
0x5b: {  	v12 =	vsel vm8, $0xF79, v12;
	v13 =	vsel vm8, $0x2F79, v13;
	v14 =	vsel vm8, $0x4F79, v14  }
0x5c: {  	v15 =	vsel vm8, $0x6F79, v15;
	v16 =	vsel vm8, $0xF7A, v16;
	v17 =	vsel vm8, $0x2F7A, v17  }
0x5d: {  	v18 =	vsel vm8, $0x4F7A, v18;
	v19 =	vsel vm8, $0x6F7A, v19;
	v20 =	vsel vm8, $0xF7B, v20  }
0x5e: {  	v21 =	vsel vm8, $0x2F7B, v21;
	v22 =	vsel vm8, $0x4F7B, v22;
	v23 =	vsel vm8, $0x6F7B, v23  }
0x5f: {  	v24 =	vsel vm8, $0xF7C, v24;
	v25 =	vsel vm8, $0x2F7C, v25;
	v26 =	vsel vm8, $0x4F7C, v26  }
0x60: {  	v27 =	vsel vm8, $0x6F7C, v27;
	v28 =	vsel vm8, $0xF7D, v28;
	v29 =	vsel vm8, $0x2F7D, v29  }
0x61: {  	v30 =	vsel vm8, $0x4F7D, v30;
	v31 =	vsel vm8, $0x6F7D, v31;
	v32 =	vsel vm8, $0xF7E, v32  }
0x62: {  	v33 =	vsel vm8, $0x2F7E, v33;
	v34 =	vsel vm8, $0x4F7E, v34;
	v35 =	vsel vm8, $0x6F7E, v35  }
0x63: {  	v36 =	vsel vm8, $0xF7F, v36;
	v37 =	vsel vm8, $0x2F7F, v37;
	v38 =	vsel vm8, $0x4F7F, v38  }
0x64: {  	v39 =	vsel vm8, $0x6F7F, v39;
	v1 =	vsel vm6, $0x380, v2;
	v2 =	vimm.s32 $0x3380  }
0x65: {  	v3 =	vsel vm6, $0x4380, v3;
	v7 =	vsel vm6, $0x6380, v7;
	v8 =	vsel vm6, $0xFF8, v8  }
0x66: {  	v9 =	vsel vm6, $0x2FF8, v9;
	v10 =	vsel vm6, $0x4FF8, v10;
	v11 =	vsel vm6, $0x6FF8, v11  }
0x67: {  	v12 =	vsel vm6, $0xFF9, v12;
	v13 =	vsel vm6, $0x2FF9, v13;
	v14 =	vsel vm6, $0x4FF9, v14  }
0x68: {  	v15 =	vsel vm6, $0x6FF9, v15;
	v16 =	vsel vm6, $0xFFA, v16;
	v17 =	vsel vm6, $0x2FFA, v17  }
0x69: {  	v18 =	vsel vm6, $0x4FFA, v18;
	v19 =	vsel vm6, $0x6FFA, v19;
	v20 =	vsel vm6, $0xFFB, v20  }
0x6a: {  	v21 =	vsel vm6, $0x2FFB, v21;
	v22 =	vsel vm6, $0x4FFB, v22;
	v23 =	vsel vm6, $0x6FFB, v23  }
0x6b: {  	v24 =	vsel vm6, $0xFFC, v24;
	v25 =	vsel vm6, $0x2FFC, v25;
	v26 =	vsel vm6, $0x4FFC, v26  }
0x6c: {  	v27 =	vsel vm6, $0x6FFC, v27;
	v28 =	vsel vm6, $0xFFD, v28;
	v29 =	vsel vm6, $0x2FFD, v29  }
0x6d: {  	v30 =	vsel vm6, $0x4FFD, v30;
	v31 =	vsel vm6, $0x6FFD, v31;
	v32 =	vsel vm6, $0xFFE, v32  }
0x6e: {  	v33 =	vsel vm6, $0x2FFE, v33;
	v34 =	vsel vm6, $0x4FFE, v34;
	v35 =	vsel vm6, $0x6FFE, v35  }
0x6f: {  	v36 =	vsel vm6, $0xFFF, v36;
	v37 =	vsel vm6, $0x2FFF, v37;
	v38 =	vsel vm6, $0x4FFF, v38  }
0x70: {  	v39 =	vsel vm6, $0x6FFF, v39;
	v2 =	vsel vm14, $0x2000, v2;
	v1 =	vsel vm0, $0x1000, v1  }
0x71: {  	v3 =	vsel vm0, $0x5000, v3;
	v6 =	vor.u32 $0x1800, v0;
	v7 =	vsel vm0, $0x7000, v7  }
0x72: {  	v8 =	vsel vm0, $0x1C78, v8;
	v9 =	vsel vm0, $0x3C78, v9;
	v10 =	vsel vm0, $0x5C78, v10  }
0x73: {  	v11 =	vsel vm0, $0x7C78, v11;
	v12 =	vsel vm0, $0x1C79, v12;
	v13 =	vsel vm0, $0x3C79, v13  }
0x74: {  	v14 =	vsel vm0, $0x5C79, v14;
	v15 =	vsel vm0, $0x7C79, v15;
	v16 =	vsel vm0, $0x1C7A, v16  }
0x75: {  	v17 =	vsel vm0, $0x3C7A, v17;
	v18 =	vsel vm0, $0x5C7A, v18;
	v19 =	vsel vm0, $0x7C7A, v19  }
0x76: {  	v20 =	vsel vm0, $0x1C7B, v20;
	v21 =	vsel vm0, $0x3C7B, v21;
	v22 =	vsel vm0, $0x5C7B, v22  }
0x77: {  	v23 =	vsel vm0, $0x7C7B, v23;
	v24 =	vsel vm0, $0x1C7C, v24;
	v25 =	vsel vm0, $0x3C7C, v25  }
0x78: {  	v26 =	vsel vm0, $0x5C7C, v26;
	v27 =	vsel vm0, $0x7C7C, v27;
	v28 =	vsel vm0, $0x1C7D, v28  }
0x79: {  	v29 =	vsel vm0, $0x3C7D, v29;
	v30 =	vsel vm0, $0x5C7D, v30;
	v31 =	vsel vm0, $0x7C7D, v31  }
0x7a: {  	v32 =	vsel vm0, $0x1C7E, v32;
	v33 =	vsel vm0, $0x3C7E, v33;
	v34 =	vsel vm0, $0x5C7E, v34  }
0x7b: {  	v35 =	vsel vm0, $0x7C7E, v35;
	v36 =	vsel vm0, $0x1C7F, v36;
	v37 =	vsel vm0, $0x3C7F, v37  }
0x7c: {  	v38 =	vsel vm0, $0x5C7F, v38;
	v39 =	vsel vm0, $0x7C7F, v39;
	v2 =	vsel vm13, $0x2080, v2  }
0x7d: {  	v1 =	vsel vm1, $0x1080, v1;
	v3 =	vsel vm1, $0x5080, v3;
	v7 =	vsel vm1, $0x7080, v7  }
0x7e: {  	v8 =	vsel vm1, $0x1CF8, v8;
	v9 =	vsel vm1, $0x3CF8, v9;
	v10 =	vsel vm1, $0x5CF8, v10  }
0x7f: {  	v11 =	vsel vm1, $0x7CF8, v11;
	v12 =	vsel vm1, $0x1CF9, v12;
	v13 =	vsel vm1, $0x3CF9, v13  }
0x80: {  	v14 =	vsel vm1, $0x5CF9, v14;
	v15 =	vsel vm1, $0x7CF9, v15;
	v16 =	vsel vm1, $0x1CFA, v16  }
0x81: {  	v17 =	vsel vm1, $0x3CFA, v17;
	v18 =	vsel vm1, $0x5CFA, v18;
	v19 =	vsel vm1, $0x7CFA, v19  }
0x82: {  	v20 =	vsel vm1, $0x1CFB, v20;
	v21 =	vsel vm1, $0x3CFB, v21;
	v22 =	vsel vm1, $0x5CFB, v22  }
0x83: {  	v23 =	vsel vm1, $0x7CFB, v23;
	v24 =	vsel vm1, $0x1CFC, v24;
	v25 =	vsel vm1, $0x3CFC, v25  }
0x84: {  	v26 =	vsel vm1, $0x5CFC, v26;
	v27 =	vsel vm1, $0x7CFC, v27;
	v28 =	vsel vm1, $0x1CFD, v28  }
0x85: {  	v29 =	vsel vm1, $0x3CFD, v29;
	v30 =	vsel vm1, $0x5CFD, v30;
	v31 =	vsel vm1, $0x7CFD, v31  }
0x86: {  	v32 =	vsel vm1, $0x1CFE, v32;
	v33 =	vsel vm1, $0x3CFE, v33;
	v34 =	vsel vm1, $0x5CFE, v34  }
0x87: {  	v35 =	vsel vm1, $0x7CFE, v35;
	v36 =	vsel vm1, $0x1CFF, v36;
	v37 =	vsel vm1, $0x3CFF, v37  }
0x88: {  	v38 =	vsel vm1, $0x5CFF, v38;
	v39 =	vsel vm1, $0x7CFF, v39;
	v2 =	vsel vm12, $0x2100, v2  }
0x89: {  	v1 =	vsel vm2, $0x1100, v1;
	v3 =	vsel vm2, $0x5100, v3;
	v7 =	vsel vm2, $0x7100, v7  }
0x8a: {  	v8 =	vsel vm2, $0x1D78, v8;
	v9 =	vsel vm2, $0x3D78, v9;
	v10 =	vsel vm2, $0x5D78, v10  }
0x8b: {  	v11 =	vsel vm2, $0x7D78, v11;
	v12 =	vsel vm2, $0x1D79, v12;
	v13 =	vsel vm2, $0x3D79, v13  }
0x8c: {  	v14 =	vsel vm2, $0x5D79, v14;
	v15 =	vsel vm2, $0x7D79, v15;
	v16 =	vsel vm2, $0x1D7A, v16  }
0x8d: {  	v17 =	vsel vm2, $0x3D7A, v17;
	v18 =	vsel vm2, $0x5D7A, v18;
	v19 =	vsel vm2, $0x7D7A, v19  }
0x8e: {  	v20 =	vsel vm2, $0x1D7B, v20;
	v21 =	vsel vm2, $0x3D7B, v21;
	v22 =	vsel vm2, $0x5D7B, v22  }
0x8f: {  	v23 =	vsel vm2, $0x7D7B, v23;
	v24 =	vsel vm2, $0x1D7C, v24;
	v25 =	vsel vm2, $0x3D7C, v25  }
0x90: {  	v26 =	vsel vm2, $0x5D7C, v26;
	v27 =	vsel vm2, $0x7D7C, v27;
	v28 =	vsel vm2, $0x1D7D, v28  }
0x91: {  	v29 =	vsel vm2, $0x3D7D, v29;
	v30 =	vsel vm2, $0x5D7D, v30;
	v31 =	vsel vm2, $0x7D7D, v31  }
0x92: {  	v32 =	vsel vm2, $0x1D7E, v32;
	v33 =	vsel vm2, $0x3D7E, v33;
	v34 =	vsel vm2, $0x5D7E, v34  }
0x93: {  	v35 =	vsel vm2, $0x7D7E, v35;
	v36 =	vsel vm2, $0x1D7F, v36;
	v37 =	vsel vm2, $0x3D7F, v37  }
0x94: {  	v38 =	vsel vm2, $0x5D7F, v38;
	v39 =	vsel vm2, $0x7D7F, v39;
	v2 =	vsel vm11, $0x2180, v2  }
0x95: {  	v1 =	vsel vm3, $0x1180, v1;
	v3 =	vsel vm3, $0x5180, v3;
	v7 =	vsel vm3, $0x7180, v7  }
0x96: {  	v8 =	vsel vm3, $0x1DF8, v8;
	v9 =	vsel vm3, $0x3DF8, v9;
	v10 =	vsel vm3, $0x5DF8, v10  }
0x97: {  	v11 =	vsel vm3, $0x7DF8, v11;
	v12 =	vsel vm3, $0x1DF9, v12;
	v13 =	vsel vm3, $0x3DF9, v13  }
0x98: {  	v14 =	vsel vm3, $0x5DF9, v14;
	v15 =	vsel vm3, $0x7DF9, v15;
	v16 =	vsel vm3, $0x1DFA, v16  }
0x99: {  	v17 =	vsel vm3, $0x3DFA, v17;
	v18 =	vsel vm3, $0x5DFA, v18;
	v19 =	vsel vm3, $0x7DFA, v19  }
0x9a: {  	v20 =	vsel vm3, $0x1DFB, v20;
	v21 =	vsel vm3, $0x3DFB, v21;
	v22 =	vsel vm3, $0x5DFB, v22  }
0x9b: {  	v23 =	vsel vm3, $0x7DFB, v23;
	v24 =	vsel vm3, $0x1DFC, v24;
	v25 =	vsel vm3, $0x3DFC, v25  }
0x9c: {  	v26 =	vsel vm3, $0x5DFC, v26;
	v27 =	vsel vm3, $0x7DFC, v27;
	v28 =	vsel vm3, $0x1DFD, v28  }
0x9d: {  	v29 =	vsel vm3, $0x3DFD, v29;
	v30 =	vsel vm3, $0x5DFD, v30;
	v31 =	vsel vm3, $0x7DFD, v31  }
0x9e: {  	v32 =	vsel vm3, $0x1DFE, v32;
	v33 =	vsel vm3, $0x3DFE, v33;
	v34 =	vsel vm3, $0x5DFE, v34  }
0x9f: {  	v35 =	vsel vm3, $0x7DFE, v35;
	v36 =	vsel vm3, $0x1DFF, v36;
	v37 =	vsel vm3, $0x3DFF, v37  }
0xa0: {  	v38 =	vsel vm3, $0x5DFF, v38;
	v39 =	vsel vm3, $0x7DFF, v39;
	v2 =	vsel vm10, $0x2200, v2  }
0xa1: {  	v1 =	vsel vm4, $0x1200, v1;
	v5 =	vsel vm4, $0x5200, v3;
	v7 =	vsel vm4, $0x7200, v7  }
0xa2: {  	v8 =	vsel vm4, $0x1E78, v8;
	v9 =	vsel vm4, $0x3E78, v9;
	v10 =	vsel vm4, $0x5E78, v10  }
0xa3: {  	v11 =	vsel vm4, $0x7E78, v11;
	v12 =	vsel vm4, $0x1E79, v12;
	v13 =	vsel vm4, $0x3E79, v13  }
0xa4: {  	v14 =	vsel vm4, $0x5E79, v14;
	v15 =	vsel vm4, $0x7E79, v15;
	v16 =	vsel vm4, $0x1E7A, v16  }
0xa5: {  	v17 =	vsel vm4, $0x3E7A, v17;
	v18 =	vsel vm4, $0x5E7A, v18;
	v19 =	vsel vm4, $0x7E7A, v19  }
0xa6: {  	v20 =	vsel vm4, $0x1E7B, v20;
	v21 =	vsel vm4, $0x3E7B, v21;
	v22 =	vsel vm4, $0x5E7B, v22  }
0xa7: {  	v23 =	vsel vm4, $0x7E7B, v23;
	v24 =	vsel vm4, $0x1E7C, v24;
	v25 =	vsel vm4, $0x3E7C, v25  }
0xa8: {  	v26 =	vsel vm4, $0x5E7C, v26;
	v27 =	vsel vm4, $0x7E7C, v27;
	v28 =	vsel vm4, $0x1E7D, v28  }
0xa9: {  	v29 =	vsel vm4, $0x3E7D, v29;
	v30 =	vsel vm4, $0x5E7D, v30;
	v31 =	vsel vm4, $0x7E7D, v31  }
0xaa: {  	v32 =	vsel vm4, $0x1E7E, v32;
	v33 =	vsel vm4, $0x3E7E, v33;
	v34 =	vsel vm4, $0x5E7E, v34  }
0xab: {  	v35 =	vsel vm4, $0x7E7E, v35;
	v36 =	vsel vm4, $0x1E7F, v36;
	v37 =	vsel vm4, $0x3E7F, v37  }
0xac: {  	v38 =	vsel vm4, $0x5E7F, v38;
	v39 =	vsel vm4, $0x7E7F, v39;
	v2 =	vsel vm9, $0x2280, v2  }
0xad: {  	v1 =	vsel vm5, $0x1280, v1;
	v5 =	vsel vm5, $0x5280, v5;
	v7 =	vsel vm5, $0x7280, v7  }
0xae: {  	v8 =	vsel vm5, $0x1EF8, v8;
	v9 =	vsel vm5, $0x3EF8, v9;
	v10 =	vsel vm5, $0x5EF8, v10  }
0xaf: {  	v11 =	vsel vm5, $0x7EF8, v11;
	v12 =	vsel vm5, $0x1EF9, v12;
	v13 =	vsel vm5, $0x3EF9, v13  }
0xb0: {  	v14 =	vsel vm5, $0x5EF9, v14;
	v15 =	vsel vm5, $0x7EF9, v15;
	v16 =	vsel vm5, $0x1EFA, v16  }
0xb1: {  	v17 =	vsel vm5, $0x3EFA, v17;
	v18 =	vsel vm5, $0x5EFA, v18;
	v19 =	vsel vm5, $0x7EFA, v19  }
0xb2: {  	v20 =	vsel vm5, $0x1EFB, v20;
	v21 =	vsel vm5, $0x3EFB, v21;
	v22 =	vsel vm5, $0x5EFB, v22  }
0xb3: {  	v23 =	vsel vm5, $0x7EFB, v23;
	v24 =	vsel vm5, $0x1EFC, v24;
	v25 =	vsel vm5, $0x3EFC, v25  }
0xb4: {  	v26 =	vsel vm5, $0x5EFC, v26;
	v27 =	vsel vm5, $0x7EFC, v27;
	v28 =	vsel vm5, $0x1EFD, v28  }
0xb5: {  	v29 =	vsel vm5, $0x3EFD, v29;
	v30 =	vsel vm5, $0x5EFD, v30;
	v31 =	vsel vm5, $0x7EFD, v31  }
0xb6: {  	v32 =	vsel vm5, $0x1EFE, v32;
	v33 =	vsel vm5, $0x3EFE, v33;
	v34 =	vsel vm5, $0x5EFE, v34  }
0xb7: {  	s1 =	rddreg [dreg:$0x0];
	v35 =	vsel vm5, $0x7EFE, v35;
	v36 =	vsel vm5, $0x1EFF, v36;
	v37 =	vsel vm5, $0x3EFF, v37  }
0xb8: {  	s0 =	rddreg [dreg:$0x1];
	v38 =	vsel vm5, $0x5EFF, v38;
	v39 =	vsel vm5, $0x7EFF, v39;
	v2 =	vsel vm8, $0x2300, v2  }
0xb9: {  	s2 =	rddreg [dreg:$0x2];
	v1 =	vsel vm7, $0x1300, v1;
	v5 =	vsel vm7, $0x5300, v5;
	v7 =	vsel vm7, $0x7300, v7  }
0xba: {  	s3 =	srdreg.scid;
	s4 =	stileid.u32;
	v8 =	vsel vm7, $0x1F78, v8;
	v9 =	vsel vm7, $0x3F78, v9;
	v10 =	vsel vm7, $0x5F78, v10  }
0xbb: {  	s6 =	simm.s32 $0x0;
	s7 =	simm.s32 $0x9;
	s8 =	simm.s32 $0x7A1400;
	v11 =	vsel vm7, $0x7F78, v11;
	v12 =	vsel vm7, $0x1F79, v12;
	v13 =	vsel vm7, $0x3F79, v13  }
0xbc: {  	s9 =	simm.s32 $0x400;
	s10 =	simm.s32 $0x200;
	s11 =	simm.s32 $0x2200;
	v14 =	vsel vm7, $0x5F79, v14;
	v15 =	vsel vm7, $0x7F79, v15;
	v16 =	vsel vm7, $0x1F7A, v16  }
0xbd: {  	s12 =	simm.s32 $0x4200;
	s13 =	simm.s32 $0x6200;
	s14 =	simm.s32 $0x8200;
	v17 =	vsel vm7, $0x3F7A, v17;
	v18 =	vsel vm7, $0x5F7A, v18;
	v19 =	vsel vm7, $0x7F7A, v19  }
0xbe: {  	s15 =	simm.s32 $0xA200;
	s16 =	simm.s32 $0xC200;
	s17 =	simm.s32 $0xE200;
	v20 =	vsel vm7, $0x1F7B, v20;
	v21 =	vsel vm7, $0x3F7B, v21;
	v22 =	vsel vm7, $0x5F7B, v22  }
0xbf: {  	s18 =	simm.s32 $0x1;
	s19 =	simm.s32 $0x10200;
	s20 =	simm.s32 $0x2;
	v23 =	vsel vm7, $0x7F7B, v23;
	v24 =	vsel vm7, $0x1F7C, v24;
	v25 =	vsel vm7, $0x3F7C, v25  }
0xc0: {  	s21 =	simm.s32 $0x3;
	s22 =	simm.s32 $0x4;
	s23 =	simm.s32 $0x5;
	v26 =	vsel vm7, $0x5F7C, v26;
	v27 =	vsel vm7, $0x7F7C, v27;
	v2 =	vsel vm6, $0x2380, v2  }
0xc1: {  	s24 =	simm.s32 $0x6;
	s3 =	sand.u32 $0x1, s3;
	s4 =	sshll.u32 s4, $0xA;
	v28 =	vsel vm7, $0x1F7D, v28;
	v29 =	vsel vm7, $0x3F7D, v29;
	v2 =	vsel vm0, $0x3000, v2  }
0xc2: {  	[smem:$0x7FF] =	sst s6;
	s5 =	sshll.u32 s3, $0x9;
	s3 =	ssub.s32 $0x2, s3;
	v30 =	vsel vm7, $0x5F7D, v30;
	v31 =	vsel vm7, $0x7F7D, v31;
	v2 =	vsel vm1, $0x3080, v2  }
.Ltmp0:
0xc3: {  	_ =	strace $0x80000047;
	s4 =	sor.u32 s5, s4;
	v32 =	vsel vm7, $0x1F7E, v32;
	v33 =	vsel vm7, $0x3F7E, v33;
	v2 =	vsel vm2, $0x3100, v2;
	(pc) =	sbr.rel .LBB2_1-.Ltmp0, $4  }
0xc4: {  	s26 =	sshrl.u32 s3, $0x1;
	s28 =	sshrl.u32 s4, $0x3;
	s29 =	sadd.s32 s2, s4;
	v34 =	vsel vm7, $0x5F7E, v34;
	v35 =	vsel vm7, $0x7F7E, v35;
	v2 =	vsel vm3, $0x3180, v2  }
0xc5: {  	s3 =	ssub.s32 s3, s26;
	s1 =	sadd.s32 s1, s28;
	[dreg:$0x5] =	wrdreg s29;
	v36 =	vsel vm7, $0x1F7F, v36;
	v37 =	vsel vm7, $0x3F7F, v37;
	v2 =	vsel vm4, $0x3200, v2  }
0xc6: {  	s25 =	simm.s32 $0x7;
	s31 =	smax.u32 s3, $0x1;
	[dreg:$0x4] =	wrdreg s1;
	v38 =	vsel vm7, $0x5F7F, v38;
	v39 =	vsel vm7, $0x7F7F, v39;
	v4 =	vsel vm5, $0x3280, v2  }
0xc7: {  	s30 =	simm.s32 $0x0;
	s26 =	simm.s32 $0x8;
	[dreg:$0x6] =	wrdreg s31;
	v2 =	vor.u32 $0x800, v0;
	v3 =	vsel vm7, $0x3300, v4;
	v4 =	vor.u32 $0x1000, v0  }
.LBB2_12:
0xc8: {  	_ =	swait.ge [sflag:s18], $0x2000  }
0xc9: {  	[sflag:s18] =	ssyncset.done $0x0  }
0xca: {  	[sflag:s18] =	ssyncadd.s32 $0xFFFFE000  }
0xcb: {  	s1 =	sld [smem:$0x0];
	_ =	sdelay $0x2  }
0xcc: {  	v40 =	vadd.s32 s1, v0;
	_ =	sdelay $0x4  }
0xcd: {  	v40 =	vld.idx.msk [tilespmem:v40+s10+$0x0], $0xffff  }
0xce: {  	v41 =	vadd.s32 s1, v2;
	_ =	sdelay $0x3  }
0xcf: {  	[tilespmem:v8+s19+$0x0] =	vst.idx.msk $0xffff, v40  }
0xd0: {  	v40 =	vld.idx.msk [tilespmem:v41+s10+$0x0], $0xffff  }
0xd1: {  	v54 =	vadd.s32 s1, v4;
	_ =	sdelay $0x3  }
0xd2: {  	[tilespmem:v9+s19+$0x0] =	vst.idx.msk $0xffff, v40  }
0xd3: {  	v40 =	vld.idx.msk [tilespmem:v54+s10+$0x0], $0xffff  }
0xd4: {  	v55 =	vadd.s32 s1, v6;
	_ =	sdelay $0x3  }
0xd5: {  	[tilespmem:v10+s19+$0x0] =	vst.idx.msk $0xffff, v40  }
0xd6: {  	v40 =	vld.idx.msk [tilespmem:v55+s10+$0x0], $0xffff;
	_ =	sdelay $0x4  }
0xd7: {  	[tilespmem:v11+s19+$0x0] =	vst.idx.msk $0xffff, v40  }
0xd8: {  	_ =	swait.ge [sflag:s20], $0x2000  }
0xd9: {  	[sflag:s20] =	ssyncset.done $0x0  }
0xda: {  	[sflag:s20] =	ssyncadd.s32 $0xFFFFE000  }
0xdb: {  	s31 =	sld [smem:$0x1];
	_ =	sdelay $0x2  }
0xdc: {  	v56 =	vadd.s32 s31, v0;
	_ =	sdelay $0x4  }
0xdd: {  	v40 =	vld.idx.msk [tilespmem:v56+s11+$0x0], $0xffff  }
0xde: {  	v57 =	vadd.s32 s31, v2;
	_ =	sdelay $0x3  }
0xdf: {  	[tilespmem:v12+s19+$0x0] =	vst.idx.msk $0xffff, v40  }
0xe0: {  	v40 =	vld.idx.msk [tilespmem:v57+s11+$0x0], $0xffff  }
0xe1: {  	v58 =	vadd.s32 s31, v4;
	_ =	sdelay $0x3  }
0xe2: {  	[tilespmem:v13+s19+$0x0] =	vst.idx.msk $0xffff, v40  }
0xe3: {  	v40 =	vld.idx.msk [tilespmem:v58+s11+$0x0], $0xffff  }
0xe4: {  	v59 =	vadd.s32 s31, v6;
	_ =	sdelay $0x3  }
0xe5: {  	[tilespmem:v14+s19+$0x0] =	vst.idx.msk $0xffff, v40  }
0xe6: {  	v40 =	vld.idx.msk [tilespmem:v59+s11+$0x0], $0xffff;
	_ =	sdelay $0x4  }
0xe7: {  	[tilespmem:v15+s19+$0x0] =	vst.idx.msk $0xffff, v40  }
0xe8: {  	_ =	swait.ge [sflag:s21], $0x2000  }
0xe9: {  	[sflag:s21] =	ssyncset.done $0x0  }
0xea: {  	[sflag:s21] =	ssyncadd.s32 $0xFFFFE000  }
0xeb: {  	s2 =	sld [smem:$0x2];
	_ =	sdelay $0x2  }
0xec: {  	v60 =	vadd.s32 s2, v0;
	_ =	sdelay $0x4  }
0xed: {  	v40 =	vld.idx.msk [tilespmem:v60+s12+$0x0], $0xffff  }
0xee: {  	v61 =	vadd.s32 s2, v2;
	_ =	sdelay $0x3  }
0xef: {  	[tilespmem:v16+s19+$0x0] =	vst.idx.msk $0xffff, v40  }
0xf0: {  	v40 =	vld.idx.msk [tilespmem:v61+s12+$0x0], $0xffff  }
0xf1: {  	v62 =	vadd.s32 s2, v4;
	_ =	sdelay $0x3  }
0xf2: {  	[tilespmem:v17+s19+$0x0] =	vst.idx.msk $0xffff, v40  }
0xf3: {  	v40 =	vld.idx.msk [tilespmem:v62+s12+$0x0], $0xffff  }
0xf4: {  	v63 =	vadd.s32 s2, v6;
	_ =	sdelay $0x3  }
0xf5: {  	[tilespmem:v18+s19+$0x0] =	vst.idx.msk $0xffff, v40  }
0xf6: {  	v40 =	vld.idx.msk [tilespmem:v63+s12+$0x0], $0xffff;
	_ =	sdelay $0x4  }
0xf7: {  	[tilespmem:v19+s19+$0x0] =	vst.idx.msk $0xffff, v40  }
0xf8: {  	_ =	swait.ge [sflag:s22], $0x2000  }
0xf9: {  	[sflag:s22] =	ssyncset.done $0x0  }
0xfa: {  	[sflag:s22] =	ssyncadd.s32 $0xFFFFE000  }
0xfb: {  	s3 =	sld [smem:$0x3];
	_ =	sdelay $0x2  }
0xfc: {  	v44 =	vadd.s32 s3, v0;
	_ =	sdelay $0x4  }
0xfd: {  	v40 =	vld.idx.msk [tilespmem:v44+s13+$0x0], $0xffff  }
0xfe: {  	v45 =	vadd.s32 s3, v2;
	_ =	sdelay $0x3  }
0xff: {  	[tilespmem:v20+s19+$0x0] =	vst.idx.msk $0xffff, v40  }
0x100: {  	v40 =	vld.idx.msk [tilespmem:v45+s13+$0x0], $0xffff  }
0x101: {  	v46 =	vadd.s32 s3, v4;
	_ =	sdelay $0x3  }
0x102: {  	[tilespmem:v21+s19+$0x0] =	vst.idx.msk $0xffff, v40  }
0x103: {  	v40 =	vld.idx.msk [tilespmem:v46+s13+$0x0], $0xffff  }
0x104: {  	v47 =	vadd.s32 s3, v6;
	_ =	sdelay $0x3  }
0x105: {  	[tilespmem:v22+s19+$0x0] =	vst.idx.msk $0xffff, v40  }
0x106: {  	v40 =	vld.idx.msk [tilespmem:v47+s13+$0x0], $0xffff;
	_ =	sdelay $0x4  }
0x107: {  	[tilespmem:v23+s19+$0x0] =	vst.idx.msk $0xffff, v40  }
0x108: {  	_ =	swait.ge [sflag:s23], $0x2000  }
0x109: {  	[sflag:s23] =	ssyncset.done $0x0  }
0x10a: {  	[sflag:s23] =	ssyncadd.s32 $0xFFFFE000  }
0x10b: {  	s4 =	sld [smem:$0x4];
	_ =	sdelay $0x2  }
0x10c: {  	v48 =	vadd.s32 s4, v0;
	_ =	sdelay $0x4  }
0x10d: {  	v40 =	vld.idx.msk [tilespmem:v48+s14+$0x0], $0xffff  }
0x10e: {  	v49 =	vadd.s32 s4, v2;
	_ =	sdelay $0x3  }
0x10f: {  	[tilespmem:v24+s19+$0x0] =	vst.idx.msk $0xffff, v40  }
0x110: {  	v40 =	vld.idx.msk [tilespmem:v49+s14+$0x0], $0xffff  }
0x111: {  	v50 =	vadd.s32 s4, v4;
	_ =	sdelay $0x3  }
0x112: {  	[tilespmem:v25+s19+$0x0] =	vst.idx.msk $0xffff, v40  }
0x113: {  	v40 =	vld.idx.msk [tilespmem:v50+s14+$0x0], $0xffff  }
0x114: {  	v51 =	vadd.s32 s4, v6;
	_ =	sdelay $0x3  }
0x115: {  	[tilespmem:v26+s19+$0x0] =	vst.idx.msk $0xffff, v40  }
0x116: {  	v40 =	vld.idx.msk [tilespmem:v51+s14+$0x0], $0xffff;
	_ =	sdelay $0x4  }
0x117: {  	[tilespmem:v27+s19+$0x0] =	vst.idx.msk $0xffff, v40  }
0x118: {  	_ =	swait.ge [sflag:s24], $0x2000  }
0x119: {  	[sflag:s24] =	ssyncset.done $0x0  }
0x11a: {  	[sflag:s24] =	ssyncadd.s32 $0xFFFFE000  }
0x11b: {  	s5 =	sld [smem:$0x5];
	_ =	sdelay $0x2  }
0x11c: {  	v52 =	vadd.s32 s5, v0;
	_ =	sdelay $0x4  }
0x11d: {  	v40 =	vld.idx.msk [tilespmem:v52+s15+$0x0], $0xffff  }
0x11e: {  	v53 =	vadd.s32 s5, v2;
	_ =	sdelay $0x3  }
0x11f: {  	[tilespmem:v28+s19+$0x0] =	vst.idx.msk $0xffff, v40  }
0x120: {  	v40 =	vld.idx.msk [tilespmem:v53+s15+$0x0], $0xffff  }
0x121: {  	v54 =	vadd.s32 s5, v4;
	_ =	sdelay $0x3  }
0x122: {  	[tilespmem:v29+s19+$0x0] =	vst.idx.msk $0xffff, v40  }
0x123: {  	v40 =	vld.idx.msk [tilespmem:v54+s15+$0x0], $0xffff  }
0x124: {  	v55 =	vadd.s32 s5, v6;
	_ =	sdelay $0x3  }
0x125: {  	[tilespmem:v30+s19+$0x0] =	vst.idx.msk $0xffff, v40  }
0x126: {  	v40 =	vld.idx.msk [tilespmem:v55+s15+$0x0], $0xffff;
	_ =	sdelay $0x4  }
0x127: {  	[tilespmem:v31+s19+$0x0] =	vst.idx.msk $0xffff, v40  }
0x128: {  	_ =	swait.ge [sflag:s25], $0x2000  }
0x129: {  	[sflag:s25] =	ssyncset.done $0x0  }
0x12a: {  	[sflag:s25] =	ssyncadd.s32 $0xFFFFE000  }
0x12b: {  	s6 =	sld [smem:$0x6];
	_ =	sdelay $0x2  }
0x12c: {  	v56 =	vadd.s32 s6, v0;
	_ =	sdelay $0x4  }
0x12d: {  	v40 =	vld.idx.msk [tilespmem:v56+s16+$0x0], $0xffff  }
0x12e: {  	v57 =	vadd.s32 s6, v2;
	_ =	sdelay $0x3  }
0x12f: {  	[tilespmem:v32+s19+$0x0] =	vst.idx.msk $0xffff, v40  }
0x130: {  	v40 =	vld.idx.msk [tilespmem:v57+s16+$0x0], $0xffff  }
0x131: {  	v58 =	vadd.s32 s6, v4;
	_ =	sdelay $0x3  }
0x132: {  	[tilespmem:v33+s19+$0x0] =	vst.idx.msk $0xffff, v40  }
0x133: {  	v40 =	vld.idx.msk [tilespmem:v58+s16+$0x0], $0xffff  }
0x134: {  	v59 =	vadd.s32 s6, v6;
	_ =	sdelay $0x3  }
0x135: {  	[tilespmem:v34+s19+$0x0] =	vst.idx.msk $0xffff, v40  }
0x136: {  	v40 =	vld.idx.msk [tilespmem:v59+s16+$0x0], $0xffff;
	_ =	sdelay $0x4  }
0x137: {  	[tilespmem:v35+s19+$0x0] =	vst.idx.msk $0xffff, v40  }
0x138: {  	_ =	swait.ge [sflag:s26], $0x2000  }
0x139: {  	[sflag:s26] =	ssyncset.done $0x0  }
0x13a: {  	[sflag:s26] =	ssyncadd.s32 $0xFFFFE000  }
0x13b: {  	s28 =	sld [smem:$0x7];
	_ =	sdelay $0x2  }
0x13c: {  	v60 =	vadd.s32 s28, v0;
	_ =	sdelay $0x4  }
0x13d: {  	v40 =	vld.idx.msk [tilespmem:v60+s17+$0x0], $0xffff  }
0x13e: {  	v61 =	vadd.s32 s28, v2;
	_ =	sdelay $0x3  }
0x13f: {  	[tilespmem:v36+s19+$0x0] =	vst.idx.msk $0xffff, v40  }
0x140: {  	v40 =	vld.idx.msk [tilespmem:v61+s17+$0x0], $0xffff  }
0x141: {  	v62 =	vadd.s32 s28, v4;
	_ =	sdelay $0x3  }
0x142: {  	[tilespmem:v37+s19+$0x0] =	vst.idx.msk $0xffff, v40  }
0x143: {  	v40 =	vld.idx.msk [tilespmem:v62+s17+$0x0], $0xffff  }
0x144: {  	v63 =	vadd.s32 s28, v6;
	_ =	sdelay $0x3  }
0x145: {  	[tilespmem:v38+s19+$0x0] =	vst.idx.msk $0xffff, v40  }
0x146: {  	v40 =	vld.idx.msk [tilespmem:v63+s17+$0x0], $0xffff;
	_ =	sdelay $0x4  }
0x147: {  	s2 =	simm.s32 $0x1000;
	s3 =	simm.s32 $0x20000;
	s29 =	rddreg [dreg:$0x5];
	[tilespmem:v39+s19+$0x0] =	vst.idx.msk $0xffff, v40  }
0x148: {  	[hbm4b:s29+s2] =	stream.strided.scatter [tilespmem:s19], [sflag:$0x9], $0x8000, s3, s2, $0x38;
	[tilespmem:$0x18200] =	vst v63  }
0x149: {  	_ =	swait.ge [sflag:s7], $0x8000  }
0x14a: {  	s30 =	sadd.s32 $0x1, s30;
	s31 =	rddreg [dreg:$0x6]  }
0x14b: {  	p0 =	sne.s32 s30, s31  }
.Ltmp1:
0x14c: {  	_ = 	snop;
	(pc) =	sbr.rel @!p0 .LBB2_13-.Ltmp1, $3  }
0x14d: {  	_ =	sdelay $0x1  }
0x14e: {  	[sflag:s7] =	ssyncset.done $0x0  }
0x14f: {  	[sflag:s7] =	ssyncadd.s32 $0xFFFF8000  }
.LBB2_1:
.Ltmp2:
0x150: {  	s1 =	simm.s32 $0x0;
	s2 =	rddreg [dreg:$0x4];
	(pc) =	sbr.rel .LBB2_2-.Ltmp2, $4  }
0x151: {  	[tilespmem:s1], [sflag:$0x9] =	stream.linear.gather [hbm4b:s2+s1], $0x200, $0x38;
	[tilespmem:$0x18200] =	vst v63  }
0x152: {  	_ =	swait.ge [sflag:s7], $0x200  }
0x153: {  	[sflag:s7] =	ssyncset.done $0x0  }
0x154: {  	s31 =	simm.s32 $0x0;
	s1 =	simm.s32 $0x7;
	[sflag:s7] =	ssyncadd.s32 $0xFFFFFE00  }
.LBB2_10:
0x155: {  	(v2sf) =	vpush v40, $0x5;
	_ =	sdelay $0xe  }
0x156: {  	s4 =	spop (v2sf)  }
0x157: {  	s5 =	sand.u32 $0xFFFFF80, s4  }
0x158: {  	s5 =	sadd.s32 s0, s5  }
0x159: {  	[tilespmem:s15], [sflag:$0x6] =	stream.strided.gather [hbm4b:s5+s9], $0x2000, s8, s9, $0x38;
	[tilespmem:$0x18200] =	vst v63  }
.LBB2_11:
0x15a: {  	(v2sf) =	vpush v40, $0x6;
	_ =	sdelay $0xe  }
0x15b: {  	s5 =	spop (v2sf)  }
0x15c: {  	s4 =	sand.u32 $0x7F, s4;
	s28 =	sand.u32 $0xFFFFF80, s5  }
0x15d: {  	[smem:$0x5] =	sst s4;
	s28 =	sadd.s32 s0, s28  }
0x15e: {  	[tilespmem:s16], [sflag:$0x7] =	stream.strided.gather [hbm4b:s28+s9], $0x2000, s8, s9, $0x38;
	[tilespmem:$0x18200] =	vst v63  }
0x15f: {  	_ =	swait.ge @!p0 [sflag:s26], $0x2000  }
0x160: {  	[sflag:s26] =	ssyncset.done @!p0 $0x0  }
0x161: {  	[sflag:s26] =	ssyncadd.s32 @!p0 $0xFFFFE000  }
0x162: {  	s4 =	sld @!p0 [smem:$0x7];
	_ =	sdelay $0x2  }
0x163: {  	s28 =	sand.u32 $0x7F, s5;
	s5 =	sadd.s32 @!p0 $0xFFFFFFF8, s1;
	v41 =	vadd.s32 @!p0 s4, v0  }
0x164: {  	v42 =	vmov @!p0 s5  }
0x165: {  	v43 =	vshll.u32 @!p0 v42, $0x3  }
0x166: {  	v42 =	vand.u32 @!p0 $0x7F, v42;
	v43 =	vand.u32 @!p0 $0xFFFFFC00, v43  }
0x167: {  	v42 =	vor.u32 @!p0 v42, v43  }
0x168: {  	v43 =	vadd.s32 @!p0 v1, v42;
	v41 =	vld.idx.msk @!p0 [tilespmem:v41+s17+$0x0], $0xffff  }
0x169: {  	v44 =	vadd.s32 @!p0 s4, v2;
	_ =	sdelay $0x3  }
0x16a: {  	[tilespmem:v43+s19+$0x0] =	vst.idx.msk @!p0 $0xffff, v41  }
0x16b: {  	(v2sf) =	vpush v40, $0x7;
	v43 =	vadd.s32 @!p0 v3, v42;
	v41 =	vld.idx.msk @!p0 [tilespmem:v44+s17+$0x0], $0xffff  }
0x16c: {  	v44 =	vadd.s32 @!p0 s4, v4;
	_ =	sdelay $0x3  }
0x16d: {  	[tilespmem:v43+s19+$0x0] =	vst.idx.msk @!p0 $0xffff, v41  }
0x16e: {  	v43 =	vadd.s32 @!p0 v5, v42;
	v41 =	vld.idx.msk @!p0 [tilespmem:v44+s17+$0x0], $0xffff  }
0x16f: {  	v44 =	vadd.s32 @!p0 s4, v6;
	_ =	sdelay $0x3  }
0x170: {  	[tilespmem:v43+s19+$0x0] =	vst.idx.msk @!p0 $0xffff, v41  }
0x171: {  	v42 =	vadd.s32 @!p0 v7, v42;
	v41 =	vld.idx.msk @!p0 [tilespmem:v44+s17+$0x0], $0xffff;
	_ =	sdelay $0x2  }
0x172: {  	s4 =	spop (v2sf)  }
0x173: {  	s5 =	sand.u32 $0xFFFFF80, s4  }
0x174: {  	s6 =	sadd.s32 $0xFFFFFFF9, s1;
	v48 =	vor.u32 s2, v0;
	s5 =	sadd.s32 s0, s5;
	[tilespmem:v42+s19+$0x0] =	vst.idx.msk @!p0 $0xffff, v41  }
0x175: {  	v49 =	vmov s6;
	[tilespmem:s17], [sflag:$0x8] =	stream.strided.gather [hbm4b:s5+s9], $0x2000, s8, s9, $0x38;
	[tilespmem:$0x18200] =	vst v63  }
0x176: {  	v50 =	vshll.u32 v49, $0x3;
	_ =	swait.ge [sflag:s18], $0x2000  }
0x177: {  	v43 =	vand.u32 $0xC00, v50;
	v42 =	vand.u32 $0x70, v49;
	[sflag:s18] =	ssyncset.done $0x0  }
0x178: {  	v42 =	vor.u32 v42, v43;
	[sflag:s18] =	ssyncadd.s32 $0xFFFFE000  }
0x179: {  	v43 =	vor.u32 v1, v42;
	v41 =	vld.idx.msk [tilespmem:v48+s10+$0x0], $0xffff  }
0x17a: {  	v51 =	vor.u32 s2, v2;
	_ =	sdelay $0x3  }
0x17b: {  	[tilespmem:v43+s19+$0x0] =	vst.idx.msk $0xffff, v41  }
0x17c: {  	v52 =	vor.u32 v3, v42;
	(v2sf) =	vpush v40, $0x8;
	v41 =	vld.idx.msk [tilespmem:v51+s10+$0x0], $0xffff  }
0x17d: {  	v53 =	vor.u32 s2, v4;
	_ =	sdelay $0x3  }
0x17e: {  	[tilespmem:v52+s19+$0x0] =	vst.idx.msk $0xffff, v41  }
0x17f: {  	v54 =	vor.u32 v5, v42;
	v41 =	vld.idx.msk [tilespmem:v53+s10+$0x0], $0xffff  }
0x180: {  	v55 =	vor.u32 s2, v6;
	_ =	sdelay $0x3  }
0x181: {  	[tilespmem:v54+s19+$0x0] =	vst.idx.msk $0xffff, v41  }
0x182: {  	v42 =	vor.u32 v7, v42;
	v41 =	vld.idx.msk [tilespmem:v55+s10+$0x0], $0xffff;
	_ =	sdelay $0x2  }
0x183: {  	s2 =	spop (v2sf)  }
0x184: {  	s6 =	sand.u32 $0xFFFFF80, s2;
	s2 =	sand.u32 $0x7F, s2  }
0x185: {  	v56 =	vor.u32 s29, v0;
	s5 =	sadd.s32 s0, s6;
	s6 =	sadd.s32 $0xFFFFFFFA, s1;
	[smem:$0x0] =	sst s2;
	[tilespmem:v42+s19+$0x0] =	vst.idx.msk $0xffff, v41  }
0x186: {  	v57 =	vmov s6;
	[tilespmem:s10], [sflag:$0x1] =	stream.strided.gather [hbm4b:s5+s9], $0x2000, s8, s9, $0x38;
	[tilespmem:$0x18200] =	vst v63  }
0x187: {  	v58 =	vshll.u32 v57, $0x3;
	_ =	swait.ge [sflag:s20], $0x2000  }
0x188: {  	v43 =	vand.u32 $0xC00, v58;
	v42 =	vand.u32 $0x71, v57;
	[sflag:s20] =	ssyncset.done $0x0  }
0x189: {  	v42 =	vor.u32 v42, v43;
	[sflag:s20] =	ssyncadd.s32 $0xFFFFE000  }
0x18a: {  	v43 =	vor.u32 v1, v42;
	v41 =	vld.idx.msk [tilespmem:v56+s11+$0x0], $0xffff  }
0x18b: {  	v59 =	vor.u32 s29, v2;
	_ =	sdelay $0x3  }
0x18c: {  	[tilespmem:v43+s19+$0x0] =	vst.idx.msk $0xffff, v41  }
0x18d: {  	v60 =	vor.u32 v3, v42;
	(v2sf) =	vpush v40, $0x9;
	v41 =	vld.idx.msk [tilespmem:v59+s11+$0x0], $0xffff  }
0x18e: {  	v61 =	vor.u32 s29, v4;
	_ =	sdelay $0x3  }
0x18f: {  	[tilespmem:v60+s19+$0x0] =	vst.idx.msk $0xffff, v41  }
0x190: {  	v62 =	vor.u32 v5, v42;
	v41 =	vld.idx.msk [tilespmem:v61+s11+$0x0], $0xffff  }
0x191: {  	v63 =	vor.u32 s29, v6;
	_ =	sdelay $0x3  }
0x192: {  	[tilespmem:v62+s19+$0x0] =	vst.idx.msk $0xffff, v41  }
0x193: {  	v42 =	vor.u32 v7, v42;
	v41 =	vld.idx.msk [tilespmem:v63+s11+$0x0], $0xffff;
	_ =	sdelay $0x2  }
0x194: {  	s29 =	spop (v2sf)  }
0x195: {  	s6 =	sand.u32 $0xFFFFF80, s29;
	s2 =	sand.u32 $0x7F, s29  }
0x196: {  	v48 =	vor.u32 s3, v0;
	s29 =	sadd.s32 $0xFFFFFFFB, s1;
	s5 =	sadd.s32 s0, s6;
	[smem:$0x1] =	sst s2;
	[tilespmem:v42+s19+$0x0] =	vst.idx.msk $0xffff, v41  }
0x197: {  	v49 =	vmov s29;
	[tilespmem:s11], [sflag:$0x2] =	stream.strided.gather [hbm4b:s5+s9], $0x2000, s8, s9, $0x38;
	[tilespmem:$0x18200] =	vst v63  }
0x198: {  	v50 =	vshll.u32 v49, $0x3;
	_ =	swait.ge [sflag:s21], $0x2000  }
0x199: {  	v43 =	vand.u32 $0xC00, v50;
	v42 =	vand.u32 $0x72, v49;
	[sflag:s21] =	ssyncset.done $0x0  }
0x19a: {  	v42 =	vor.u32 v42, v43;
	[sflag:s21] =	ssyncadd.s32 $0xFFFFE000  }
0x19b: {  	v43 =	vor.u32 v1, v42;
	v41 =	vld.idx.msk [tilespmem:v48+s12+$0x0], $0xffff  }
0x19c: {  	v51 =	vor.u32 s3, v2;
	_ =	sdelay $0x3  }
0x19d: {  	[tilespmem:v43+s19+$0x0] =	vst.idx.msk $0xffff, v41  }
0x19e: {  	v52 =	vor.u32 v3, v42;
	(v2sf) =	vpush v40, $0xA;
	v41 =	vld.idx.msk [tilespmem:v51+s12+$0x0], $0xffff  }
0x19f: {  	v53 =	vor.u32 s3, v4;
	_ =	sdelay $0x3  }
0x1a0: {  	[tilespmem:v52+s19+$0x0] =	vst.idx.msk $0xffff, v41  }
0x1a1: {  	v54 =	vor.u32 v5, v42;
	v41 =	vld.idx.msk [tilespmem:v53+s12+$0x0], $0xffff  }
0x1a2: {  	v55 =	vor.u32 s3, v6;
	_ =	sdelay $0x3  }
0x1a3: {  	[tilespmem:v54+s19+$0x0] =	vst.idx.msk $0xffff, v41  }
0x1a4: {  	v42 =	vor.u32 v7, v42;
	v41 =	vld.idx.msk [tilespmem:v55+s12+$0x0], $0xffff;
	_ =	sdelay $0x2  }
0x1a5: {  	s3 =	spop (v2sf)  }
0x1a6: {  	s5 =	sand.u32 $0xFFFFF80, s3;
	s2 =	sand.u32 $0x7F, s3  }
0x1a7: {  	s3 =	sadd.s32 s0, s5;
	[smem:$0x2] =	sst s2;
	[tilespmem:v42+s19+$0x0] =	vst.idx.msk $0xffff, v41  }
0x1a8: {  	[tilespmem:s12], [sflag:$0x3] =	stream.strided.gather [hbm4b:s3+s9], $0x2000, s8, s9, $0x38;
	[tilespmem:$0x18200] =	vst v63  }
0x1a9: {  	_ =	swait.ge [sflag:s22], $0x2000  }
0x1aa: {  	[sflag:s22] =	ssyncset.done $0x0  }
0x1ab: {  	[sflag:s22] =	ssyncadd.s32 $0xFFFFE000  }
0x1ac: {  	s6 =	sld [smem:$0x3];
	_ =	sdelay $0x2  }
0x1ad: {  	s29 =	sadd.s32 $0xFFFFFFFC, s1;
	v56 =	vadd.s32 s6, v0  }
0x1ae: {  	v57 =	vmov s29  }
0x1af: {  	v58 =	vshll.u32 v57, $0x3  }
0x1b0: {  	v43 =	vand.u32 $0xC00, v58;
	v42 =	vand.u32 $0x73, v57  }
0x1b1: {  	v42 =	vor.u32 v42, v43  }
0x1b2: {  	v43 =	vor.u32 v1, v42;
	v41 =	vld.idx.msk [tilespmem:v56+s13+$0x0], $0xffff  }
0x1b3: {  	v59 =	vadd.s32 s6, v2;
	_ =	sdelay $0x3  }
0x1b4: {  	[tilespmem:v43+s19+$0x0] =	vst.idx.msk $0xffff, v41  }
0x1b5: {  	v60 =	vor.u32 v3, v42;
	(v2sf) =	vpush v40, $0xB;
	v41 =	vld.idx.msk [tilespmem:v59+s13+$0x0], $0xffff  }
0x1b6: {  	v61 =	vadd.s32 s6, v4;
	_ =	sdelay $0x3  }
0x1b7: {  	[tilespmem:v60+s19+$0x0] =	vst.idx.msk $0xffff, v41  }
0x1b8: {  	v62 =	vor.u32 v5, v42;
	v41 =	vld.idx.msk [tilespmem:v61+s13+$0x0], $0xffff  }
0x1b9: {  	v63 =	vadd.s32 s6, v6;
	_ =	sdelay $0x3  }
0x1ba: {  	[tilespmem:v62+s19+$0x0] =	vst.idx.msk $0xffff, v41  }
0x1bb: {  	v42 =	vor.u32 v7, v42;
	v41 =	vld.idx.msk [tilespmem:v63+s13+$0x0], $0xffff;
	_ =	sdelay $0x2  }
0x1bc: {  	s5 =	spop (v2sf)  }
0x1bd: {  	s6 =	sand.u32 $0xFFFFF80, s5;
	s2 =	sand.u32 $0x7F, s5  }
0x1be: {  	s3 =	sadd.s32 s0, s6;
	[smem:$0x3] =	sst s2;
	[tilespmem:v42+s19+$0x0] =	vst.idx.msk $0xffff, v41  }
0x1bf: {  	[tilespmem:s13], [sflag:$0x4] =	stream.strided.gather [hbm4b:s3+s9], $0x2000, s8, s9, $0x38;
	[tilespmem:$0x18200] =	vst v63  }
0x1c0: {  	_ =	swait.ge [sflag:s23], $0x2000  }
0x1c1: {  	[sflag:s23] =	ssyncset.done $0x0  }
0x1c2: {  	[sflag:s23] =	ssyncadd.s32 $0xFFFFE000  }
0x1c3: {  	s29 =	sld [smem:$0x4];
	_ =	sdelay $0x2  }
0x1c4: {  	s5 =	sadd.s32 $0xFFFFFFFD, s1;
	v48 =	vadd.s32 s29, v0  }
0x1c5: {  	v49 =	vmov s5  }
0x1c6: {  	v50 =	vshll.u32 v49, $0x3  }
0x1c7: {  	v43 =	vand.u32 $0xC00, v50;
	v42 =	vand.u32 $0x74, v49  }
0x1c8: {  	v42 =	vor.u32 v42, v43  }
0x1c9: {  	v43 =	vor.u32 v1, v42;
	v41 =	vld.idx.msk [tilespmem:v48+s14+$0x0], $0xffff  }
0x1ca: {  	v51 =	vadd.s32 s29, v2;
	_ =	sdelay $0x3  }
0x1cb: {  	[tilespmem:v43+s19+$0x0] =	vst.idx.msk $0xffff, v41  }
0x1cc: {  	v52 =	vor.u32 v3, v42;
	(v2sf) =	vpush v40, $0xC;
	v41 =	vld.idx.msk [tilespmem:v51+s14+$0x0], $0xffff  }
0x1cd: {  	v53 =	vadd.s32 s29, v4;
	_ =	sdelay $0x3  }
0x1ce: {  	[tilespmem:v52+s19+$0x0] =	vst.idx.msk $0xffff, v41  }
0x1cf: {  	v54 =	vor.u32 v5, v42;
	v41 =	vld.idx.msk [tilespmem:v53+s14+$0x0], $0xffff  }
0x1d0: {  	v55 =	vadd.s32 s29, v6;
	_ =	sdelay $0x3  }
0x1d1: {  	[tilespmem:v54+s19+$0x0] =	vst.idx.msk $0xffff, v41  }
0x1d2: {  	v42 =	vor.u32 v7, v42;
	v41 =	vld.idx.msk [tilespmem:v55+s14+$0x0], $0xffff;
	_ =	sdelay $0x2  }
0x1d3: {  	s6 =	spop (v2sf)  }
0x1d4: {  	s29 =	sand.u32 $0xFFFFF80, s6;
	s2 =	sand.u32 $0x7F, s6  }
0x1d5: {  	s3 =	sadd.s32 s0, s29;
	[smem:$0x4] =	sst s2;
	[tilespmem:v42+s19+$0x0] =	vst.idx.msk $0xffff, v41  }
0x1d6: {  	[tilespmem:s14], [sflag:$0x5] =	stream.strided.gather [hbm4b:s3+s9], $0x2000, s8, s9, $0x38;
	[tilespmem:$0x18200] =	vst v63  }
0x1d7: {  	_ =	swait.ge [sflag:s24], $0x2000  }
0x1d8: {  	[sflag:s24] =	ssyncset.done $0x0  }
0x1d9: {  	[sflag:s24] =	ssyncadd.s32 $0xFFFFE000  }
0x1da: {  	s5 =	sld [smem:$0x5];
	_ =	sdelay $0x2  }
0x1db: {  	s6 =	sadd.s32 $0xFFFFFFFE, s1;
	v56 =	vadd.s32 s5, v0  }
0x1dc: {  	v57 =	vmov s6  }
0x1dd: {  	v58 =	vshll.u32 v57, $0x3  }
0x1de: {  	v43 =	vand.u32 $0xC00, v58;
	v42 =	vand.u32 $0x75, v57  }
0x1df: {  	v42 =	vor.u32 v42, v43  }
0x1e0: {  	v43 =	vor.u32 v1, v42;
	v41 =	vld.idx.msk [tilespmem:v56+s15+$0x0], $0xffff  }
0x1e1: {  	v59 =	vadd.s32 s5, v2;
	_ =	sdelay $0x3  }
0x1e2: {  	[tilespmem:v43+s19+$0x0] =	vst.idx.msk $0xffff, v41  }
0x1e3: {  	v60 =	vor.u32 v3, v42;
	(v2sf) =	vpush v40, $0xD;
	v41 =	vld.idx.msk [tilespmem:v59+s15+$0x0], $0xffff  }
0x1e4: {  	v61 =	vadd.s32 s5, v4;
	_ =	sdelay $0x3  }
0x1e5: {  	[tilespmem:v60+s19+$0x0] =	vst.idx.msk $0xffff, v41  }
0x1e6: {  	v62 =	vor.u32 v5, v42;
	v41 =	vld.idx.msk [tilespmem:v61+s15+$0x0], $0xffff  }
0x1e7: {  	v63 =	vadd.s32 s5, v6;
	_ =	sdelay $0x3  }
0x1e8: {  	[tilespmem:v62+s19+$0x0] =	vst.idx.msk $0xffff, v41  }
0x1e9: {  	v42 =	vor.u32 v7, v42;
	v41 =	vld.idx.msk [tilespmem:v63+s15+$0x0], $0xffff;
	_ =	sdelay $0x2  }
0x1ea: {  	s29 =	spop (v2sf)  }
0x1eb: {  	s5 =	sand.u32 $0xFFFFF80, s29;
	s2 =	sand.u32 $0x7F, s29  }
0x1ec: {  	v47 =	vor.u32 s28, v0;
	s6 =	sadd.s32 $0xFFFFFFFF, s1;
	s3 =	sadd.s32 s0, s5;
	[smem:$0x5] =	sst s2;
	[tilespmem:v42+s19+$0x0] =	vst.idx.msk $0xffff, v41  }
0x1ed: {  	v48 =	vmov s6;
	[tilespmem:s15], [sflag:$0x6] =	stream.strided.gather [hbm4b:s3+s9], $0x2000, s8, s9, $0x38;
	[tilespmem:$0x18200] =	vst v63  }
0x1ee: {  	v49 =	vshll.u32 v48, $0x3;
	_ =	swait.ge [sflag:s25], $0x2000  }
0x1ef: {  	v43 =	vand.u32 $0xC00, v49;
	v42 =	vand.u32 $0x76, v48;
	[sflag:s25] =	ssyncset.done $0x0  }
0x1f0: {  	v42 =	vor.u32 v42, v43;
	[sflag:s25] =	ssyncadd.s32 $0xFFFFE000  }
0x1f1: {  	v43 =	vor.u32 v1, v42;
	v41 =	vld.idx.msk [tilespmem:v47+s16+$0x0], $0xffff  }
0x1f2: {  	v50 =	vor.u32 s28, v2;
	_ =	sdelay $0x3  }
0x1f3: {  	[tilespmem:v43+s19+$0x0] =	vst.idx.msk $0xffff, v41  }
0x1f4: {  	v51 =	vor.u32 v3, v42;
	(v2sf) =	vpush v40, $0xE;
	v41 =	vld.idx.msk [tilespmem:v50+s16+$0x0], $0xffff  }
0x1f5: {  	v52 =	vor.u32 s28, v4;
	_ =	sdelay $0x3  }
0x1f6: {  	[tilespmem:v51+s19+$0x0] =	vst.idx.msk $0xffff, v41  }
0x1f7: {  	v53 =	vor.u32 v5, v42;
	v41 =	vld.idx.msk [tilespmem:v52+s16+$0x0], $0xffff  }
0x1f8: {  	v54 =	vor.u32 s28, v6;
	_ =	sdelay $0x3  }
0x1f9: {  	[tilespmem:v53+s19+$0x0] =	vst.idx.msk $0xffff, v41  }
0x1fa: {  	v42 =	vor.u32 v7, v42;
	v41 =	vld.idx.msk [tilespmem:v54+s16+$0x0], $0xffff;
	_ =	sdelay $0x2  }
0x1fb: {  	s29 =	spop (v2sf)  }
0x1fc: {  	s6 =	sand.u32 $0x7F, s4;
	s5 =	sand.u32 $0xFFFFF80, s29;
	s2 =	sand.u32 $0x7F, s29  }
0x1fd: {  	v55 =	vor.u32 s6, v0;
	s3 =	sadd.s32 s0, s5;
	[smem:$0x6] =	sst s2;
	[tilespmem:v42+s19+$0x0] =	vst.idx.msk $0xffff, v41  }
0x1fe: {  	v56 =	vmov s1;
	[tilespmem:s16], [sflag:$0x7] =	stream.strided.gather [hbm4b:s3+s9], $0x2000, s8, s9, $0x38;
	[tilespmem:$0x18200] =	vst v63  }
0x1ff: {  	v57 =	vshll.u32 v56, $0x3;
	_ =	swait.ge [sflag:s26], $0x2000  }
0x200: {  	v43 =	vand.u32 $0xC00, v57;
	v42 =	vand.u32 $0x77, v56;
	[sflag:s26] =	ssyncset.done $0x0  }
0x201: {  	v42 =	vor.u32 v42, v43;
	[sflag:s26] =	ssyncadd.s32 $0xFFFFE000  }
0x202: {  	v43 =	vor.u32 v1, v42;
	v41 =	vld.idx.msk [tilespmem:v55+s17+$0x0], $0xffff  }
0x203: {  	v58 =	vor.u32 s6, v2;
	_ =	sdelay $0x3  }
0x204: {  	[tilespmem:v43+s19+$0x0] =	vst.idx.msk $0xffff, v41  }
0x205: {  	v59 =	vor.u32 v3, v42;
	(v2sf) =	vpush v40, $0xF;
	v41 =	vld.idx.msk [tilespmem:v58+s17+$0x0], $0xffff  }
0x206: {  	v60 =	vor.u32 s6, v4;
	_ =	sdelay $0x3  }
0x207: {  	[tilespmem:v59+s19+$0x0] =	vst.idx.msk $0xffff, v41  }
0x208: {  	v61 =	vor.u32 v5, v42;
	v40 =	vld.idx.msk [tilespmem:v60+s17+$0x0], $0xffff  }
0x209: {  	v62 =	vor.u32 s6, v6;
	_ =	sdelay $0x3  }
0x20a: {  	[tilespmem:v61+s19+$0x0] =	vst.idx.msk $0xffff, v40  }
0x20b: {  	s1 =	sadd.s32 $0x10, s1;
	v63 =	vor.u32 v7, v42;
	v40 =	vld.idx.msk [tilespmem:v62+s17+$0x0], $0xffff  }
0x20c: {  	p0 =	sne.s32 s1, $0x207  }
.Ltmp3:
0x20d: {  	_ = 	snop;
	(pc) =	sbr.rel @!p0 .LBB2_12-.Ltmp3, $4  }
0x20e: {  	s28 =	spop (v2sf)  }
0x20f: {  	s29 =	sand.u32 $0xFFFFF80, s28;
	s2 =	sand.u32 $0x7F, s28  }
0x210: {  	s31 =	sadd.s32 $0x10, s31;
	s3 =	sadd.s32 s0, s29;
	[smem:$0x7] =	sst s2;
	[tilespmem:v63+s19+$0x0] =	vst.idx.msk $0xffff, v40  }
0x211: {  	[tilespmem:s17], [sflag:$0x8] =	stream.strided.gather [hbm4b:s3+s9], $0x2000, s8, s9, $0x38;
	[tilespmem:$0x18200] =	vst v63  }
.LBB2_2:
0x212: {  	p0 =	seq.s32 s1, $0x7  }
0x213: {  	v40 =	vld [tilespmem:s31+$0x0];
	_ =	swait.ge @!p0 [sflag:s18], $0x2000  }
0x214: {  	[sflag:s18] =	ssyncset.done @!p0 $0x0  }
0x215: {  	[sflag:s18] =	ssyncadd.s32 @!p0 $0xFFFFE000  }
0x216: {  	s2 =	sld @!p0 [smem:$0x0];
	_ =	sdelay $0x2  }
0x217: {  	s3 =	sadd.s32 @!p0 $0xFFFFFFF1, s1;
	v41 =	vadd.s32 @!p0 s2, v0  }
0x218: {  	v42 =	vmov @!p0 s3  }
0x219: {  	v43 =	vshll.u32 @!p0 v42, $0x3  }
0x21a: {  	v42 =	vand.u32 @!p0 $0x78, v42;
	v43 =	vand.u32 @!p0 $0xFFFFFC00, v43  }
0x21b: {  	v42 =	vor.u32 @!p0 v42, v43  }
0x21c: {  	v43 =	vadd.s32 @!p0 v1, v42;
	v41 =	vld.idx.msk @!p0 [tilespmem:v41+s10+$0x0], $0xffff  }
0x21d: {  	v44 =	vadd.s32 @!p0 s2, v2;
	_ =	sdelay $0x3  }
0x21e: {  	[tilespmem:v43+s19+$0x0] =	vst.idx.msk @!p0 $0xffff, v41  }
0x21f: {  	(v2sf) =	vpush v40, $0x0;
	v43 =	vadd.s32 @!p0 v3, v42;
	v41 =	vld.idx.msk @!p0 [tilespmem:v44+s10+$0x0], $0xffff  }
0x220: {  	v44 =	vadd.s32 @!p0 s2, v4;
	_ =	sdelay $0x3  }
0x221: {  	[tilespmem:v43+s19+$0x0] =	vst.idx.msk @!p0 $0xffff, v41  }
0x222: {  	v43 =	vadd.s32 @!p0 v5, v42;
	v41 =	vld.idx.msk @!p0 [tilespmem:v44+s10+$0x0], $0xffff  }
0x223: {  	v44 =	vadd.s32 @!p0 s2, v6;
	_ =	sdelay $0x3  }
0x224: {  	[tilespmem:v43+s19+$0x0] =	vst.idx.msk @!p0 $0xffff, v41  }
0x225: {  	v42 =	vadd.s32 @!p0 v7, v42;
	v41 =	vld.idx.msk @!p0 [tilespmem:v44+s10+$0x0], $0xffff;
	_ =	sdelay $0x1  }
.Ltmp4:
0x226: {  	_ = 	snop;
	(pc) =	sbr.rel @!p0 .LBB2_3-.Ltmp4, $4  }
0x227: {  	s28 =	spop (v2sf)  }
0x228: {  	s29 =	sand.u32 $0xFFFFF80, s28;
	s2 =	sand.u32 $0x7F, s28  }
0x229: {  	s3 =	sadd.s32 s0, s29;
	[smem:$0x0] =	sst s2;
	[tilespmem:v42+s19+$0x0] =	vst.idx.msk @!p0 $0xffff, v41  }
0x22a: {  	[tilespmem:s10], [sflag:$0x1] =	stream.strided.gather [hbm4b:s3+s9], $0x2000, s8, s9, $0x38;
	[tilespmem:$0x18200] =	vst v63  }
0x22b: {  	(v2sf) =	vpush v40, $0x1;
	_ =	sdelay $0xd  }
.Ltmp5:
0x22c: {  	_ = 	snop;
	(pc) =	sbr.rel .LBB2_5-.Ltmp5, $4  }
0x22d: {  	s3 =	spop (v2sf)  }
0x22e: {  	s4 =	sand.u32 $0xFFFFF80, s3  }
0x22f: {  	s4 =	sadd.s32 s0, s4  }
0x230: {  	[tilespmem:s11], [sflag:$0x2] =	stream.strided.gather [hbm4b:s4+s9], $0x2000, s8, s9, $0x38;
	[tilespmem:$0x18200] =	vst v63  }
.LBB2_3:
0x231: {  	_ =	swait.ge [sflag:s20], $0x2000  }
0x232: {  	[sflag:s20] =	ssyncset.done $0x0  }
0x233: {  	[sflag:s20] =	ssyncadd.s32 $0xFFFFE000  }
0x234: {  	s3 =	sld [smem:$0x1];
	_ =	sdelay $0x2  }
0x235: {  	s4 =	sadd.s32 $0xFFFFFFF2, s1;
	v41 =	vadd.s32 s3, v0  }
0x236: {  	v42 =	vmov s4  }
0x237: {  	v43 =	vshll.u32 v42, $0x3  }
0x238: {  	v42 =	vand.u32 $0x79, v42;
	v43 =	vand.u32 $0xFFFFFC00, v43  }
0x239: {  	v42 =	vor.u32 v42, v43  }
0x23a: {  	v43 =	vadd.s32 v1, v42;
	v41 =	vld.idx.msk [tilespmem:v41+s11+$0x0], $0xffff  }
0x23b: {  	v44 =	vadd.s32 s3, v2;
	_ =	sdelay $0x3  }
0x23c: {  	[tilespmem:v43+s19+$0x0] =	vst.idx.msk $0xffff, v41  }
0x23d: {  	(v2sf) =	vpush v40, $0x1;
	v52 =	vadd.s32 v3, v42;
	v41 =	vld.idx.msk [tilespmem:v44+s11+$0x0], $0xffff  }
0x23e: {  	v53 =	vadd.s32 s3, v4;
	_ =	sdelay $0x3  }
0x23f: {  	[tilespmem:v52+s19+$0x0] =	vst.idx.msk $0xffff, v41  }
0x240: {  	v54 =	vadd.s32 v5, v42;
	v41 =	vld.idx.msk [tilespmem:v53+s11+$0x0], $0xffff  }
0x241: {  	v55 =	vadd.s32 s3, v6;
	_ =	sdelay $0x3  }
0x242: {  	[tilespmem:v54+s19+$0x0] =	vst.idx.msk $0xffff, v41  }
0x243: {  	v42 =	vadd.s32 v7, v42;
	v41 =	vld.idx.msk [tilespmem:v55+s11+$0x0], $0xffff;
	_ =	sdelay $0x2  }
0x244: {  	s3 =	spop (v2sf)  }
0x245: {  	s28 =	sand.u32 $0xFFFFF80, s3  }
0x246: {  	s4 =	sadd.s32 s0, s28;
	[tilespmem:v42+s19+$0x0] =	vst.idx.msk $0xffff, v41  }
0x247: {  	[tilespmem:s11], [sflag:$0x2] =	stream.strided.gather [hbm4b:s4+s9], $0x2000, s8, s9, $0x38;
	[tilespmem:$0x18200] =	vst v63  }
0x248: {  	_ =	swait.ge [sflag:s21], $0x2000  }
0x249: {  	[sflag:s21] =	ssyncset.done $0x0  }
0x24a: {  	[sflag:s21] =	ssyncadd.s32 $0xFFFFE000  }
0x24b: {  	s29 =	sld [smem:$0x2];
	_ =	sdelay $0x2  }
0x24c: {  	s28 =	sadd.s32 $0xFFFFFFF3, s1;
	v56 =	vadd.s32 s29, v0  }
0x24d: {  	v57 =	vmov s28  }
0x24e: {  	v58 =	vshll.u32 v57, $0x3  }
0x24f: {  	v43 =	vand.u32 $0xFFFFFC00, v58;
	v42 =	vand.u32 $0x7A, v57  }
0x250: {  	v42 =	vor.u32 v42, v43  }
0x251: {  	v43 =	vadd.s32 v1, v42;
	v41 =	vld.idx.msk [tilespmem:v56+s12+$0x0], $0xffff  }
0x252: {  	v59 =	vadd.s32 s29, v2;
	_ =	sdelay $0x3  }
0x253: {  	[tilespmem:v43+s19+$0x0] =	vst.idx.msk $0xffff, v41  }
0x254: {  	v60 =	vadd.s32 v3, v42;
	v41 =	vld.idx.msk [tilespmem:v59+s12+$0x0], $0xffff  }
0x255: {  	v61 =	vadd.s32 s29, v4;
	_ =	sdelay $0x3  }
0x256: {  	[tilespmem:v60+s19+$0x0] =	vst.idx.msk $0xffff, v41  }
0x257: {  	v62 =	vadd.s32 v5, v42;
	v41 =	vld.idx.msk [tilespmem:v61+s12+$0x0], $0xffff  }
0x258: {  	v63 =	vadd.s32 s29, v6;
	_ =	sdelay $0x3  }
0x259: {  	[tilespmem:v62+s19+$0x0] =	vst.idx.msk $0xffff, v41  }
0x25a: {  	v42 =	vadd.s32 v7, v42;
	v41 =	vld.idx.msk [tilespmem:v63+s12+$0x0], $0xffff;
	_ =	sdelay $0x4  }
0x25b: {  	[tilespmem:v42+s19+$0x0] =	vst.idx.msk $0xffff, v41  }
.LBB2_5:
0x25c: {  	(v2sf) =	vpush v40, $0x2;
	_ =	sdelay $0xd  }
.Ltmp6:
0x25d: {  	_ = 	snop;
	(pc) =	sbr.rel @!p0 .LBB2_6-.Ltmp6, $4  }
0x25e: {  	s29 =	sand.u32 $0x7F, s3;
	s4 =	spop (v2sf)  }
0x25f: {  	[smem:$0x1] =	sst s29;
	s28 =	sand.u32 $0xFFFFF80, s4;
	s3 =	sand.u32 $0x7F, s4  }
0x260: {  	s28 =	sadd.s32 s0, s28;
	[smem:$0x2] =	sst s3  }
0x261: {  	[tilespmem:s12], [sflag:$0x3] =	stream.strided.gather [hbm4b:s28+s9], $0x2000, s8, s9, $0x38;
	[tilespmem:$0x18200] =	vst v63  }
0x262: {  	(v2sf) =	vpush v40, $0x3;
	_ =	sdelay $0xd  }
.Ltmp7:
0x263: {  	_ = 	snop;
	(pc) =	sbr.rel .LBB2_8-.Ltmp7, $4  }
0x264: {  	s4 =	spop (v2sf)  }
0x265: {  	s5 =	sand.u32 $0xFFFFF80, s4  }
0x266: {  	s5 =	sadd.s32 s0, s5  }
0x267: {  	[tilespmem:s13], [sflag:$0x4] =	stream.strided.gather [hbm4b:s5+s9], $0x2000, s8, s9, $0x38;
	[tilespmem:$0x18200] =	vst v63  }
.LBB2_6:
0x268: {  	_ =	swait.ge [sflag:s22], $0x2000  }
0x269: {  	[sflag:s22] =	ssyncset.done $0x0  }
0x26a: {  	[sflag:s22] =	ssyncadd.s32 $0xFFFFE000  }
0x26b: {  	s4 =	sld [smem:$0x3];
	_ =	sdelay $0x2  }
0x26c: {  	s28 =	sadd.s32 $0xFFFFFFF4, s1;
	v41 =	vadd.s32 s4, v0  }
0x26d: {  	v42 =	vmov s28  }
0x26e: {  	v43 =	vshll.u32 v42, $0x3  }
0x26f: {  	v42 =	vand.u32 $0x7B, v42;
	v43 =	vand.u32 $0xFFFFFC00, v43  }
0x270: {  	v42 =	vor.u32 v42, v43  }
0x271: {  	v43 =	vadd.s32 v1, v42;
	v41 =	vld.idx.msk [tilespmem:v41+s13+$0x0], $0xffff  }
0x272: {  	v44 =	vadd.s32 s4, v2;
	_ =	sdelay $0x3  }
0x273: {  	[tilespmem:v43+s19+$0x0] =	vst.idx.msk $0xffff, v41  }
0x274: {  	(v2sf) =	vpush v40, $0x3;
	v52 =	vadd.s32 v3, v42;
	v41 =	vld.idx.msk [tilespmem:v44+s13+$0x0], $0xffff  }
0x275: {  	v53 =	vadd.s32 s4, v4;
	_ =	sdelay $0x3  }
0x276: {  	[tilespmem:v52+s19+$0x0] =	vst.idx.msk $0xffff, v41  }
0x277: {  	v54 =	vadd.s32 v5, v42;
	v41 =	vld.idx.msk [tilespmem:v53+s13+$0x0], $0xffff  }
0x278: {  	v55 =	vadd.s32 s4, v6;
	_ =	sdelay $0x3  }
0x279: {  	[tilespmem:v54+s19+$0x0] =	vst.idx.msk $0xffff, v41  }
0x27a: {  	v42 =	vadd.s32 v7, v42;
	v41 =	vld.idx.msk [tilespmem:v55+s13+$0x0], $0xffff;
	_ =	sdelay $0x2  }
0x27b: {  	s4 =	spop (v2sf)  }
0x27c: {  	s5 =	sand.u32 $0xFFFFF80, s4  }
0x27d: {  	s28 =	sadd.s32 s0, s5;
	[tilespmem:v42+s19+$0x0] =	vst.idx.msk $0xffff, v41  }
0x27e: {  	[tilespmem:s13], [sflag:$0x4] =	stream.strided.gather [hbm4b:s28+s9], $0x2000, s8, s9, $0x38;
	[tilespmem:$0x18200] =	vst v63  }
0x27f: {  	_ =	swait.ge [sflag:s23], $0x2000  }
0x280: {  	[sflag:s23] =	ssyncset.done $0x0  }
0x281: {  	[sflag:s23] =	ssyncadd.s32 $0xFFFFE000  }
0x282: {  	s6 =	sld [smem:$0x4];
	_ =	sdelay $0x2  }
0x283: {  	s5 =	sadd.s32 $0xFFFFFFF5, s1;
	v56 =	vadd.s32 s6, v0  }
0x284: {  	v57 =	vmov s5  }
0x285: {  	v58 =	vshll.u32 v57, $0x3  }
0x286: {  	v43 =	vand.u32 $0xFFFFFC00, v58;
	v42 =	vand.u32 $0x7C, v57  }
0x287: {  	v42 =	vor.u32 v42, v43  }
0x288: {  	v43 =	vadd.s32 v1, v42;
	v41 =	vld.idx.msk [tilespmem:v56+s14+$0x0], $0xffff  }
0x289: {  	v59 =	vadd.s32 s6, v2;
	_ =	sdelay $0x3  }
0x28a: {  	[tilespmem:v43+s19+$0x0] =	vst.idx.msk $0xffff, v41  }
0x28b: {  	v60 =	vadd.s32 v3, v42;
	v41 =	vld.idx.msk [tilespmem:v59+s14+$0x0], $0xffff  }
0x28c: {  	v61 =	vadd.s32 s6, v4;
	_ =	sdelay $0x3  }
0x28d: {  	[tilespmem:v60+s19+$0x0] =	vst.idx.msk $0xffff, v41  }
0x28e: {  	v62 =	vadd.s32 v5, v42;
	v41 =	vld.idx.msk [tilespmem:v61+s14+$0x0], $0xffff  }
0x28f: {  	v63 =	vadd.s32 s6, v6;
	_ =	sdelay $0x3  }
0x290: {  	[tilespmem:v62+s19+$0x0] =	vst.idx.msk $0xffff, v41  }
0x291: {  	v42 =	vadd.s32 v7, v42;
	v41 =	vld.idx.msk [tilespmem:v63+s14+$0x0], $0xffff;
	_ =	sdelay $0x4  }
0x292: {  	[tilespmem:v42+s19+$0x0] =	vst.idx.msk $0xffff, v41  }
.LBB2_8:
0x293: {  	(v2sf) =	vpush v40, $0x4;
	_ =	sdelay $0xe  }
0x294: {  	s5 =	spop (v2sf)  }
.Ltmp8:
0x295: {  	s28 =	sand.u32 $0xFFFFF80, s5;
	(pc) =	sbr.rel @p0 .LBB2_10-.Ltmp8, $4  }
0x296: {  	s4 =	sand.u32 $0x7F, s4;
	s28 =	sadd.s32 s0, s28  }
0x297: {  	[tilespmem:s14], [sflag:$0x5] =	stream.strided.gather [hbm4b:s28+s9], $0x2000, s8, s9, $0x38;
	[tilespmem:$0x18200] =	vst v63  }
0x298: {  	[smem:$0x3] =	sst s4;
	s28 =	sand.u32 $0x7F, s5  }
0x299: {  	[smem:$0x4] =	sst s28  }
0x29a: {  	_ =	swait.ge [sflag:s24], $0x2000  }
0x29b: {  	[sflag:s24] =	ssyncset.done $0x0  }
0x29c: {  	[sflag:s24] =	ssyncadd.s32 $0xFFFFE000  }
0x29d: {  	s4 =	sld [smem:$0x5];
	_ =	sdelay $0x2  }
0x29e: {  	s5 =	sadd.s32 $0xFFFFFFF6, s1;
	v41 =	vadd.s32 s4, v0  }
0x29f: {  	v42 =	vmov s5  }
0x2a0: {  	v43 =	vshll.u32 v42, $0x3  }
0x2a1: {  	v42 =	vand.u32 $0x7D, v42;
	v43 =	vand.u32 $0xFFFFFC00, v43  }
0x2a2: {  	v42 =	vor.u32 v42, v43  }
0x2a3: {  	v43 =	vadd.s32 v1, v42;
	v41 =	vld.idx.msk [tilespmem:v41+s15+$0x0], $0xffff  }
0x2a4: {  	v44 =	vadd.s32 s4, v2;
	_ =	sdelay $0x3  }
0x2a5: {  	[tilespmem:v43+s19+$0x0] =	vst.idx.msk $0xffff, v41  }
0x2a6: {  	(v2sf) =	vpush v40, $0x5;
	v52 =	vadd.s32 v3, v42;
	v41 =	vld.idx.msk [tilespmem:v44+s15+$0x0], $0xffff  }
0x2a7: {  	v53 =	vadd.s32 s4, v4;
	_ =	sdelay $0x3  }
0x2a8: {  	[tilespmem:v52+s19+$0x0] =	vst.idx.msk $0xffff, v41  }
0x2a9: {  	v54 =	vadd.s32 v5, v42;
	v41 =	vld.idx.msk [tilespmem:v53+s15+$0x0], $0xffff  }
0x2aa: {  	v55 =	vadd.s32 s4, v6;
	_ =	sdelay $0x3  }
0x2ab: {  	[tilespmem:v54+s19+$0x0] =	vst.idx.msk $0xffff, v41  }
0x2ac: {  	v42 =	vadd.s32 v7, v42;
	v41 =	vld.idx.msk [tilespmem:v55+s15+$0x0], $0xffff;
	_ =	sdelay $0x2  }
0x2ad: {  	s4 =	spop (v2sf)  }
0x2ae: {  	s28 =	sand.u32 $0xFFFFF80, s4  }
0x2af: {  	s5 =	sadd.s32 s0, s28;
	[tilespmem:v42+s19+$0x0] =	vst.idx.msk $0xffff, v41  }
0x2b0: {  	[tilespmem:s15], [sflag:$0x6] =	stream.strided.gather [hbm4b:s5+s9], $0x2000, s8, s9, $0x38;
	[tilespmem:$0x18200] =	vst v63  }
0x2b1: {  	_ =	swait.ge [sflag:s25], $0x2000  }
0x2b2: {  	[sflag:s25] =	ssyncset.done $0x0  }
0x2b3: {  	[sflag:s25] =	ssyncadd.s32 $0xFFFFE000  }
0x2b4: {  	s6 =	sld [smem:$0x6];
	_ =	sdelay $0x2  }
0x2b5: {  	s28 =	sadd.s32 $0xFFFFFFF7, s1;
	v56 =	vadd.s32 s6, v0  }
0x2b6: {  	v57 =	vmov s28  }
0x2b7: {  	v58 =	vshll.u32 v57, $0x3  }
0x2b8: {  	v43 =	vand.u32 $0xFFFFFC00, v58;
	v42 =	vand.u32 $0x7E, v57  }
0x2b9: {  	v42 =	vor.u32 v42, v43  }
0x2ba: {  	v43 =	vadd.s32 v1, v42;
	v41 =	vld.idx.msk [tilespmem:v56+s16+$0x0], $0xffff  }
0x2bb: {  	v59 =	vadd.s32 s6, v2;
	_ =	sdelay $0x3  }
0x2bc: {  	[tilespmem:v43+s19+$0x0] =	vst.idx.msk $0xffff, v41  }
0x2bd: {  	v60 =	vadd.s32 v3, v42;
	v41 =	vld.idx.msk [tilespmem:v59+s16+$0x0], $0xffff  }
0x2be: {  	v61 =	vadd.s32 s6, v4;
	_ =	sdelay $0x3  }
0x2bf: {  	[tilespmem:v60+s19+$0x0] =	vst.idx.msk $0xffff, v41  }
0x2c0: {  	v62 =	vadd.s32 v5, v42;
	v41 =	vld.idx.msk [tilespmem:v61+s16+$0x0], $0xffff  }
0x2c1: {  	v63 =	vadd.s32 s6, v6;
	_ =	sdelay $0x3  }
0x2c2: {  	[tilespmem:v62+s19+$0x0] =	vst.idx.msk $0xffff, v41  }
0x2c3: {  	v42 =	vadd.s32 v7, v42;
	v41 =	vld.idx.msk [tilespmem:v63+s16+$0x0], $0xffff  }
.Ltmp9:
0x2c4: {  	_ = 	snop;
	(pc) =	sbr.rel .LBB2_11-.Ltmp9, $2  }
0x2c5: {  	_ =	sdelay $0x2  }
0x2c6: {  	[tilespmem:v42+s19+$0x0] =	vst.idx.msk $0xffff, v41  }
.LBB2_13:
0x2c7: {  	_ =	sfence.sel $0x180000  }
0x2c8: {  	[bflag:$0x0] =	sbarrier.arrive $0xFFFF  }
0x2c9: {  	_ =	strace $0x90000047  }
0x2ca: {  	s0 =	stileid.u32;
	[bflag:$0x2] =	sbarrier.arrive $0xFFFF  }
0x2cb: {  	p0 =	sne.s32 s0, $0x0;
	s0 =	rddreg [dreg:$0x3]  }
0x2cc: {  	s0 =	sadd.s32 @!p0 $0x100000, s0  }
0x2cd: {  	[sflag:s0] =	ssyncadd.tile.s32 @!p0 $0x1;
	_ =	shalt  }
.Lfunc_end2:
_tile_overlayer_lowered:
.L_overlay_start_2:
0x2ce: {  	(tag) =	ssettag $0x2  }
0x2cf: {  	s0 =	rddreg [dreg:$0x0];
	s2 =	stileid.u32  }
0x2d0: {  	s1 =	rddreg [dreg:$0x1];
	p0 =	sne.s32 s2, $0x0  }
0x2d1: {  	s3 =	rddreg [dreg:$0x2];
	[bflag:$0x3] =	sbarrier.arrive $0xFFFF;
	s2 =	simm.s32 @!p0 $0x1C09  }
0x2d2: {  	[timem:s3], [sflag:s2] =	dma.local @!p0 [hbm:s0], s1  }
0x2d3: {  	s0 =	simm.s32 @!p0 $0x9  }
0x2d4: {  	_ =	swait.ge @!p0 [sflag:s0], s1  }
0x2d5: {  	s1 =	ssub.s32 @!p0 $0x0, s1;
	[sflag:s0] =	ssyncset.done @!p0 $0x0  }
0x2d6: {  	[sflag:s0] =	ssyncadd.s32 @!p0 s1  }
0x2d7: {  	[bflag:$0x3] =	sbarrier.arrive $0xFFFF  }
0x2d8: {  	_ =	shalt  }

</sc_bundles>
